<compile_context>
chip_gen: v7x
topology: tpu7x:2x2x1
jax: 0.10.2.dev20260603
libtpu: 0.0.44.dev20260713+nightly
codegen_flags: <defaults>
</compile_context>

<pallas_src>
import functools

import jax
import jax.numpy as jnp
from jax import lax
from jax.experimental import pallas as pl
from jax.experimental.pallas import tpu as pltpu
from jax.experimental.pallas import tpu_sc as plsc

N = 10000
E = 320000
D = 128
G = 64

NC = 2
NS = 16
NW = NC * NS

NPAD = 10240
EPAD = 327680
EPT = EPAD // NW
ECH = 128
NCH = EPT // ECH
ROWS_PER_TILE = NPAD // NS
WB = ROWS_PER_TILE // ECH

@functools.cache
def _mesh():
    return plsc.VectorSubcoreMesh(
        core_axis_name="c", subcore_axis_name="s",
        num_cores=NC, num_subcores=NS)


@functools.cache
def _hist():
    return pl.kernel(
        _hist_body,
        out_type=jax.ShapeDtypeStruct((NW, NPAD), jnp.float32),
        mesh=_mesh(),
        scratch_types=[
            pltpu.VMEM((EPT,), jnp.int32),
            pltpu.VMEM((NPAD,), jnp.float32),
        ],
        compiler_params=pltpu.CompilerParams(needs_layout_passes=False),
    )


def _hist_body(dst_hbm, cnt_hbm, didx_v, cnt_v):
    c = lax.axis_index("c")
    s = lax.axis_index("s")
    wid = c * NS + s
    base = wid * EPT

    zeros16 = jnp.zeros((16,), jnp.float32)
    ones16 = jnp.ones((16,), jnp.float32)

    def zero_body(i, carry):
        cnt_v[pl.ds(i * 16, 16)] = zeros16
        return carry

    lax.fori_loop(0, NPAD // 16, zero_body, 0)
    pltpu.sync_copy(dst_hbm.at[pl.ds(base, EPT)], didx_v)

    def inner(j, carry2):
        iv = didx_v[pl.ds(j * 16, 16)]
        plsc.addupdate_scatter(cnt_v, [iv], ones16)
        return carry2

    lax.fori_loop(0, EPT // 16, inner, 0)
    pltpu.sync_copy(cnt_v, cnt_hbm.at[wid])


NPH = 2
CPP = NCH // NPH


@functools.cache
def _agg():
    return pl.kernel(
        _agg_body,
        out_type=jax.ShapeDtypeStruct((NC, NPAD, D), jnp.float32),
        mesh=_mesh(),
        scratch_types=[
            pltpu.VMEM((CPP, ECH), jnp.int32),
            pltpu.VMEM((CPP, ECH), jnp.int32),
            pltpu.VMEM((2, ECH, D), jnp.float32),
            pltpu.VMEM_SHARED((NPAD, D), jnp.float32),
            pltpu.SemaphoreType.DMA,
            pltpu.SemaphoreType.DMA,
        ],
        compiler_params=pltpu.CompilerParams(needs_layout_passes=False),
    )


def _agg_body(g_hbm, src_hbm, dst_hbm, out_hbm, sidx, didx, rows, acc,
              sem0, sem1):
    c = lax.axis_index("c")
    s = lax.axis_index("s")
    wid = c * NS + s
    sems = (sem0, sem1)

    zeros16 = jnp.zeros((16,), jnp.float32)

    def zero_body(i, carry):
        r = i // (D // 16)
        col = (i % (D // 16)) * 16
        rows[0, r, pl.ds(col, 16)] = zeros16
        return carry

    lax.fori_loop(0, ECH * (D // 16), zero_body, 0)
    row0 = s * ROWS_PER_TILE
    for j in range(WB):
        pltpu.sync_copy(rows.at[0], acc.at[pl.ds(row0 + j * ECH, ECH)])
    plsc.subcore_barrier()

    def fire(k, b):
        pltpu.async_copy(g_hbm.at[sidx.at[k]], rows.at[b], sems[b])

    def wait(b):
        pltpu.make_async_copy(g_hbm.at[sidx.at[0]], rows.at[b], sems[b]).wait()

    def scatter(k, b):
        pltpu.sync_copy(rows.at[b], acc.at[didx.at[k]], add=True)

    for ph in range(NPH):
        pltpu.sync_copy(src_hbm.at[wid, pl.ds(ph * CPP, CPP)], sidx)
        pltpu.sync_copy(dst_hbm.at[wid, pl.ds(ph * CPP, CPP)], didx)
        fire(0, 0)

        def step(k2, carry):
            fire(2 * k2 + 1, 1)
            wait(0)
            scatter(2 * k2, 0)

            @pl.when(2 * k2 + 2 < CPP)
            def _():
                fire(2 * k2 + 2, 0)

            wait(1)
            scatter(2 * k2 + 1, 1)
            return carry

        lax.fori_loop(0, CPP // 2, step, 0)

    plsc.subcore_barrier()
    for j in range(WB):
        pltpu.sync_copy(acc.at[pl.ds(row0 + j * ECH, ECH)], rows.at[0])
        pltpu.sync_copy(rows.at[0], out_hbm.at[c, pl.ds(row0 + j * ECH, ECH)])


BR = 1024


def _mm1_body(cnt_ref, x_ref, w_ref, g_ref, dinv_ref):
    deg = jnp.sum(cnt_ref[...], axis=0) + 1.0
    dinv = lax.rsqrt(deg)
    h = jnp.dot(x_ref[...], w_ref[...], preferred_element_type=jnp.float32)
    g_ref[...] = h * dinv[:, None]
    dinv_ref[...] = dinv


def _mm1(counts, x_p, W1):
    return pl.pallas_call(
        _mm1_body,
        grid=(NPAD // BR,),
        in_specs=[
            pl.BlockSpec((NW, BR), lambda i: (0, i)),
            pl.BlockSpec((BR, D), lambda i: (i, 0)),
            pl.BlockSpec((D, D), lambda i: (0, 0)),
        ],
        out_specs=[
            pl.BlockSpec((BR, D), lambda i: (i, 0)),
            pl.BlockSpec((BR,), lambda i: (i,)),
        ],
        out_shape=[
            jax.ShapeDtypeStruct((NPAD, D), jnp.float32),
            jax.ShapeDtypeStruct((NPAD,), jnp.float32),
        ],
    )(counts, x_p, W1)


def _mm2_body(p_ref, g_ref, dinv_ref, b_ref, w_ref, g2_ref):
    dinv = dinv_ref[...]
    o = (p_ref[0] + p_ref[1] + g_ref[...]) * dinv[:, None] + b_ref[...]
    h = jnp.maximum(o, 0.0)
    g2_ref[...] = (
        jnp.dot(h, w_ref[...], preferred_element_type=jnp.float32)
        * dinv[:, None]
    )


def _mm2(partials, g1, dinv, b1, W2):
    return pl.pallas_call(
        _mm2_body,
        grid=(NPAD // BR,),
        in_specs=[
            pl.BlockSpec((NC, BR, D), lambda i: (0, i, 0)),
            pl.BlockSpec((BR, D), lambda i: (i, 0)),
            pl.BlockSpec((BR,), lambda i: (i,)),
            pl.BlockSpec((D,), lambda i: (0,)),
            pl.BlockSpec((D, D), lambda i: (0, 0)),
        ],
        out_specs=pl.BlockSpec((BR, D), lambda i: (i, 0)),
        out_shape=jax.ShapeDtypeStruct((NPAD, D), jnp.float32),
    )(partials, g1, dinv, b1, W2)


def _fin_body(p_ref, g_ref, dinv_ref, b_ref, batch_ref, o_ref):
    i = pl.program_id(0)

    @pl.when(i == 0)
    def _():
        o_ref[...] = jnp.full((G, D), -jnp.inf, jnp.float32)

    o = (p_ref[0] + p_ref[1] + g_ref[...]) * dinv_ref[...][:, None] + b_ref[...]
    bt = batch_ref[...]
    lo = jnp.min(bt)
    hi = jnp.minimum(jnp.max(bt), G - 1) + 1

    def seg(gi, carry):
        mf = jnp.where(bt == gi, 0.0, -jnp.inf)
        mx = jnp.max(o + mf[:, None], axis=0)
        cur = o_ref[pl.ds(gi, 1), :]
        o_ref[pl.ds(gi, 1), :] = jnp.maximum(cur, mx[None, :])
        return carry

    lax.fori_loop(lo, hi, seg, 0)


def _fin(partials, g2, dinv, b2, batch_p):
    return pl.pallas_call(
        _fin_body,
        grid=(NPAD // BR,),
        in_specs=[
            pl.BlockSpec((NC, BR, D), lambda i: (0, i, 0)),
            pl.BlockSpec((BR, D), lambda i: (i, 0)),
            pl.BlockSpec((BR,), lambda i: (i,)),
            pl.BlockSpec((D,), lambda i: (0,)),
            pl.BlockSpec((BR,), lambda i: (i,)),
        ],
        out_specs=pl.BlockSpec((G, D), lambda i: (0, 0)),
        out_shape=jax.ShapeDtypeStruct((G, D), jnp.float32),
    )(partials, g2, dinv, b2, batch_p)


def kernel(x, edge_index, batch, W1, b1, W2, b2):
    src = edge_index[0]
    dst = edge_index[1]
    pad_idx = jnp.full((EPAD - E,), N, jnp.int32)
    src_f = jnp.concatenate([src, pad_idx])
    dst_f = jnp.concatenate([dst, pad_idx])
    src_p = src_f.reshape(NW, NCH, ECH)
    dst_p = dst_f.reshape(NW, NCH, ECH)
    x_p = jnp.pad(x.astype(jnp.float32), ((0, NPAD - N), (0, 0)))
    batch_p = jnp.concatenate(
        [batch, jnp.full((NPAD - N,), G, jnp.int32)])

    counts = _hist()(dst_f)
    g1, dinv = _mm1(counts, x_p, W1)
    p1 = _agg()(g1, src_p, dst_p)
    g2 = _mm2(p1, g1, dinv, b1, W2)
    p2 = _agg()(g2, src_p, dst_p)
    return _fin(p2, g2, dinv, b2, batch_p)

# --- scband reference (transcript-rebuilt; emitter-appended) ---
"""Pipeline reference for scband-graph-convolutional-network-31361851195675 (READ-ONLY COPY).

The authoritative reference and input builder live on the scoring server;
editing this copy changes nothing except your own understanding.
"""

import jax, jax.numpy as jnp
import numpy as np

N = 10000
E = 320000
D_IN = 128
D_HID = 128
D_OUT = 128
G = 64


def setup_inputs(seed: int = 0) -> dict:
    key = jax.random.key(seed)
    k1, k2, k3, k4, k5 = jax.random.split(key, 5)
    x = jax.random.normal(k1, (N, D_IN), dtype=jnp.float32)
    edge_index = jax.random.randint(k2, (2, E), 0, N, dtype=jnp.int32)
    batch = jnp.sort(jax.random.randint(k3, (N,), 0, G, dtype=jnp.int32))
    W1 = jax.random.normal(k4, (D_IN, D_HID), dtype=jnp.float32) * 0.05
    b1 = jnp.zeros((D_HID,), dtype=jnp.float32)
    W2 = jax.random.normal(k5, (D_HID, D_OUT), dtype=jnp.float32) * 0.05
    b2 = jnp.zeros((D_OUT,), dtype=jnp.float32)
    return {"x": x, "edge_index": edge_index, "batch": batch, "W1": W1, "b1": b1, "W2": W2, "b2": b2}


def _gcn_layer(x, edge_index, W, b):
    # GCN layer with added self-loops and symmetric normalization:
    # out = D^{-1/2} (A + I) D^{-1/2} X W + b
    src = edge_index[0]
    dst = edge_index[1]
    loop = jnp.arange(N, dtype=src.dtype)
    src = jnp.concatenate([src, loop])
    dst = jnp.concatenate([dst, loop])
    ones = jnp.ones(src.shape[0], dtype=x.dtype)
    deg = jax.ops.segment_sum(ones, dst, num_segments=N)
    dinv = jnp.where(deg > 0, 1.0 / jnp.sqrt(deg), 0.0)
    norm = dinv[src] * dinv[dst]
    h = x @ W
    msg = h[src] * norm[:, None]
    out = jax.ops.segment_sum(msg, dst, num_segments=N)
    return out + b


def reference(x, edge_index, batch, W1, b1, W2, b2):
    # forward of GraphConvolutionalNetwork (dropout is identity in eval mode)
    h = _gcn_layer(x.astype(jnp.float32), edge_index, W1, b1)
    h = jax.nn.relu(h)
    h = _gcn_layer(h, edge_index, W2, b2)
    # global_max_pool over batch assignment vector
    out = jax.ops.segment_max(h, batch, num_segments=G)
    return out

if __name__ == "__main__":
    import jax
    _d = setup_inputs()
    print(jax.jit(kernel)(*tuple(_d.values())))

</pallas_src>

<mosaic_0001>
#map = affine_map<(d0, d1) -> (0, 0)>
#map1 = affine_map<(d0, d1) -> (0, 0, 0)>
module attributes {stable_mosaic.version = 14 : i64} {
  func.func @_agg_body(%arg0: i32, %arg1: i32, %arg2: memref<10240x128xf32, #tpu.memory_space<hbm>>, %arg3: memref<32x80x128xi32, #tpu.memory_space<hbm>>, %arg4: memref<32x80x128xi32, #tpu.memory_space<hbm>>, %arg5: memref<2x10240x128xf32, #tpu.memory_space<hbm>>, %arg6: memref<40x128xi32, #tpu.memory_space<vmem>>, %arg7: memref<40x128xi32, #tpu.memory_space<vmem>>, %arg8: memref<2x128x128xf32, #tpu.memory_space<vmem>>, %arg9: memref<10240x128xf32, #tpu.memory_space<vmem_shared>>, %arg10: memref<!tpu.dma_semaphore, #tpu.memory_space<semaphore_mem>>, %arg11: memref<!tpu.dma_semaphore, #tpu.memory_space<semaphore_mem>>) attributes {dimension_semantics = [#tpu.dimension_semantics<core_parallel>, #tpu.dimension_semantics<subcore_parallel>], iteration_bounds = array<i64: 2, 16>, scalar_prefetch = 0 : i64, scratch_operands = 6 : i64, tpu.core_type = #tpu.core_type<sc_vector_subcore>, window_params = [{transform_indices = #map}, {transform_indices = #map1}, {transform_indices = #map1}, {transform_indices = #map1}]} {
    %mul3A = arith.constant 16 : i32
    %mul3A_0 = arith.muli %arg0, %mul3A : i32
    %add3A = arith.addi %mul3A_0, %arg1 : i32
    %broadcast_in_dim3A = arith.constant 0.000000e+00 : f32
    %broadcast_in_dim3A_1 = vector.broadcast %broadcast_in_dim3A : f32 to vector<16xf32>
    %scan3A = arith.constant 0 : i32
    %scan3A_2 = arith.constant 0 : i32
    %scan3A_3 = arith.constant 1024 : i32
    %scan3A_4 = arith.addi %scan3A_2, %scan3A_3 : i32
    %scan3A_5 = arith.constant 1 : i32
    scf.for %scan3A_89 = %scan3A_2 to %scan3A_4 step %scan3A_5  : i32 {
      %jit3A = arith.constant 8 : i32
      %div3A = arith.divsi %scan3A_89, %jit3A : i32
      %sign3A = arith.constant 0 : i32
      %sign3A_90 = arith.cmpi sgt, %scan3A_89, %sign3A : i32
      %sign3A_91 = arith.extui %sign3A_90 : i1 to i32
      %sign3A_92 = arith.constant 0 : i32
      %sign3A_93 = arith.cmpi slt, %scan3A_89, %sign3A_92 : i32
      %sign3A_94 = arith.extui %sign3A_93 : i1 to i32
      %sign3A_95 = arith.subi %sign3A_91, %sign3A_94 : i32
      %sign3A_96 = arith.constant 0 : i32
      %sign3A_97 = arith.cmpi sgt, %jit3A, %sign3A_96 : i32
      %sign3A_98 = arith.extui %sign3A_97 : i1 to i32
      %sign3A_99 = arith.constant 0 : i32
      %sign3A_100 = arith.cmpi slt, %jit3A, %sign3A_99 : i32
      %sign3A_101 = arith.extui %sign3A_100 : i1 to i32
      %sign3A_102 = arith.subi %sign3A_98, %sign3A_101 : i32
      %ne3A = arith.cmpi ne, %sign3A_95, %sign3A_102 : i32
      %rem3A = arith.remsi %scan3A_89, %jit3A : i32
      %ne3A_103 = arith.constant 0 : i32
      %ne3A_104 = arith.cmpi ne, %rem3A, %ne3A_103 : i32
      %and3A = arith.andi %ne3A, %ne3A_104 : i1
      %sub3A = arith.constant 1 : i32
      %sub3A_105 = arith.subi %div3A, %sub3A : i32
      %select_n3A = arith.select %and3A, %sub3A_105, %div3A : i32
      %jit3A_106 = arith.constant 8 : i32
      %eq3A = arith.constant 0 : i32
      %eq3A_107 = arith.cmpi eq, %jit3A_106, %eq3A : i32
      %jit3A_108 = arith.constant 1 : i32
      %select_n3A_109 = arith.select %eq3A_107, %jit3A_108, %jit3A_106 : i32
      %rem3A_110 = arith.remsi %scan3A_89, %select_n3A_109 : i32
      %ne3A_111 = arith.constant 0 : i32
      %ne3A_112 = arith.cmpi ne, %rem3A_110, %ne3A_111 : i32
      %lt3A = arith.constant 0 : i32
      %lt3A_113 = arith.cmpi slt, %rem3A_110, %lt3A : i32
      %lt3A_114 = arith.constant 0 : i32
      %lt3A_115 = arith.cmpi slt, %select_n3A_109, %lt3A_114 : i32
      %ne3A_116 = arith.xori %lt3A_113, %lt3A_115 : i1
      %and3A_117 = arith.andi %ne3A_116, %ne3A_112 : i1
      %add3A_118 = arith.addi %rem3A_110, %select_n3A_109 : i32
      %select_n3A_119 = arith.select %and3A_117, %add3A_118, %rem3A_110 : i32
      %mul3A_120 = arith.constant 16 : i32
      %mul3A_121 = arith.muli %select_n3A_119, %mul3A_120 : i32
      %swap3A = arith.constant 0 : i32
      %swap3A_122 = arith.index_cast %swap3A : i32 to index
      %swap3A_123 = arith.index_cast %select_n3A : i32 to index
      %swap3A_124 = arith.index_cast %mul3A_121 : i32 to index
      %swap3A_125 = tpu.vector_load %arg8[%swap3A_122, %swap3A_123, %swap3A_124] {strides = array<i32>} : memref<2x128x128xf32, #tpu.memory_space<vmem>>, vector<16xf32>,
      tpu.vector_store %arg8[%swap3A_122, %swap3A_123, %swap3A_124], %broadcast_in_dim3A_1 {strides = array<i32>} : memref<2x128x128xf32, #tpu.memory_space<vmem>>, vector<16xf32>,
    }
    %scan3A_6 = arith.constant 1024 : i32
    %mul3A_7 = arith.constant 640 : i32
    %mul3A_8 = arith.muli %arg1, %mul3A_7 : i32
    %add3A_9 = arith.constant 0 : i32
    %add3A_10 = arith.addi %mul3A_8, %add3A_9 : i32
    %run_scoped3A = arith.constant 0 : i32
    "tpu.region"() ({
      %run_scoped3A_89 = tpu.sem_alloc : memref<!tpu.dma_semaphore, #tpu.memory_space<semaphore_mem>>
      %dma_start3A_90 = arith.constant 0 : i32
      %dma_start3A_91 = arith.constant 0 : i32
      %dma_start3A_92 = tpu.memref_slice %arg8[%run_scoped3A, %dma_start3A_90, %dma_start3A_91] : memref<2x128x128xf32, #tpu.memory_space<vmem>> -> memref<1x128x128xf32, #tpu.memory_space<vmem>>
      %dma_start3A_93 = tpu.memref_squeeze %dma_start3A_92 : memref<1x128x128xf32, #tpu.memory_space<vmem>> -> memref<128x128xf32, #tpu.memory_space<vmem>>
      %dma_start3A_94 = arith.constant 0 : i32
      %dma_start3A_95 = tpu.memref_slice %arg9[%add3A_10, %dma_start3A_94] : memref<10240x128xf32, #tpu.memory_space<vmem_shared>> -> memref<128x128xf32, #tpu.memory_space<vmem_shared>>
      %dma_start3A_96 = arith.constant 0 : i32
      %dma_start3A_97 = tpu.memref_slice %arg9[%add3A_10, %dma_start3A_96] : memref<10240x128xf32, #tpu.memory_space<vmem_shared>> -> memref<128x128xf32, #tpu.memory_space<vmem_shared>>
      %dma_start3A_98 = arith.constant 0 : i32
      %dma_start3A_99 = arith.constant 0 : i32
      %dma_start3A_100 = tpu.memref_slice %arg8[%run_scoped3A, %dma_start3A_98, %dma_start3A_99] : memref<2x128x128xf32, #tpu.memory_space<vmem>> -> memref<1x128x128xf32, #tpu.memory_space<vmem>>
      %dma_start3A_101 = tpu.memref_squeeze %dma_start3A_100 : memref<1x128x128xf32, #tpu.memory_space<vmem>> -> memref<128x128xf32, #tpu.memory_space<vmem>>
      tpu.enqueue_dma source(%dma_start3A_101 : memref<128x128xf32, #tpu.memory_space<vmem>>) target(%dma_start3A_97 : memref<128x128xf32, #tpu.memory_space<vmem_shared>>) target_semaphore(%run_scoped3A_89 : memref<!tpu.dma_semaphore, #tpu.memory_space<semaphore_mem>>)
      %dma_wait3A = arith.constant 0 : i32
      %dma_wait3A_102 = arith.constant 0 : i32
      %dma_wait3A_103 = tpu.memref_slice %arg8[%run_scoped3A, %dma_wait3A, %dma_wait3A_102] : memref<2x128x128xf32, #tpu.memory_space<vmem>> -> memref<1x128x128xf32, #tpu.memory_space<vmem>>
      %dma_wait3A_104 = tpu.memref_squeeze %dma_wait3A_103 : memref<1x128x128xf32, #tpu.memory_space<vmem>> -> memref<128x128xf32, #tpu.memory_space<vmem>>
      %dma_wait3A_105 = arith.constant 0 : i32
      %dma_wait3A_106 = tpu.memref_slice %arg9[%add3A_10, %dma_wait3A_105] : memref<10240x128xf32, #tpu.memory_space<vmem_shared>> -> memref<128x128xf32, #tpu.memory_space<vmem_shared>>
      %dma_wait3A_107 = arith.constant 0 : i32
      %dma_wait3A_108 = tpu.memref_slice %arg9[%add3A_10, %dma_wait3A_107] : memref<10240x128xf32, #tpu.memory_space<vmem_shared>> -> memref<128x128xf32, #tpu.memory_space<vmem_shared>>
      %dma_wait3A_109 = arith.constant 0 : i32
      %dma_wait3A_110 = arith.constant 0 : i32
      %dma_wait3A_111 = tpu.memref_slice %arg8[%run_scoped3A, %dma_wait3A_109, %dma_wait3A_110] : memref<2x128x128xf32, #tpu.memory_space<vmem>> -> memref<1x128x128xf32, #tpu.memory_space<vmem>>
      %dma_wait3A_112 = tpu.memref_squeeze %dma_wait3A_111 : memref<1x128x128xf32, #tpu.memory_space<vmem>> -> memref<128x128xf32, #tpu.memory_space<vmem>>
      tpu.wait_dma2 semaphore(%run_scoped3A_89 : memref<!tpu.dma_semaphore, #tpu.memory_space<semaphore_mem>>) src(%dma_wait3A_112 : memref<128x128xf32, #tpu.memory_space<vmem>>) dst(%dma_wait3A_108 : memref<128x128xf32, #tpu.memory_space<vmem_shared>>)
      tpu.yield
    }) : () -> ()
    %add3A_11 = arith.constant 128 : i32
    %add3A_12 = arith.addi %mul3A_8, %add3A_11 : i32
    %run_scoped3A_13 = arith.constant 0 : i32
    "tpu.region"() ({
      %run_scoped3A_89 = tpu.sem_alloc : memref<!tpu.dma_semaphore, #tpu.memory_space<semaphore_mem>>
      %dma_start3A_90 = arith.constant 0 : i32
      %dma_start3A_91 = arith.constant 0 : i32
      %dma_start3A_92 = tpu.memref_slice %arg8[%run_scoped3A_13, %dma_start3A_90, %dma_start3A_91] : memref<2x128x128xf32, #tpu.memory_space<vmem>> -> memref<1x128x128xf32, #tpu.memory_space<vmem>>
      %dma_start3A_93 = tpu.memref_squeeze %dma_start3A_92 : memref<1x128x128xf32, #tpu.memory_space<vmem>> -> memref<128x128xf32, #tpu.memory_space<vmem>>
      %dma_start3A_94 = arith.constant 0 : i32
      %dma_start3A_95 = tpu.memref_slice %arg9[%add3A_12, %dma_start3A_94] : memref<10240x128xf32, #tpu.memory_space<vmem_shared>> -> memref<128x128xf32, #tpu.memory_space<vmem_shared>>
      %dma_start3A_96 = arith.constant 0 : i32
      %dma_start3A_97 = tpu.memref_slice %arg9[%add3A_12, %dma_start3A_96] : memref<10240x128xf32, #tpu.memory_space<vmem_shared>> -> memref<128x128xf32, #tpu.memory_space<vmem_shared>>
      %dma_start3A_98 = arith.constant 0 : i32
      %dma_start3A_99 = arith.constant 0 : i32
      %dma_start3A_100 = tpu.memref_slice %arg8[%run_scoped3A_13, %dma_start3A_98, %dma_start3A_99] : memref<2x128x128xf32, #tpu.memory_space<vmem>> -> memref<1x128x128xf32, #tpu.memory_space<vmem>>
      %dma_start3A_101 = tpu.memref_squeeze %dma_start3A_100 : memref<1x128x128xf32, #tpu.memory_space<vmem>> -> memref<128x128xf32, #tpu.memory_space<vmem>>
      tpu.enqueue_dma source(%dma_start3A_101 : memref<128x128xf32, #tpu.memory_space<vmem>>) target(%dma_start3A_97 : memref<128x128xf32, #tpu.memory_space<vmem_shared>>) target_semaphore(%run_scoped3A_89 : memref<!tpu.dma_semaphore, #tpu.memory_space<semaphore_mem>>)
      %dma_wait3A = arith.constant 0 : i32
      %dma_wait3A_102 = arith.constant 0 : i32
      %dma_wait3A_103 = tpu.memref_slice %arg8[%run_scoped3A_13, %dma_wait3A, %dma_wait3A_102] : memref<2x128x128xf32, #tpu.memory_space<vmem>> -> memref<1x128x128xf32, #tpu.memory_space<vmem>>
      %dma_wait3A_104 = tpu.memref_squeeze %dma_wait3A_103 : memref<1x128x128xf32, #tpu.memory_space<vmem>> -> memref<128x128xf32, #tpu.memory_space<vmem>>
      %dma_wait3A_105 = arith.constant 0 : i32
      %dma_wait3A_106 = tpu.memref_slice %arg9[%add3A_12, %dma_wait3A_105] : memref<10240x128xf32, #tpu.memory_space<vmem_shared>> -> memref<128x128xf32, #tpu.memory_space<vmem_shared>>
      %dma_wait3A_107 = arith.constant 0 : i32
      %dma_wait3A_108 = tpu.memref_slice %arg9[%add3A_12, %dma_wait3A_107] : memref<10240x128xf32, #tpu.memory_space<vmem_shared>> -> memref<128x128xf32, #tpu.memory_space<vmem_shared>>
      %dma_wait3A_109 = arith.constant 0 : i32
      %dma_wait3A_110 = arith.constant 0 : i32
      %dma_wait3A_111 = tpu.memref_slice %arg8[%run_scoped3A_13, %dma_wait3A_109, %dma_wait3A_110] : memref<2x128x128xf32, #tpu.memory_space<vmem>> -> memref<1x128x128xf32, #tpu.memory_space<vmem>>
      %dma_wait3A_112 = tpu.memref_squeeze %dma_wait3A_111 : memref<1x128x128xf32, #tpu.memory_space<vmem>> -> memref<128x128xf32, #tpu.memory_space<vmem>>
      tpu.wait_dma2 semaphore(%run_scoped3A_89 : memref<!tpu.dma_semaphore, #tpu.memory_space<semaphore_mem>>) src(%dma_wait3A_112 : memref<128x128xf32, #tpu.memory_space<vmem>>) dst(%dma_wait3A_108 : memref<128x128xf32, #tpu.memory_space<vmem_shared>>)
      tpu.yield
    }) : () -> ()
    %add3A_14 = arith.constant 256 : i32
    %add3A_15 = arith.addi %mul3A_8, %add3A_14 : i32
    %run_scoped3A_16 = arith.constant 0 : i32
    "tpu.region"() ({
      %run_scoped3A_89 = tpu.sem_alloc : memref<!tpu.dma_semaphore, #tpu.memory_space<semaphore_mem>>
      %dma_start3A_90 = arith.constant 0 : i32
      %dma_start3A_91 = arith.constant 0 : i32
      %dma_start3A_92 = tpu.memref_slice %arg8[%run_scoped3A_16, %dma_start3A_90, %dma_start3A_91] : memref<2x128x128xf32, #tpu.memory_space<vmem>> -> memref<1x128x128xf32, #tpu.memory_space<vmem>>
      %dma_start3A_93 = tpu.memref_squeeze %dma_start3A_92 : memref<1x128x128xf32, #tpu.memory_space<vmem>> -> memref<128x128xf32, #tpu.memory_space<vmem>>
      %dma_start3A_94 = arith.constant 0 : i32
      %dma_start3A_95 = tpu.memref_slice %arg9[%add3A_15, %dma_start3A_94] : memref<10240x128xf32, #tpu.memory_space<vmem_shared>> -> memref<128x128xf32, #tpu.memory_space<vmem_shared>>
      %dma_start3A_96 = arith.constant 0 : i32
      %dma_start3A_97 = tpu.memref_slice %arg9[%add3A_15, %dma_start3A_96] : memref<10240x128xf32, #tpu.memory_space<vmem_shared>> -> memref<128x128xf32, #tpu.memory_space<vmem_shared>>
      %dma_start3A_98 = arith.constant 0 : i32
      %dma_start3A_99 = arith.constant 0 : i32
      %dma_start3A_100 = tpu.memref_slice %arg8[%run_scoped3A_16, %dma_start3A_98, %dma_start3A_99] : memref<2x128x128xf32, #tpu.memory_space<vmem>> -> memref<1x128x128xf32, #tpu.memory_space<vmem>>
      %dma_start3A_101 = tpu.memref_squeeze %dma_start3A_100 : memref<1x128x128xf32, #tpu.memory_space<vmem>> -> memref<128x128xf32, #tpu.memory_space<vmem>>
      tpu.enqueue_dma source(%dma_start3A_101 : memref<128x128xf32, #tpu.memory_space<vmem>>) target(%dma_start3A_97 : memref<128x128xf32, #tpu.memory_space<vmem_shared>>) target_semaphore(%run_scoped3A_89 : memref<!tpu.dma_semaphore, #tpu.memory_space<semaphore_mem>>)
      %dma_wait3A = arith.constant 0 : i32
      %dma_wait3A_102 = arith.constant 0 : i32
      %dma_wait3A_103 = tpu.memref_slice %arg8[%run_scoped3A_16, %dma_wait3A, %dma_wait3A_102] : memref<2x128x128xf32, #tpu.memory_space<vmem>> -> memref<1x128x128xf32, #tpu.memory_space<vmem>>
      %dma_wait3A_104 = tpu.memref_squeeze %dma_wait3A_103 : memref<1x128x128xf32, #tpu.memory_space<vmem>> -> memref<128x128xf32, #tpu.memory_space<vmem>>
      %dma_wait3A_105 = arith.constant 0 : i32
      %dma_wait3A_106 = tpu.memref_slice %arg9[%add3A_15, %dma_wait3A_105] : memref<10240x128xf32, #tpu.memory_space<vmem_shared>> -> memref<128x128xf32, #tpu.memory_space<vmem_shared>>
      %dma_wait3A_107 = arith.constant 0 : i32
      %dma_wait3A_108 = tpu.memref_slice %arg9[%add3A_15, %dma_wait3A_107] : memref<10240x128xf32, #tpu.memory_space<vmem_shared>> -> memref<128x128xf32, #tpu.memory_space<vmem_shared>>
      %dma_wait3A_109 = arith.constant 0 : i32
      %dma_wait3A_110 = arith.constant 0 : i32
      %dma_wait3A_111 = tpu.memref_slice %arg8[%run_scoped3A_16, %dma_wait3A_109, %dma_wait3A_110] : memref<2x128x128xf32, #tpu.memory_space<vmem>> -> memref<1x128x128xf32, #tpu.memory_space<vmem>>
      %dma_wait3A_112 = tpu.memref_squeeze %dma_wait3A_111 : memref<1x128x128xf32, #tpu.memory_space<vmem>> -> memref<128x128xf32, #tpu.memory_space<vmem>>
      tpu.wait_dma2 semaphore(%run_scoped3A_89 : memref<!tpu.dma_semaphore, #tpu.memory_space<semaphore_mem>>) src(%dma_wait3A_112 : memref<128x128xf32, #tpu.memory_space<vmem>>) dst(%dma_wait3A_108 : memref<128x128xf32, #tpu.memory_space<vmem_shared>>)
      tpu.yield
    }) : () -> ()
    %add3A_17 = arith.constant 384 : i32
    %add3A_18 = arith.addi %mul3A_8, %add3A_17 : i32
    %run_scoped3A_19 = arith.constant 0 : i32
    "tpu.region"() ({
      %run_scoped3A_89 = tpu.sem_alloc : memref<!tpu.dma_semaphore, #tpu.memory_space<semaphore_mem>>
      %dma_start3A_90 = arith.constant 0 : i32
      %dma_start3A_91 = arith.constant 0 : i32
      %dma_start3A_92 = tpu.memref_slice %arg8[%run_scoped3A_19, %dma_start3A_90, %dma_start3A_91] : memref<2x128x128xf32, #tpu.memory_space<vmem>> -> memref<1x128x128xf32, #tpu.memory_space<vmem>>
      %dma_start3A_93 = tpu.memref_squeeze %dma_start3A_92 : memref<1x128x128xf32, #tpu.memory_space<vmem>> -> memref<128x128xf32, #tpu.memory_space<vmem>>
      %dma_start3A_94 = arith.constant 0 : i32
      %dma_start3A_95 = tpu.memref_slice %arg9[%add3A_18, %dma_start3A_94] : memref<10240x128xf32, #tpu.memory_space<vmem_shared>> -> memref<128x128xf32, #tpu.memory_space<vmem_shared>>
      %dma_start3A_96 = arith.constant 0 : i32
      %dma_start3A_97 = tpu.memref_slice %arg9[%add3A_18, %dma_start3A_96] : memref<10240x128xf32, #tpu.memory_space<vmem_shared>> -> memref<128x128xf32, #tpu.memory_space<vmem_shared>>
      %dma_start3A_98 = arith.constant 0 : i32
      %dma_start3A_99 = arith.constant 0 : i32
      %dma_start3A_100 = tpu.memref_slice %arg8[%run_scoped3A_19, %dma_start3A_98, %dma_start3A_99] : memref<2x128x128xf32, #tpu.memory_space<vmem>> -> memref<1x128x128xf32, #tpu.memory_space<vmem>>
      %dma_start3A_101 = tpu.memref_squeeze %dma_start3A_100 : memref<1x128x128xf32, #tpu.memory_space<vmem>> -> memref<128x128xf32, #tpu.memory_space<vmem>>
      tpu.enqueue_dma source(%dma_start3A_101 : memref<128x128xf32, #tpu.memory_space<vmem>>) target(%dma_start3A_97 : memref<128x128xf32, #tpu.memory_space<vmem_shared>>) target_semaphore(%run_scoped3A_89 : memref<!tpu.dma_semaphore, #tpu.memory_space<semaphore_mem>>)
      %dma_wait3A = arith.constant 0 : i32
      %dma_wait3A_102 = arith.constant 0 : i32
      %dma_wait3A_103 = tpu.memref_slice %arg8[%run_scoped3A_19, %dma_wait3A, %dma_wait3A_102] : memref<2x128x128xf32, #tpu.memory_space<vmem>> -> memref<1x128x128xf32, #tpu.memory_space<vmem>>
      %dma_wait3A_104 = tpu.memref_squeeze %dma_wait3A_103 : memref<1x128x128xf32, #tpu.memory_space<vmem>> -> memref<128x128xf32, #tpu.memory_space<vmem>>
      %dma_wait3A_105 = arith.constant 0 : i32
      %dma_wait3A_106 = tpu.memref_slice %arg9[%add3A_18, %dma_wait3A_105] : memref<10240x128xf32, #tpu.memory_space<vmem_shared>> -> memref<128x128xf32, #tpu.memory_space<vmem_shared>>
      %dma_wait3A_107 = arith.constant 0 : i32
      %dma_wait3A_108 = tpu.memref_slice %arg9[%add3A_18, %dma_wait3A_107] : memref<10240x128xf32, #tpu.memory_space<vmem_shared>> -> memref<128x128xf32, #tpu.memory_space<vmem_shared>>
      %dma_wait3A_109 = arith.constant 0 : i32
      %dma_wait3A_110 = arith.constant 0 : i32
      %dma_wait3A_111 = tpu.memref_slice %arg8[%run_scoped3A_19, %dma_wait3A_109, %dma_wait3A_110] : memref<2x128x128xf32, #tpu.memory_space<vmem>> -> memref<1x128x128xf32, #tpu.memory_space<vmem>>
      %dma_wait3A_112 = tpu.memref_squeeze %dma_wait3A_111 : memref<1x128x128xf32, #tpu.memory_space<vmem>> -> memref<128x128xf32, #tpu.memory_space<vmem>>
      tpu.wait_dma2 semaphore(%run_scoped3A_89 : memref<!tpu.dma_semaphore, #tpu.memory_space<semaphore_mem>>) src(%dma_wait3A_112 : memref<128x128xf32, #tpu.memory_space<vmem>>) dst(%dma_wait3A_108 : memref<128x128xf32, #tpu.memory_space<vmem_shared>>)
      tpu.yield
    }) : () -> ()
    %add3A_20 = arith.constant 512 : i32
    %add3A_21 = arith.addi %mul3A_8, %add3A_20 : i32
    %run_scoped3A_22 = arith.constant 0 : i32
    "tpu.region"() ({
      %run_scoped3A_89 = tpu.sem_alloc : memref<!tpu.dma_semaphore, #tpu.memory_space<semaphore_mem>>
      %dma_start3A_90 = arith.constant 0 : i32
      %dma_start3A_91 = arith.constant 0 : i32
      %dma_start3A_92 = tpu.memref_slice %arg8[%run_scoped3A_22, %dma_start3A_90, %dma_start3A_91] : memref<2x128x128xf32, #tpu.memory_space<vmem>> -> memref<1x128x128xf32, #tpu.memory_space<vmem>>
      %dma_start3A_93 = tpu.memref_squeeze %dma_start3A_92 : memref<1x128x128xf32, #tpu.memory_space<vmem>> -> memref<128x128xf32, #tpu.memory_space<vmem>>
      %dma_start3A_94 = arith.constant 0 : i32
      %dma_start3A_95 = tpu.memref_slice %arg9[%add3A_21, %dma_start3A_94] : memref<10240x128xf32, #tpu.memory_space<vmem_shared>> -> memref<128x128xf32, #tpu.memory_space<vmem_shared>>
      %dma_start3A_96 = arith.constant 0 : i32
      %dma_start3A_97 = tpu.memref_slice %arg9[%add3A_21, %dma_start3A_96] : memref<10240x128xf32, #tpu.memory_space<vmem_shared>> -> memref<128x128xf32, #tpu.memory_space<vmem_shared>>
      %dma_start3A_98 = arith.constant 0 : i32
      %dma_start3A_99 = arith.constant 0 : i32
      %dma_start3A_100 = tpu.memref_slice %arg8[%run_scoped3A_22, %dma_start3A_98, %dma_start3A_99] : memref<2x128x128xf32, #tpu.memory_space<vmem>> -> memref<1x128x128xf32, #tpu.memory_space<vmem>>
      %dma_start3A_101 = tpu.memref_squeeze %dma_start3A_100 : memref<1x128x128xf32, #tpu.memory_space<vmem>> -> memref<128x128xf32, #tpu.memory_space<vmem>>
      tpu.enqueue_dma source(%dma_start3A_101 : memref<128x128xf32, #tpu.memory_space<vmem>>) target(%dma_start3A_97 : memref<128x128xf32, #tpu.memory_space<vmem_shared>>) target_semaphore(%run_scoped3A_89 : memref<!tpu.dma_semaphore, #tpu.memory_space<semaphore_mem>>)
      %dma_wait3A = arith.constant 0 : i32
      %dma_wait3A_102 = arith.constant 0 : i32
      %dma_wait3A_103 = tpu.memref_slice %arg8[%run_scoped3A_22, %dma_wait3A, %dma_wait3A_102] : memref<2x128x128xf32, #tpu.memory_space<vmem>> -> memref<1x128x128xf32, #tpu.memory_space<vmem>>
      %dma_wait3A_104 = tpu.memref_squeeze %dma_wait3A_103 : memref<1x128x128xf32, #tpu.memory_space<vmem>> -> memref<128x128xf32, #tpu.memory_space<vmem>>
      %dma_wait3A_105 = arith.constant 0 : i32
      %dma_wait3A_106 = tpu.memref_slice %arg9[%add3A_21, %dma_wait3A_105] : memref<10240x128xf32, #tpu.memory_space<vmem_shared>> -> memref<128x128xf32, #tpu.memory_space<vmem_shared>>
      %dma_wait3A_107 = arith.constant 0 : i32
      %dma_wait3A_108 = tpu.memref_slice %arg9[%add3A_21, %dma_wait3A_107] : memref<10240x128xf32, #tpu.memory_space<vmem_shared>> -> memref<128x128xf32, #tpu.memory_space<vmem_shared>>
      %dma_wait3A_109 = arith.constant 0 : i32
      %dma_wait3A_110 = arith.constant 0 : i32
      %dma_wait3A_111 = tpu.memref_slice %arg8[%run_scoped3A_22, %dma_wait3A_109, %dma_wait3A_110] : memref<2x128x128xf32, #tpu.memory_space<vmem>> -> memref<1x128x128xf32, #tpu.memory_space<vmem>>
      %dma_wait3A_112 = tpu.memref_squeeze %dma_wait3A_111 : memref<1x128x128xf32, #tpu.memory_space<vmem>> -> memref<128x128xf32, #tpu.memory_space<vmem>>
      tpu.wait_dma2 semaphore(%run_scoped3A_89 : memref<!tpu.dma_semaphore, #tpu.memory_space<semaphore_mem>>) src(%dma_wait3A_112 : memref<128x128xf32, #tpu.memory_space<vmem>>) dst(%dma_wait3A_108 : memref<128x128xf32, #tpu.memory_space<vmem_shared>>)
      tpu.yield
    }) : () -> ()
    %barrier3A = arith.constant 0 : index
    tpu.barrier barrier_id(%barrier3A)
    "tpu.region"() ({
      %run_scoped3A_89 = tpu.sem_alloc : memref<!tpu.dma_semaphore, #tpu.memory_space<semaphore_mem>>
      %dma_start3A_90 = arith.constant 0 : i32
      %dma_start3A_91 = arith.constant 0 : i32
      %dma_start3A_92 = tpu.memref_slice %arg3[%add3A, %dma_start3A_90, %dma_start3A_91] : memref<32x80x128xi32, #tpu.memory_space<hbm>> -> memref<1x40x128xi32, #tpu.memory_space<hbm>>
      %dma_start3A_93 = tpu.memref_squeeze %dma_start3A_92 : memref<1x40x128xi32, #tpu.memory_space<hbm>> -> memref<40x128xi32, #tpu.memory_space<hbm>>
      %dma_start3A_94 = arith.constant 0 : i32
      %dma_start3A_95 = arith.constant 0 : i32
      %dma_start3A_96 = tpu.memref_slice %arg3[%add3A, %dma_start3A_94, %dma_start3A_95] : memref<32x80x128xi32, #tpu.memory_space<hbm>> -> memref<1x40x128xi32, #tpu.memory_space<hbm>>
      %dma_start3A_97 = tpu.memref_squeeze %dma_start3A_96 : memref<1x40x128xi32, #tpu.memory_space<hbm>> -> memref<40x128xi32, #tpu.memory_space<hbm>>
      tpu.enqueue_dma source(%dma_start3A_97 : memref<40x128xi32, #tpu.memory_space<hbm>>) target(%arg6 : memref<40x128xi32, #tpu.memory_space<vmem>>) target_semaphore(%run_scoped3A_89 : memref<!tpu.dma_semaphore, #tpu.memory_space<semaphore_mem>>)
      %dma_wait3A = arith.constant 0 : i32
      %dma_wait3A_98 = arith.constant 0 : i32
      %dma_wait3A_99 = tpu.memref_slice %arg3[%add3A, %dma_wait3A, %dma_wait3A_98] : memref<32x80x128xi32, #tpu.memory_space<hbm>> -> memref<1x40x128xi32, #tpu.memory_space<hbm>>
      %dma_wait3A_100 = tpu.memref_squeeze %dma_wait3A_99 : memref<1x40x128xi32, #tpu.memory_space<hbm>> -> memref<40x128xi32, #tpu.memory_space<hbm>>
      %dma_wait3A_101 = arith.constant 0 : i32
      %dma_wait3A_102 = arith.constant 0 : i32
      %dma_wait3A_103 = tpu.memref_slice %arg3[%add3A, %dma_wait3A_101, %dma_wait3A_102] : memref<32x80x128xi32, #tpu.memory_space<hbm>> -> memref<1x40x128xi32, #tpu.memory_space<hbm>>
      %dma_wait3A_104 = tpu.memref_squeeze %dma_wait3A_103 : memref<1x40x128xi32, #tpu.memory_space<hbm>> -> memref<40x128xi32, #tpu.memory_space<hbm>>
      tpu.wait_dma2 semaphore(%run_scoped3A_89 : memref<!tpu.dma_semaphore, #tpu.memory_space<semaphore_mem>>) src(%dma_wait3A_104 : memref<40x128xi32, #tpu.memory_space<hbm>>) dst(%arg6 : memref<40x128xi32, #tpu.memory_space<vmem>>)
      tpu.yield
    }) : () -> ()
    "tpu.region"() ({
      %run_scoped3A_89 = tpu.sem_alloc : memref<!tpu.dma_semaphore, #tpu.memory_space<semaphore_mem>>
      %dma_start3A_90 = arith.constant 0 : i32
      %dma_start3A_91 = arith.constant 0 : i32
      %dma_start3A_92 = tpu.memref_slice %arg4[%add3A, %dma_start3A_90, %dma_start3A_91] : memref<32x80x128xi32, #tpu.memory_space<hbm>> -> memref<1x40x128xi32, #tpu.memory_space<hbm>>
      %dma_start3A_93 = tpu.memref_squeeze %dma_start3A_92 : memref<1x40x128xi32, #tpu.memory_space<hbm>> -> memref<40x128xi32, #tpu.memory_space<hbm>>
      %dma_start3A_94 = arith.constant 0 : i32
      %dma_start3A_95 = arith.constant 0 : i32
      %dma_start3A_96 = tpu.memref_slice %arg4[%add3A, %dma_start3A_94, %dma_start3A_95] : memref<32x80x128xi32, #tpu.memory_space<hbm>> -> memref<1x40x128xi32, #tpu.memory_space<hbm>>
      %dma_start3A_97 = tpu.memref_squeeze %dma_start3A_96 : memref<1x40x128xi32, #tpu.memory_space<hbm>> -> memref<40x128xi32, #tpu.memory_space<hbm>>
      tpu.enqueue_dma source(%dma_start3A_97 : memref<40x128xi32, #tpu.memory_space<hbm>>) target(%arg7 : memref<40x128xi32, #tpu.memory_space<vmem>>) target_semaphore(%run_scoped3A_89 : memref<!tpu.dma_semaphore, #tpu.memory_space<semaphore_mem>>)
      %dma_wait3A = arith.constant 0 : i32
      %dma_wait3A_98 = arith.constant 0 : i32
      %dma_wait3A_99 = tpu.memref_slice %arg4[%add3A, %dma_wait3A, %dma_wait3A_98] : memref<32x80x128xi32, #tpu.memory_space<hbm>> -> memref<1x40x128xi32, #tpu.memory_space<hbm>>
      %dma_wait3A_100 = tpu.memref_squeeze %dma_wait3A_99 : memref<1x40x128xi32, #tpu.memory_space<hbm>> -> memref<40x128xi32, #tpu.memory_space<hbm>>
      %dma_wait3A_101 = arith.constant 0 : i32
      %dma_wait3A_102 = arith.constant 0 : i32
      %dma_wait3A_103 = tpu.memref_slice %arg4[%add3A, %dma_wait3A_101, %dma_wait3A_102] : memref<32x80x128xi32, #tpu.memory_space<hbm>> -> memref<1x40x128xi32, #tpu.memory_space<hbm>>
      %dma_wait3A_104 = tpu.memref_squeeze %dma_wait3A_103 : memref<1x40x128xi32, #tpu.memory_space<hbm>> -> memref<40x128xi32, #tpu.memory_space<hbm>>
      tpu.wait_dma2 semaphore(%run_scoped3A_89 : memref<!tpu.dma_semaphore, #tpu.memory_space<semaphore_mem>>) src(%dma_wait3A_104 : memref<40x128xi32, #tpu.memory_space<hbm>>) dst(%arg7 : memref<40x128xi32, #tpu.memory_space<vmem>>)
      tpu.yield
    }) : () -> ()
    %dma_start3A = arith.constant 0 : i32
    %dma_start3A_23 = arith.constant 0 : i32
    %dma_start3A_24 = arith.constant 0 : i32
    %dma_start3A_25 = arith.constant 0 : i32
    %dma_start3A_26 = tpu.memref_slice %arg8[%dma_start3A_23, %dma_start3A_24, %dma_start3A_25] : memref<2x128x128xf32, #tpu.memory_space<vmem>> -> memref<1x128x128xf32, #tpu.memory_space<vmem>>
    %dma_start3A_27 = tpu.memref_squeeze %dma_start3A_26 : memref<1x128x128xf32, #tpu.memory_space<vmem>> -> memref<128x128xf32, #tpu.memory_space<vmem>>
    %dma_start3A_28 = arith.constant 0 : i32
    %dma_start3A_29 = tpu.memref_slice %arg6[%dma_start3A, %dma_start3A_28] : memref<40x128xi32, #tpu.memory_space<vmem>> -> memref<1x128xi32, #tpu.memory_space<vmem>>
    %dma_start3A_30 = tpu.memref_squeeze %dma_start3A_29 : memref<1x128xi32, #tpu.memory_space<vmem>> -> memref<128xi32, #tpu.memory_space<vmem>>
    %dma_start3A_31 = arith.constant 0 : i32
    %dma_start3A_32 = arith.constant 0 : i32
    %dma_start3A_33 = tpu.memref_slice %arg2[%dma_start3A_31, %dma_start3A_32] : memref<10240x128xf32, #tpu.memory_space<hbm>> -> memref<10240x128xf32, #tpu.memory_space<hbm>>
    tpu.enqueue_indirect_dma source(%dma_start3A_33 : memref<10240x128xf32, #tpu.memory_space<hbm>>) target(%dma_start3A_27 : memref<128x128xf32, #tpu.memory_space<vmem>>) offsets(%dma_start3A_30 : memref<128xi32, #tpu.memory_space<vmem>>) semaphore(%arg10 : memref<!tpu.dma_semaphore, #tpu.memory_space<semaphore_mem>>)
    %scan3A_34 = arith.constant 0 : i32
    %scan3A_35 = arith.constant 0 : i32
    %scan3A_36 = arith.constant 20 : i32
    %scan3A_37 = arith.addi %scan3A_35, %scan3A_36 : i32
    %scan3A_38 = arith.constant 1 : i32
    scf.for %scan3A_89 = %scan3A_35 to %scan3A_37 step %scan3A_38  : i32 {
      %mul3A_90 = arith.constant 2 : i32
      %mul3A_91 = arith.muli %mul3A_90, %scan3A_89 : i32
      %add3A_92 = arith.constant 1 : i32
      %add3A_93 = arith.addi %mul3A_91, %add3A_92 : i32
      %dma_start3A_94 = arith.constant 1 : i32
      %dma_start3A_95 = arith.constant 0 : i32
      %dma_start3A_96 = arith.constant 0 : i32
      %dma_start3A_97 = tpu.memref_slice %arg8[%dma_start3A_94, %dma_start3A_95, %dma_start3A_96] : memref<2x128x128xf32, #tpu.memory_space<vmem>> -> memref<1x128x128xf32, #tpu.memory_space<vmem>>
      %dma_start3A_98 = tpu.memref_squeeze %dma_start3A_97 : memref<1x128x128xf32, #tpu.memory_space<vmem>> -> memref<128x128xf32, #tpu.memory_space<vmem>>
      %dma_start3A_99 = arith.constant 0 : i32
      %dma_start3A_100 = tpu.memref_slice %arg6[%add3A_93, %dma_start3A_99] : memref<40x128xi32, #tpu.memory_space<vmem>> -> memref<1x128xi32, #tpu.memory_space<vmem>>
      %dma_start3A_101 = tpu.memref_squeeze %dma_start3A_100 : memref<1x128xi32, #tpu.memory_space<vmem>> -> memref<128xi32, #tpu.memory_space<vmem>>
      %dma_start3A_102 = arith.constant 0 : i32
      %dma_start3A_103 = arith.constant 0 : i32
      %dma_start3A_104 = tpu.memref_slice %arg2[%dma_start3A_102, %dma_start3A_103] : memref<10240x128xf32, #tpu.memory_space<hbm>> -> memref<10240x128xf32, #tpu.memory_space<hbm>>
      tpu.enqueue_indirect_dma source(%dma_start3A_104 : memref<10240x128xf32, #tpu.memory_space<hbm>>) target(%dma_start3A_98 : memref<128x128xf32, #tpu.memory_space<vmem>>) offsets(%dma_start3A_101 : memref<128xi32, #tpu.memory_space<vmem>>) semaphore(%arg11 : memref<!tpu.dma_semaphore, #tpu.memory_space<semaphore_mem>>)
      %dma_wait3A = arith.constant 0 : i32
      %dma_wait3A_105 = arith.constant 0 : i32
      %dma_wait3A_106 = arith.constant 0 : i32
      %dma_wait3A_107 = arith.constant 0 : i32
      %dma_wait3A_108 = tpu.memref_slice %arg8[%dma_wait3A_105, %dma_wait3A_106, %dma_wait3A_107] : memref<2x128x128xf32, #tpu.memory_space<vmem>> -> memref<1x128x128xf32, #tpu.memory_space<vmem>>
      %dma_wait3A_109 = tpu.memref_squeeze %dma_wait3A_108 : memref<1x128x128xf32, #tpu.memory_space<vmem>> -> memref<128x128xf32, #tpu.memory_space<vmem>>
      %dma_wait3A_110 = arith.constant 0 : i32
      %dma_wait3A_111 = tpu.memref_slice %arg6[%dma_wait3A, %dma_wait3A_110] : memref<40x128xi32, #tpu.memory_space<vmem>> -> memref<1x128xi32, #tpu.memory_space<vmem>>
      %dma_wait3A_112 = tpu.memref_squeeze %dma_wait3A_111 : memref<1x128xi32, #tpu.memory_space<vmem>> -> memref<128xi32, #tpu.memory_space<vmem>>
      %dma_wait3A_113 = arith.constant 0 : i32
      %dma_wait3A_114 = arith.constant 0 : i32
      %dma_wait3A_115 = tpu.memref_slice %arg2[%dma_wait3A_113, %dma_wait3A_114] : memref<10240x128xf32, #tpu.memory_space<hbm>> -> memref<10240x128xf32, #tpu.memory_space<hbm>>
      tpu.wait_indirect_dma semaphore(%arg10 : memref<!tpu.dma_semaphore, #tpu.memory_space<semaphore_mem>>) src(%dma_wait3A_115 : memref<10240x128xf32, #tpu.memory_space<hbm>>) dst(%dma_wait3A_109 : memref<128x128xf32, #tpu.memory_space<vmem>>)
      %mul3A_116 = arith.constant 2 : i32
      %mul3A_117 = arith.muli %mul3A_116, %scan3A_89 : i32
      %run_scoped3A_118 = arith.constant 0 : i32
      "tpu.region"() ({
        %run_scoped3A_142 = tpu.sem_alloc : memref<!tpu.dma_semaphore, #tpu.memory_space<semaphore_mem>>
        %dma_start3A_143 = arith.constant 0 : i32
        %dma_start3A_144 = arith.constant 0 : i32
        %dma_start3A_145 = tpu.memref_slice %arg8[%run_scoped3A_118, %dma_start3A_143, %dma_start3A_144] : memref<2x128x128xf32, #tpu.memory_space<vmem>> -> memref<1x128x128xf32, #tpu.memory_space<vmem>>
        %dma_start3A_146 = tpu.memref_squeeze %dma_start3A_145 : memref<1x128x128xf32, #tpu.memory_space<vmem>> -> memref<128x128xf32, #tpu.memory_space<vmem>>
        %dma_start3A_147 = arith.constant 0 : i32
        %dma_start3A_148 = tpu.memref_slice %arg7[%mul3A_117, %dma_start3A_147] : memref<40x128xi32, #tpu.memory_space<vmem>> -> memref<1x128xi32, #tpu.memory_space<vmem>>
        %dma_start3A_149 = tpu.memref_squeeze %dma_start3A_148 : memref<1x128xi32, #tpu.memory_space<vmem>> -> memref<128xi32, #tpu.memory_space<vmem>>
        %dma_start3A_150 = arith.constant 0 : i32
        %dma_start3A_151 = arith.constant 0 : i32
        %dma_start3A_152 = tpu.memref_slice %arg9[%dma_start3A_150, %dma_start3A_151] : memref<10240x128xf32, #tpu.memory_space<vmem_shared>> -> memref<10240x128xf32, #tpu.memory_space<vmem_shared>>
        tpu.enqueue_indirect_dma source(%dma_start3A_146 : memref<128x128xf32, #tpu.memory_space<vmem>>) target(%dma_start3A_152 : memref<10240x128xf32, #tpu.memory_space<vmem_shared>>) offsets(%dma_start3A_149 : memref<128xi32, #tpu.memory_space<vmem>>) semaphore(%run_scoped3A_142 : memref<!tpu.dma_semaphore, #tpu.memory_space<semaphore_mem>>) {add = true}
        %dma_wait3A_153 = arith.constant 0 : i32
        %dma_wait3A_154 = arith.constant 0 : i32
        %dma_wait3A_155 = tpu.memref_slice %arg8[%run_scoped3A_118, %dma_wait3A_153, %dma_wait3A_154] : memref<2x128x128xf32, #tpu.memory_space<vmem>> -> memref<1x128x128xf32, #tpu.memory_space<vmem>>
        %dma_wait3A_156 = tpu.memref_squeeze %dma_wait3A_155 : memref<1x128x128xf32, #tpu.memory_space<vmem>> -> memref<128x128xf32, #tpu.memory_space<vmem>>
        %dma_wait3A_157 = arith.constant 0 : i32
        %dma_wait3A_158 = tpu.memref_slice %arg7[%mul3A_117, %dma_wait3A_157] : memref<40x128xi32, #tpu.memory_space<vmem>> -> memref<1x128xi32, #tpu.memory_space<vmem>>
        %dma_wait3A_159 = tpu.memref_squeeze %dma_wait3A_158 : memref<1x128xi32, #tpu.memory_space<vmem>> -> memref<128xi32, #tpu.memory_space<vmem>>
        %dma_wait3A_160 = arith.constant 0 : i32
        %dma_wait3A_161 = arith.constant 0 : i32
        %dma_wait3A_162 = tpu.memref_slice %arg9[%dma_wait3A_160, %dma_wait3A_161] : memref<10240x128xf32, #tpu.memory_space<vmem_shared>> -> memref<10240x128xf32, #tpu.memory_space<vmem_shared>>
        tpu.wait_indirect_dma semaphore(%run_scoped3A_142 : memref<!tpu.dma_semaphore, #tpu.memory_space<semaphore_mem>>) src(%dma_wait3A_156 : memref<128x128xf32, #tpu.memory_space<vmem>>) dst(%dma_wait3A_162 : memref<10240x128xf32, #tpu.memory_space<vmem_shared>>)
        tpu.yield
      }) : () -> ()
      %mul3A_119 = arith.constant 2 : i32
      %mul3A_120 = arith.muli %mul3A_119, %scan3A_89 : i32
      %add3A_121 = arith.constant 2 : i32
      %add3A_122 = arith.addi %mul3A_120, %add3A_121 : i32
      %lt3A = arith.constant 40 : i32
      %lt3A_123 = arith.cmpi slt, %add3A_122, %lt3A : i32
      %convert_element_type3A = arith.extui %lt3A_123 : i1 to i32
      %cond3A = arith.constant 0 : i32
      %cond3A_124 = arith.cmpi ne, %convert_element_type3A, %cond3A : i32
      scf.if %cond3A_124 {
        %mul3A_142 = arith.constant 2 : i32
        %mul3A_143 = arith.muli %mul3A_142, %scan3A_89 : i32
        %add3A_144 = arith.constant 2 : i32
        %add3A_145 = arith.addi %mul3A_143, %add3A_144 : i32
        %dma_start3A_146 = arith.constant 0 : i32
        %dma_start3A_147 = arith.constant 0 : i32
        %dma_start3A_148 = arith.constant 0 : i32
        %dma_start3A_149 = tpu.memref_slice %arg8[%dma_start3A_146, %dma_start3A_147, %dma_start3A_148] : memref<2x128x128xf32, #tpu.memory_space<vmem>> -> memref<1x128x128xf32, #tpu.memory_space<vmem>>
        %dma_start3A_150 = tpu.memref_squeeze %dma_start3A_149 : memref<1x128x128xf32, #tpu.memory_space<vmem>> -> memref<128x128xf32, #tpu.memory_space<vmem>>
        %dma_start3A_151 = arith.constant 0 : i32
        %dma_start3A_152 = tpu.memref_slice %arg6[%add3A_145, %dma_start3A_151] : memref<40x128xi32, #tpu.memory_space<vmem>> -> memref<1x128xi32, #tpu.memory_space<vmem>>
        %dma_start3A_153 = tpu.memref_squeeze %dma_start3A_152 : memref<1x128xi32, #tpu.memory_space<vmem>> -> memref<128xi32, #tpu.memory_space<vmem>>
        %dma_start3A_154 = arith.constant 0 : i32
        %dma_start3A_155 = arith.constant 0 : i32
        %dma_start3A_156 = tpu.memref_slice %arg2[%dma_start3A_154, %dma_start3A_155] : memref<10240x128xf32, #tpu.memory_space<hbm>> -> memref<10240x128xf32, #tpu.memory_space<hbm>>
        tpu.enqueue_indirect_dma source(%dma_start3A_156 : memref<10240x128xf32, #tpu.memory_space<hbm>>) target(%dma_start3A_150 : memref<128x128xf32, #tpu.memory_space<vmem>>) offsets(%dma_start3A_153 : memref<128xi32, #tpu.memory_space<vmem>>) semaphore(%arg10 : memref<!tpu.dma_semaphore, #tpu.memory_space<semaphore_mem>>)
      } else {
      }
      %dma_wait3A_125 = arith.constant 0 : i32
      %dma_wait3A_126 = arith.constant 1 : i32
      %dma_wait3A_127 = arith.constant 0 : i32
      %dma_wait3A_128 = arith.constant 0 : i32
      %dma_wait3A_129 = tpu.memref_slice %arg8[%dma_wait3A_126, %dma_wait3A_127, %dma_wait3A_128] : memref<2x128x128xf32, #tpu.memory_space<vmem>> -> memref<1x128x128xf32, #tpu.memory_space<vmem>>
      %dma_wait3A_130 = tpu.memref_squeeze %dma_wait3A_129 : memref<1x128x128xf32, #tpu.memory_space<vmem>> -> memref<128x128xf32, #tpu.memory_space<vmem>>
      %dma_wait3A_131 = arith.constant 0 : i32
      %dma_wait3A_132 = tpu.memref_slice %arg6[%dma_wait3A_125, %dma_wait3A_131] : memref<40x128xi32, #tpu.memory_space<vmem>> -> memref<1x128xi32, #tpu.memory_space<vmem>>
      %dma_wait3A_133 = tpu.memref_squeeze %dma_wait3A_132 : memref<1x128xi32, #tpu.memory_space<vmem>> -> memref<128xi32, #tpu.memory_space<vmem>>
      %dma_wait3A_134 = arith.constant 0 : i32
      %dma_wait3A_135 = arith.constant 0 : i32
      %dma_wait3A_136 = tpu.memref_slice %arg2[%dma_wait3A_134, %dma_wait3A_135] : memref<10240x128xf32, #tpu.memory_space<hbm>> -> memref<10240x128xf32, #tpu.memory_space<hbm>>
      tpu.wait_indirect_dma semaphore(%arg11 : memref<!tpu.dma_semaphore, #tpu.memory_space<semaphore_mem>>) src(%dma_wait3A_136 : memref<10240x128xf32, #tpu.memory_space<hbm>>) dst(%dma_wait3A_130 : memref<128x128xf32, #tpu.memory_space<vmem>>)
      %mul3A_137 = arith.constant 2 : i32
      %mul3A_138 = arith.muli %mul3A_137, %scan3A_89 : i32
      %add3A_139 = arith.constant 1 : i32
      %add3A_140 = arith.addi %mul3A_138, %add3A_139 : i32
      %run_scoped3A_141 = arith.constant 1 : i32
      "tpu.region"() ({
        %run_scoped3A_142 = tpu.sem_alloc : memref<!tpu.dma_semaphore, #tpu.memory_space<semaphore_mem>>
        %dma_start3A_143 = arith.constant 0 : i32
        %dma_start3A_144 = arith.constant 0 : i32
        %dma_start3A_145 = tpu.memref_slice %arg8[%run_scoped3A_141, %dma_start3A_143, %dma_start3A_144] : memref<2x128x128xf32, #tpu.memory_space<vmem>> -> memref<1x128x128xf32, #tpu.memory_space<vmem>>
        %dma_start3A_146 = tpu.memref_squeeze %dma_start3A_145 : memref<1x128x128xf32, #tpu.memory_space<vmem>> -> memref<128x128xf32, #tpu.memory_space<vmem>>
        %dma_start3A_147 = arith.constant 0 : i32
        %dma_start3A_148 = tpu.memref_slice %arg7[%add3A_140, %dma_start3A_147] : memref<40x128xi32, #tpu.memory_space<vmem>> -> memref<1x128xi32, #tpu.memory_space<vmem>>
        %dma_start3A_149 = tpu.memref_squeeze %dma_start3A_148 : memref<1x128xi32, #tpu.memory_space<vmem>> -> memref<128xi32, #tpu.memory_space<vmem>>
        %dma_start3A_150 = arith.constant 0 : i32
        %dma_start3A_151 = arith.constant 0 : i32
        %dma_start3A_152 = tpu.memref_slice %arg9[%dma_start3A_150, %dma_start3A_151] : memref<10240x128xf32, #tpu.memory_space<vmem_shared>> -> memref<10240x128xf32, #tpu.memory_space<vmem_shared>>
        tpu.enqueue_indirect_dma source(%dma_start3A_146 : memref<128x128xf32, #tpu.memory_space<vmem>>) target(%dma_start3A_152 : memref<10240x128xf32, #tpu.memory_space<vmem_shared>>) offsets(%dma_start3A_149 : memref<128xi32, #tpu.memory_space<vmem>>) semaphore(%run_scoped3A_142 : memref<!tpu.dma_semaphore, #tpu.memory_space<semaphore_mem>>) {add = true}
        %dma_wait3A_153 = arith.constant 0 : i32
        %dma_wait3A_154 = arith.constant 0 : i32
        %dma_wait3A_155 = tpu.memref_slice %arg8[%run_scoped3A_141, %dma_wait3A_153, %dma_wait3A_154] : memref<2x128x128xf32, #tpu.memory_space<vmem>> -> memref<1x128x128xf32, #tpu.memory_space<vmem>>
        %dma_wait3A_156 = tpu.memref_squeeze %dma_wait3A_155 : memref<1x128x128xf32, #tpu.memory_space<vmem>> -> memref<128x128xf32, #tpu.memory_space<vmem>>
        %dma_wait3A_157 = arith.constant 0 : i32
        %dma_wait3A_158 = tpu.memref_slice %arg7[%add3A_140, %dma_wait3A_157] : memref<40x128xi32, #tpu.memory_space<vmem>> -> memref<1x128xi32, #tpu.memory_space<vmem>>
        %dma_wait3A_159 = tpu.memref_squeeze %dma_wait3A_158 : memref<1x128xi32, #tpu.memory_space<vmem>> -> memref<128xi32, #tpu.memory_space<vmem>>
        %dma_wait3A_160 = arith.constant 0 : i32
        %dma_wait3A_161 = arith.constant 0 : i32
        %dma_wait3A_162 = tpu.memref_slice %arg9[%dma_wait3A_160, %dma_wait3A_161] : memref<10240x128xf32, #tpu.memory_space<vmem_shared>> -> memref<10240x128xf32, #tpu.memory_space<vmem_shared>>
        tpu.wait_indirect_dma semaphore(%run_scoped3A_142 : memref<!tpu.dma_semaphore, #tpu.memory_space<semaphore_mem>>) src(%dma_wait3A_156 : memref<128x128xf32, #tpu.memory_space<vmem>>) dst(%dma_wait3A_162 : memref<10240x128xf32, #tpu.memory_space<vmem_shared>>)
        tpu.yield
      }) : () -> ()
    }
    %scan3A_39 = arith.constant 20 : i32
    "tpu.region"() ({
      %run_scoped3A_89 = tpu.sem_alloc : memref<!tpu.dma_semaphore, #tpu.memory_space<semaphore_mem>>
      %dma_start3A_90 = arith.constant 40 : i32
      %dma_start3A_91 = arith.constant 0 : i32
      %dma_start3A_92 = tpu.memref_slice %arg3[%add3A, %dma_start3A_90, %dma_start3A_91] : memref<32x80x128xi32, #tpu.memory_space<hbm>> -> memref<1x40x128xi32, #tpu.memory_space<hbm>>
      %dma_start3A_93 = tpu.memref_squeeze %dma_start3A_92 : memref<1x40x128xi32, #tpu.memory_space<hbm>> -> memref<40x128xi32, #tpu.memory_space<hbm>>
      %dma_start3A_94 = arith.constant 40 : i32
      %dma_start3A_95 = arith.constant 0 : i32
      %dma_start3A_96 = tpu.memref_slice %arg3[%add3A, %dma_start3A_94, %dma_start3A_95] : memref<32x80x128xi32, #tpu.memory_space<hbm>> -> memref<1x40x128xi32, #tpu.memory_space<hbm>>
      %dma_start3A_97 = tpu.memref_squeeze %dma_start3A_96 : memref<1x40x128xi32, #tpu.memory_space<hbm>> -> memref<40x128xi32, #tpu.memory_space<hbm>>
      tpu.enqueue_dma source(%dma_start3A_97 : memref<40x128xi32, #tpu.memory_space<hbm>>) target(%arg6 : memref<40x128xi32, #tpu.memory_space<vmem>>) target_semaphore(%run_scoped3A_89 : memref<!tpu.dma_semaphore, #tpu.memory_space<semaphore_mem>>)
      %dma_wait3A = arith.constant 40 : i32
      %dma_wait3A_98 = arith.constant 0 : i32
      %dma_wait3A_99 = tpu.memref_slice %arg3[%add3A, %dma_wait3A, %dma_wait3A_98] : memref<32x80x128xi32, #tpu.memory_space<hbm>> -> memref<1x40x128xi32, #tpu.memory_space<hbm>>
      %dma_wait3A_100 = tpu.memref_squeeze %dma_wait3A_99 : memref<1x40x128xi32, #tpu.memory_space<hbm>> -> memref<40x128xi32, #tpu.memory_space<hbm>>
      %dma_wait3A_101 = arith.constant 40 : i32
      %dma_wait3A_102 = arith.constant 0 : i32
      %dma_wait3A_103 = tpu.memref_slice %arg3[%add3A, %dma_wait3A_101, %dma_wait3A_102] : memref<32x80x128xi32, #tpu.memory_space<hbm>> -> memref<1x40x128xi32, #tpu.memory_space<hbm>>
      %dma_wait3A_104 = tpu.memref_squeeze %dma_wait3A_103 : memref<1x40x128xi32, #tpu.memory_space<hbm>> -> memref<40x128xi32, #tpu.memory_space<hbm>>
      tpu.wait_dma2 semaphore(%run_scoped3A_89 : memref<!tpu.dma_semaphore, #tpu.memory_space<semaphore_mem>>) src(%dma_wait3A_104 : memref<40x128xi32, #tpu.memory_space<hbm>>) dst(%arg6 : memref<40x128xi32, #tpu.memory_space<vmem>>)
      tpu.yield
    }) : () -> ()
    "tpu.region"() ({
      %run_scoped3A_89 = tpu.sem_alloc : memref<!tpu.dma_semaphore, #tpu.memory_space<semaphore_mem>>
      %dma_start3A_90 = arith.constant 40 : i32
      %dma_start3A_91 = arith.constant 0 : i32
      %dma_start3A_92 = tpu.memref_slice %arg4[%add3A, %dma_start3A_90, %dma_start3A_91] : memref<32x80x128xi32, #tpu.memory_space<hbm>> -> memref<1x40x128xi32, #tpu.memory_space<hbm>>
      %dma_start3A_93 = tpu.memref_squeeze %dma_start3A_92 : memref<1x40x128xi32, #tpu.memory_space<hbm>> -> memref<40x128xi32, #tpu.memory_space<hbm>>
      %dma_start3A_94 = arith.constant 40 : i32
      %dma_start3A_95 = arith.constant 0 : i32
      %dma_start3A_96 = tpu.memref_slice %arg4[%add3A, %dma_start3A_94, %dma_start3A_95] : memref<32x80x128xi32, #tpu.memory_space<hbm>> -> memref<1x40x128xi32, #tpu.memory_space<hbm>>
      %dma_start3A_97 = tpu.memref_squeeze %dma_start3A_96 : memref<1x40x128xi32, #tpu.memory_space<hbm>> -> memref<40x128xi32, #tpu.memory_space<hbm>>
      tpu.enqueue_dma source(%dma_start3A_97 : memref<40x128xi32, #tpu.memory_space<hbm>>) target(%arg7 : memref<40x128xi32, #tpu.memory_space<vmem>>) target_semaphore(%run_scoped3A_89 : memref<!tpu.dma_semaphore, #tpu.memory_space<semaphore_mem>>)
      %dma_wait3A = arith.constant 40 : i32
      %dma_wait3A_98 = arith.constant 0 : i32
      %dma_wait3A_99 = tpu.memref_slice %arg4[%add3A, %dma_wait3A, %dma_wait3A_98] : memref<32x80x128xi32, #tpu.memory_space<hbm>> -> memref<1x40x128xi32, #tpu.memory_space<hbm>>
      %dma_wait3A_100 = tpu.memref_squeeze %dma_wait3A_99 : memref<1x40x128xi32, #tpu.memory_space<hbm>> -> memref<40x128xi32, #tpu.memory_space<hbm>>
      %dma_wait3A_101 = arith.constant 40 : i32
      %dma_wait3A_102 = arith.constant 0 : i32
      %dma_wait3A_103 = tpu.memref_slice %arg4[%add3A, %dma_wait3A_101, %dma_wait3A_102] : memref<32x80x128xi32, #tpu.memory_space<hbm>> -> memref<1x40x128xi32, #tpu.memory_space<hbm>>
      %dma_wait3A_104 = tpu.memref_squeeze %dma_wait3A_103 : memref<1x40x128xi32, #tpu.memory_space<hbm>> -> memref<40x128xi32, #tpu.memory_space<hbm>>
      tpu.wait_dma2 semaphore(%run_scoped3A_89 : memref<!tpu.dma_semaphore, #tpu.memory_space<semaphore_mem>>) src(%dma_wait3A_104 : memref<40x128xi32, #tpu.memory_space<hbm>>) dst(%arg7 : memref<40x128xi32, #tpu.memory_space<vmem>>)
      tpu.yield
    }) : () -> ()
    %dma_start3A_40 = arith.constant 0 : i32
    %dma_start3A_41 = arith.constant 0 : i32
    %dma_start3A_42 = arith.constant 0 : i32
    %dma_start3A_43 = arith.constant 0 : i32
    %dma_start3A_44 = tpu.memref_slice %arg8[%dma_start3A_41, %dma_start3A_42, %dma_start3A_43] : memref<2x128x128xf32, #tpu.memory_space<vmem>> -> memref<1x128x128xf32, #tpu.memory_space<vmem>>
    %dma_start3A_45 = tpu.memref_squeeze %dma_start3A_44 : memref<1x128x128xf32, #tpu.memory_space<vmem>> -> memref<128x128xf32, #tpu.memory_space<vmem>>
    %dma_start3A_46 = arith.constant 0 : i32
    %dma_start3A_47 = tpu.memref_slice %arg6[%dma_start3A_40, %dma_start3A_46] : memref<40x128xi32, #tpu.memory_space<vmem>> -> memref<1x128xi32, #tpu.memory_space<vmem>>
    %dma_start3A_48 = tpu.memref_squeeze %dma_start3A_47 : memref<1x128xi32, #tpu.memory_space<vmem>> -> memref<128xi32, #tpu.memory_space<vmem>>
    %dma_start3A_49 = arith.constant 0 : i32
    %dma_start3A_50 = arith.constant 0 : i32
    %dma_start3A_51 = tpu.memref_slice %arg2[%dma_start3A_49, %dma_start3A_50] : memref<10240x128xf32, #tpu.memory_space<hbm>> -> memref<10240x128xf32, #tpu.memory_space<hbm>>
    tpu.enqueue_indirect_dma source(%dma_start3A_51 : memref<10240x128xf32, #tpu.memory_space<hbm>>) target(%dma_start3A_45 : memref<128x128xf32, #tpu.memory_space<vmem>>) offsets(%dma_start3A_48 : memref<128xi32, #tpu.memory_space<vmem>>) semaphore(%arg10 : memref<!tpu.dma_semaphore, #tpu.memory_space<semaphore_mem>>)
    %scan3A_52 = arith.constant 0 : i32
    %scan3A_53 = arith.constant 0 : i32
    %scan3A_54 = arith.constant 20 : i32
    %scan3A_55 = arith.addi %scan3A_53, %scan3A_54 : i32
    %scan3A_56 = arith.constant 1 : i32
    scf.for %scan3A_89 = %scan3A_53 to %scan3A_55 step %scan3A_56  : i32 {
      %mul3A_90 = arith.constant 2 : i32
      %mul3A_91 = arith.muli %mul3A_90, %scan3A_89 : i32
      %add3A_92 = arith.constant 1 : i32
      %add3A_93 = arith.addi %mul3A_91, %add3A_92 : i32
      %dma_start3A_94 = arith.constant 1 : i32
      %dma_start3A_95 = arith.constant 0 : i32
      %dma_start3A_96 = arith.constant 0 : i32
      %dma_start3A_97 = tpu.memref_slice %arg8[%dma_start3A_94, %dma_start3A_95, %dma_start3A_96] : memref<2x128x128xf32, #tpu.memory_space<vmem>> -> memref<1x128x128xf32, #tpu.memory_space<vmem>>
      %dma_start3A_98 = tpu.memref_squeeze %dma_start3A_97 : memref<1x128x128xf32, #tpu.memory_space<vmem>> -> memref<128x128xf32, #tpu.memory_space<vmem>>
      %dma_start3A_99 = arith.constant 0 : i32
      %dma_start3A_100 = tpu.memref_slice %arg6[%add3A_93, %dma_start3A_99] : memref<40x128xi32, #tpu.memory_space<vmem>> -> memref<1x128xi32, #tpu.memory_space<vmem>>
      %dma_start3A_101 = tpu.memref_squeeze %dma_start3A_100 : memref<1x128xi32, #tpu.memory_space<vmem>> -> memref<128xi32, #tpu.memory_space<vmem>>
      %dma_start3A_102 = arith.constant 0 : i32
      %dma_start3A_103 = arith.constant 0 : i32
      %dma_start3A_104 = tpu.memref_slice %arg2[%dma_start3A_102, %dma_start3A_103] : memref<10240x128xf32, #tpu.memory_space<hbm>> -> memref<10240x128xf32, #tpu.memory_space<hbm>>
      tpu.enqueue_indirect_dma source(%dma_start3A_104 : memref<10240x128xf32, #tpu.memory_space<hbm>>) target(%dma_start3A_98 : memref<128x128xf32, #tpu.memory_space<vmem>>) offsets(%dma_start3A_101 : memref<128xi32, #tpu.memory_space<vmem>>) semaphore(%arg11 : memref<!tpu.dma_semaphore, #tpu.memory_space<semaphore_mem>>)
      %dma_wait3A = arith.constant 0 : i32
      %dma_wait3A_105 = arith.constant 0 : i32
      %dma_wait3A_106 = arith.constant 0 : i32
      %dma_wait3A_107 = arith.constant 0 : i32
      %dma_wait3A_108 = tpu.memref_slice %arg8[%dma_wait3A_105, %dma_wait3A_106, %dma_wait3A_107] : memref<2x128x128xf32, #tpu.memory_space<vmem>> -> memref<1x128x128xf32, #tpu.memory_space<vmem>>
      %dma_wait3A_109 = tpu.memref_squeeze %dma_wait3A_108 : memref<1x128x128xf32, #tpu.memory_space<vmem>> -> memref<128x128xf32, #tpu.memory_space<vmem>>
      %dma_wait3A_110 = arith.constant 0 : i32
      %dma_wait3A_111 = tpu.memref_slice %arg6[%dma_wait3A, %dma_wait3A_110] : memref<40x128xi32, #tpu.memory_space<vmem>> -> memref<1x128xi32, #tpu.memory_space<vmem>>
      %dma_wait3A_112 = tpu.memref_squeeze %dma_wait3A_111 : memref<1x128xi32, #tpu.memory_space<vmem>> -> memref<128xi32, #tpu.memory_space<vmem>>
      %dma_wait3A_113 = arith.constant 0 : i32
      %dma_wait3A_114 = arith.constant 0 : i32
      %dma_wait3A_115 = tpu.memref_slice %arg2[%dma_wait3A_113, %dma_wait3A_114] : memref<10240x128xf32, #tpu.memory_space<hbm>> -> memref<10240x128xf32, #tpu.memory_space<hbm>>
      tpu.wait_indirect_dma semaphore(%arg10 : memref<!tpu.dma_semaphore, #tpu.memory_space<semaphore_mem>>) src(%dma_wait3A_115 : memref<10240x128xf32, #tpu.memory_space<hbm>>) dst(%dma_wait3A_109 : memref<128x128xf32, #tpu.memory_space<vmem>>)
      %mul3A_116 = arith.constant 2 : i32
      %mul3A_117 = arith.muli %mul3A_116, %scan3A_89 : i32
      %run_scoped3A_118 = arith.constant 0 : i32
      "tpu.region"() ({
        %run_scoped3A_142 = tpu.sem_alloc : memref<!tpu.dma_semaphore, #tpu.memory_space<semaphore_mem>>
        %dma_start3A_143 = arith.constant 0 : i32
        %dma_start3A_144 = arith.constant 0 : i32
        %dma_start3A_145 = tpu.memref_slice %arg8[%run_scoped3A_118, %dma_start3A_143, %dma_start3A_144] : memref<2x128x128xf32, #tpu.memory_space<vmem>> -> memref<1x128x128xf32, #tpu.memory_space<vmem>>
        %dma_start3A_146 = tpu.memref_squeeze %dma_start3A_145 : memref<1x128x128xf32, #tpu.memory_space<vmem>> -> memref<128x128xf32, #tpu.memory_space<vmem>>
        %dma_start3A_147 = arith.constant 0 : i32
        %dma_start3A_148 = tpu.memref_slice %arg7[%mul3A_117, %dma_start3A_147] : memref<40x128xi32, #tpu.memory_space<vmem>> -> memref<1x128xi32, #tpu.memory_space<vmem>>
        %dma_start3A_149 = tpu.memref_squeeze %dma_start3A_148 : memref<1x128xi32, #tpu.memory_space<vmem>> -> memref<128xi32, #tpu.memory_space<vmem>>
        %dma_start3A_150 = arith.constant 0 : i32
        %dma_start3A_151 = arith.constant 0 : i32
        %dma_start3A_152 = tpu.memref_slice %arg9[%dma_start3A_150, %dma_start3A_151] : memref<10240x128xf32, #tpu.memory_space<vmem_shared>> -> memref<10240x128xf32, #tpu.memory_space<vmem_shared>>
        tpu.enqueue_indirect_dma source(%dma_start3A_146 : memref<128x128xf32, #tpu.memory_space<vmem>>) target(%dma_start3A_152 : memref<10240x128xf32, #tpu.memory_space<vmem_shared>>) offsets(%dma_start3A_149 : memref<128xi32, #tpu.memory_space<vmem>>) semaphore(%run_scoped3A_142 : memref<!tpu.dma_semaphore, #tpu.memory_space<semaphore_mem>>) {add = true}
        %dma_wait3A_153 = arith.constant 0 : i32
        %dma_wait3A_154 = arith.constant 0 : i32
        %dma_wait3A_155 = tpu.memref_slice %arg8[%run_scoped3A_118, %dma_wait3A_153, %dma_wait3A_154] : memref<2x128x128xf32, #tpu.memory_space<vmem>> -> memref<1x128x128xf32, #tpu.memory_space<vmem>>
        %dma_wait3A_156 = tpu.memref_squeeze %dma_wait3A_155 : memref<1x128x128xf32, #tpu.memory_space<vmem>> -> memref<128x128xf32, #tpu.memory_space<vmem>>
        %dma_wait3A_157 = arith.constant 0 : i32
        %dma_wait3A_158 = tpu.memref_slice %arg7[%mul3A_117, %dma_wait3A_157] : memref<40x128xi32, #tpu.memory_space<vmem>> -> memref<1x128xi32, #tpu.memory_space<vmem>>
        %dma_wait3A_159 = tpu.memref_squeeze %dma_wait3A_158 : memref<1x128xi32, #tpu.memory_space<vmem>> -> memref<128xi32, #tpu.memory_space<vmem>>
        %dma_wait3A_160 = arith.constant 0 : i32
        %dma_wait3A_161 = arith.constant 0 : i32
        %dma_wait3A_162 = tpu.memref_slice %arg9[%dma_wait3A_160, %dma_wait3A_161] : memref<10240x128xf32, #tpu.memory_space<vmem_shared>> -> memref<10240x128xf32, #tpu.memory_space<vmem_shared>>
        tpu.wait_indirect_dma semaphore(%run_scoped3A_142 : memref<!tpu.dma_semaphore, #tpu.memory_space<semaphore_mem>>) src(%dma_wait3A_156 : memref<128x128xf32, #tpu.memory_space<vmem>>) dst(%dma_wait3A_162 : memref<10240x128xf32, #tpu.memory_space<vmem_shared>>)
        tpu.yield
      }) : () -> ()
      %mul3A_119 = arith.constant 2 : i32
      %mul3A_120 = arith.muli %mul3A_119, %scan3A_89 : i32
      %add3A_121 = arith.constant 2 : i32
      %add3A_122 = arith.addi %mul3A_120, %add3A_121 : i32
      %lt3A = arith.constant 40 : i32
      %lt3A_123 = arith.cmpi slt, %add3A_122, %lt3A : i32
      %convert_element_type3A = arith.extui %lt3A_123 : i1 to i32
      %cond3A = arith.constant 0 : i32
      %cond3A_124 = arith.cmpi ne, %convert_element_type3A, %cond3A : i32
      scf.if %cond3A_124 {
        %mul3A_142 = arith.constant 2 : i32
        %mul3A_143 = arith.muli %mul3A_142, %scan3A_89 : i32
        %add3A_144 = arith.constant 2 : i32
        %add3A_145 = arith.addi %mul3A_143, %add3A_144 : i32
        %dma_start3A_146 = arith.constant 0 : i32
        %dma_start3A_147 = arith.constant 0 : i32
        %dma_start3A_148 = arith.constant 0 : i32
        %dma_start3A_149 = tpu.memref_slice %arg8[%dma_start3A_146, %dma_start3A_147, %dma_start3A_148] : memref<2x128x128xf32, #tpu.memory_space<vmem>> -> memref<1x128x128xf32, #tpu.memory_space<vmem>>
        %dma_start3A_150 = tpu.memref_squeeze %dma_start3A_149 : memref<1x128x128xf32, #tpu.memory_space<vmem>> -> memref<128x128xf32, #tpu.memory_space<vmem>>
        %dma_start3A_151 = arith.constant 0 : i32
        %dma_start3A_152 = tpu.memref_slice %arg6[%add3A_145, %dma_start3A_151] : memref<40x128xi32, #tpu.memory_space<vmem>> -> memref<1x128xi32, #tpu.memory_space<vmem>>
        %dma_start3A_153 = tpu.memref_squeeze %dma_start3A_152 : memref<1x128xi32, #tpu.memory_space<vmem>> -> memref<128xi32, #tpu.memory_space<vmem>>
        %dma_start3A_154 = arith.constant 0 : i32
        %dma_start3A_155 = arith.constant 0 : i32
        %dma_start3A_156 = tpu.memref_slice %arg2[%dma_start3A_154, %dma_start3A_155] : memref<10240x128xf32, #tpu.memory_space<hbm>> -> memref<10240x128xf32, #tpu.memory_space<hbm>>
        tpu.enqueue_indirect_dma source(%dma_start3A_156 : memref<10240x128xf32, #tpu.memory_space<hbm>>) target(%dma_start3A_150 : memref<128x128xf32, #tpu.memory_space<vmem>>) offsets(%dma_start3A_153 : memref<128xi32, #tpu.memory_space<vmem>>) semaphore(%arg10 : memref<!tpu.dma_semaphore, #tpu.memory_space<semaphore_mem>>)
      } else {
      }
      %dma_wait3A_125 = arith.constant 0 : i32
      %dma_wait3A_126 = arith.constant 1 : i32
      %dma_wait3A_127 = arith.constant 0 : i32
      %dma_wait3A_128 = arith.constant 0 : i32
      %dma_wait3A_129 = tpu.memref_slice %arg8[%dma_wait3A_126, %dma_wait3A_127, %dma_wait3A_128] : memref<2x128x128xf32, #tpu.memory_space<vmem>> -> memref<1x128x128xf32, #tpu.memory_space<vmem>>
      %dma_wait3A_130 = tpu.memref_squeeze %dma_wait3A_129 : memref<1x128x128xf32, #tpu.memory_space<vmem>> -> memref<128x128xf32, #tpu.memory_space<vmem>>
      %dma_wait3A_131 = arith.constant 0 : i32
      %dma_wait3A_132 = tpu.memref_slice %arg6[%dma_wait3A_125, %dma_wait3A_131] : memref<40x128xi32, #tpu.memory_space<vmem>> -> memref<1x128xi32, #tpu.memory_space<vmem>>
      %dma_wait3A_133 = tpu.memref_squeeze %dma_wait3A_132 : memref<1x128xi32, #tpu.memory_space<vmem>> -> memref<128xi32, #tpu.memory_space<vmem>>
      %dma_wait3A_134 = arith.constant 0 : i32
      %dma_wait3A_135 = arith.constant 0 : i32
      %dma_wait3A_136 = tpu.memref_slice %arg2[%dma_wait3A_134, %dma_wait3A_135] : memref<10240x128xf32, #tpu.memory_space<hbm>> -> memref<10240x128xf32, #tpu.memory_space<hbm>>
      tpu.wait_indirect_dma semaphore(%arg11 : memref<!tpu.dma_semaphore, #tpu.memory_space<semaphore_mem>>) src(%dma_wait3A_136 : memref<10240x128xf32, #tpu.memory_space<hbm>>) dst(%dma_wait3A_130 : memref<128x128xf32, #tpu.memory_space<vmem>>)
      %mul3A_137 = arith.constant 2 : i32
      %mul3A_138 = arith.muli %mul3A_137, %scan3A_89 : i32
      %add3A_139 = arith.constant 1 : i32
      %add3A_140 = arith.addi %mul3A_138, %add3A_139 : i32
      %run_scoped3A_141 = arith.constant 1 : i32
      "tpu.region"() ({
        %run_scoped3A_142 = tpu.sem_alloc : memref<!tpu.dma_semaphore, #tpu.memory_space<semaphore_mem>>
        %dma_start3A_143 = arith.constant 0 : i32
        %dma_start3A_144 = arith.constant 0 : i32
        %dma_start3A_145 = tpu.memref_slice %arg8[%run_scoped3A_141, %dma_start3A_143, %dma_start3A_144] : memref<2x128x128xf32, #tpu.memory_space<vmem>> -> memref<1x128x128xf32, #tpu.memory_space<vmem>>
        %dma_start3A_146 = tpu.memref_squeeze %dma_start3A_145 : memref<1x128x128xf32, #tpu.memory_space<vmem>> -> memref<128x128xf32, #tpu.memory_space<vmem>>
        %dma_start3A_147 = arith.constant 0 : i32
        %dma_start3A_148 = tpu.memref_slice %arg7[%add3A_140, %dma_start3A_147] : memref<40x128xi32, #tpu.memory_space<vmem>> -> memref<1x128xi32, #tpu.memory_space<vmem>>
        %dma_start3A_149 = tpu.memref_squeeze %dma_start3A_148 : memref<1x128xi32, #tpu.memory_space<vmem>> -> memref<128xi32, #tpu.memory_space<vmem>>
        %dma_start3A_150 = arith.constant 0 : i32
        %dma_start3A_151 = arith.constant 0 : i32
        %dma_start3A_152 = tpu.memref_slice %arg9[%dma_start3A_150, %dma_start3A_151] : memref<10240x128xf32, #tpu.memory_space<vmem_shared>> -> memref<10240x128xf32, #tpu.memory_space<vmem_shared>>
        tpu.enqueue_indirect_dma source(%dma_start3A_146 : memref<128x128xf32, #tpu.memory_space<vmem>>) target(%dma_start3A_152 : memref<10240x128xf32, #tpu.memory_space<vmem_shared>>) offsets(%dma_start3A_149 : memref<128xi32, #tpu.memory_space<vmem>>) semaphore(%run_scoped3A_142 : memref<!tpu.dma_semaphore, #tpu.memory_space<semaphore_mem>>) {add = true}
        %dma_wait3A_153 = arith.constant 0 : i32
        %dma_wait3A_154 = arith.constant 0 : i32
        %dma_wait3A_155 = tpu.memref_slice %arg8[%run_scoped3A_141, %dma_wait3A_153, %dma_wait3A_154] : memref<2x128x128xf32, #tpu.memory_space<vmem>> -> memref<1x128x128xf32, #tpu.memory_space<vmem>>
        %dma_wait3A_156 = tpu.memref_squeeze %dma_wait3A_155 : memref<1x128x128xf32, #tpu.memory_space<vmem>> -> memref<128x128xf32, #tpu.memory_space<vmem>>
        %dma_wait3A_157 = arith.constant 0 : i32
        %dma_wait3A_158 = tpu.memref_slice %arg7[%add3A_140, %dma_wait3A_157] : memref<40x128xi32, #tpu.memory_space<vmem>> -> memref<1x128xi32, #tpu.memory_space<vmem>>
        %dma_wait3A_159 = tpu.memref_squeeze %dma_wait3A_158 : memref<1x128xi32, #tpu.memory_space<vmem>> -> memref<128xi32, #tpu.memory_space<vmem>>
        %dma_wait3A_160 = arith.constant 0 : i32
        %dma_wait3A_161 = arith.constant 0 : i32
        %dma_wait3A_162 = tpu.memref_slice %arg9[%dma_wait3A_160, %dma_wait3A_161] : memref<10240x128xf32, #tpu.memory_space<vmem_shared>> -> memref<10240x128xf32, #tpu.memory_space<vmem_shared>>
        tpu.wait_indirect_dma semaphore(%run_scoped3A_142 : memref<!tpu.dma_semaphore, #tpu.memory_space<semaphore_mem>>) src(%dma_wait3A_156 : memref<128x128xf32, #tpu.memory_space<vmem>>) dst(%dma_wait3A_162 : memref<10240x128xf32, #tpu.memory_space<vmem_shared>>)
        tpu.yield
      }) : () -> ()
    }
    %scan3A_57 = arith.constant 20 : i32
    %barrier3A_58 = arith.constant 0 : index
    tpu.barrier barrier_id(%barrier3A_58)
    %add3A_59 = arith.constant 0 : i32
    %add3A_60 = arith.addi %mul3A_8, %add3A_59 : i32
    %run_scoped3A_61 = arith.constant 0 : i32
    "tpu.region"() ({
      %run_scoped3A_89 = tpu.sem_alloc : memref<!tpu.dma_semaphore, #tpu.memory_space<semaphore_mem>>
      %dma_start3A_90 = arith.constant 0 : i32
      %dma_start3A_91 = arith.constant 0 : i32
      %dma_start3A_92 = tpu.memref_slice %arg8[%run_scoped3A_61, %dma_start3A_90, %dma_start3A_91] : memref<2x128x128xf32, #tpu.memory_space<vmem>> -> memref<1x128x128xf32, #tpu.memory_space<vmem>>
      %dma_start3A_93 = tpu.memref_squeeze %dma_start3A_92 : memref<1x128x128xf32, #tpu.memory_space<vmem>> -> memref<128x128xf32, #tpu.memory_space<vmem>>
      %dma_start3A_94 = arith.constant 0 : i32
      %dma_start3A_95 = tpu.memref_slice %arg9[%add3A_60, %dma_start3A_94] : memref<10240x128xf32, #tpu.memory_space<vmem_shared>> -> memref<128x128xf32, #tpu.memory_space<vmem_shared>>
      %dma_start3A_96 = arith.constant 0 : i32
      %dma_start3A_97 = arith.constant 0 : i32
      %dma_start3A_98 = tpu.memref_slice %arg8[%run_scoped3A_61, %dma_start3A_96, %dma_start3A_97] : memref<2x128x128xf32, #tpu.memory_space<vmem>> -> memref<1x128x128xf32, #tpu.memory_space<vmem>>
      %dma_start3A_99 = tpu.memref_squeeze %dma_start3A_98 : memref<1x128x128xf32, #tpu.memory_space<vmem>> -> memref<128x128xf32, #tpu.memory_space<vmem>>
      %dma_start3A_100 = arith.constant 0 : i32
      %dma_start3A_101 = tpu.memref_slice %arg9[%add3A_60, %dma_start3A_100] : memref<10240x128xf32, #tpu.memory_space<vmem_shared>> -> memref<128x128xf32, #tpu.memory_space<vmem_shared>>
      tpu.enqueue_dma source(%dma_start3A_101 : memref<128x128xf32, #tpu.memory_space<vmem_shared>>) target(%dma_start3A_99 : memref<128x128xf32, #tpu.memory_space<vmem>>) target_semaphore(%run_scoped3A_89 : memref<!tpu.dma_semaphore, #tpu.memory_space<semaphore_mem>>)
      %dma_wait3A = arith.constant 0 : i32
      %dma_wait3A_102 = arith.constant 0 : i32
      %dma_wait3A_103 = tpu.memref_slice %arg8[%run_scoped3A_61, %dma_wait3A, %dma_wait3A_102] : memref<2x128x128xf32, #tpu.memory_space<vmem>> -> memref<1x128x128xf32, #tpu.memory_space<vmem>>
      %dma_wait3A_104 = tpu.memref_squeeze %dma_wait3A_103 : memref<1x128x128xf32, #tpu.memory_space<vmem>> -> memref<128x128xf32, #tpu.memory_space<vmem>>
      %dma_wait3A_105 = arith.constant 0 : i32
      %dma_wait3A_106 = tpu.memref_slice %arg9[%add3A_60, %dma_wait3A_105] : memref<10240x128xf32, #tpu.memory_space<vmem_shared>> -> memref<128x128xf32, #tpu.memory_space<vmem_shared>>
      %dma_wait3A_107 = arith.constant 0 : i32
      %dma_wait3A_108 = arith.constant 0 : i32
      %dma_wait3A_109 = tpu.memref_slice %arg8[%run_scoped3A_61, %dma_wait3A_107, %dma_wait3A_108] : memref<2x128x128xf32, #tpu.memory_space<vmem>> -> memref<1x128x128xf32, #tpu.memory_space<vmem>>
      %dma_wait3A_110 = tpu.memref_squeeze %dma_wait3A_109 : memref<1x128x128xf32, #tpu.memory_space<vmem>> -> memref<128x128xf32, #tpu.memory_space<vmem>>
      %dma_wait3A_111 = arith.constant 0 : i32
      %dma_wait3A_112 = tpu.memref_slice %arg9[%add3A_60, %dma_wait3A_111] : memref<10240x128xf32, #tpu.memory_space<vmem_shared>> -> memref<128x128xf32, #tpu.memory_space<vmem_shared>>
      tpu.wait_dma2 semaphore(%run_scoped3A_89 : memref<!tpu.dma_semaphore, #tpu.memory_space<semaphore_mem>>) src(%dma_wait3A_112 : memref<128x128xf32, #tpu.memory_space<vmem_shared>>) dst(%dma_wait3A_110 : memref<128x128xf32, #tpu.memory_space<vmem>>)
      tpu.yield
    }) : () -> ()
    %add3A_62 = arith.constant 0 : i32
    %add3A_63 = arith.addi %mul3A_8, %add3A_62 : i32
    %run_scoped3A_64 = arith.constant 0 : i32
    "tpu.region"() ({
      %run_scoped3A_89 = tpu.sem_alloc : memref<!tpu.dma_semaphore, #tpu.memory_space<semaphore_mem>>
      %dma_start3A_90 = arith.constant 0 : i32
      %dma_start3A_91 = arith.constant 0 : i32
      %dma_start3A_92 = tpu.memref_slice %arg8[%run_scoped3A_64, %dma_start3A_90, %dma_start3A_91] : memref<2x128x128xf32, #tpu.memory_space<vmem>> -> memref<1x128x128xf32, #tpu.memory_space<vmem>>
      %dma_start3A_93 = tpu.memref_squeeze %dma_start3A_92 : memref<1x128x128xf32, #tpu.memory_space<vmem>> -> memref<128x128xf32, #tpu.memory_space<vmem>>
      %dma_start3A_94 = arith.constant 0 : i32
      %dma_start3A_95 = tpu.memref_slice %arg5[%arg0, %add3A_63, %dma_start3A_94] : memref<2x10240x128xf32, #tpu.memory_space<hbm>> -> memref<1x128x128xf32, #tpu.memory_space<hbm>>
      %dma_start3A_96 = tpu.memref_squeeze %dma_start3A_95 : memref<1x128x128xf32, #tpu.memory_space<hbm>> -> memref<128x128xf32, #tpu.memory_space<hbm>>
      %dma_start3A_97 = arith.constant 0 : i32
      %dma_start3A_98 = tpu.memref_slice %arg5[%arg0, %add3A_63, %dma_start3A_97] : memref<2x10240x128xf32, #tpu.memory_space<hbm>> -> memref<1x128x128xf32, #tpu.memory_space<hbm>>
      %dma_start3A_99 = tpu.memref_squeeze %dma_start3A_98 : memref<1x128x128xf32, #tpu.memory_space<hbm>> -> memref<128x128xf32, #tpu.memory_space<hbm>>
      %dma_start3A_100 = arith.constant 0 : i32
      %dma_start3A_101 = arith.constant 0 : i32
      %dma_start3A_102 = tpu.memref_slice %arg8[%run_scoped3A_64, %dma_start3A_100, %dma_start3A_101] : memref<2x128x128xf32, #tpu.memory_space<vmem>> -> memref<1x128x128xf32, #tpu.memory_space<vmem>>
      %dma_start3A_103 = tpu.memref_squeeze %dma_start3A_102 : memref<1x128x128xf32, #tpu.memory_space<vmem>> -> memref<128x128xf32, #tpu.memory_space<vmem>>
      tpu.enqueue_dma source(%dma_start3A_103 : memref<128x128xf32, #tpu.memory_space<vmem>>) target(%dma_start3A_99 : memref<128x128xf32, #tpu.memory_space<hbm>>) target_semaphore(%run_scoped3A_89 : memref<!tpu.dma_semaphore, #tpu.memory_space<semaphore_mem>>)
      %dma_wait3A = arith.constant 0 : i32
      %dma_wait3A_104 = arith.constant 0 : i32
      %dma_wait3A_105 = tpu.memref_slice %arg8[%run_scoped3A_64, %dma_wait3A, %dma_wait3A_104] : memref<2x128x128xf32, #tpu.memory_space<vmem>> -> memref<1x128x128xf32, #tpu.memory_space<vmem>>
      %dma_wait3A_106 = tpu.memref_squeeze %dma_wait3A_105 : memref<1x128x128xf32, #tpu.memory_space<vmem>> -> memref<128x128xf32, #tpu.memory_space<vmem>>
      %dma_wait3A_107 = arith.constant 0 : i32
      %dma_wait3A_108 = tpu.memref_slice %arg5[%arg0, %add3A_63, %dma_wait3A_107] : memref<2x10240x128xf32, #tpu.memory_space<hbm>> -> memref<1x128x128xf32, #tpu.memory_space<hbm>>
      %dma_wait3A_109 = tpu.memref_squeeze %dma_wait3A_108 : memref<1x128x128xf32, #tpu.memory_space<hbm>> -> memref<128x128xf32, #tpu.memory_space<hbm>>
      %dma_wait3A_110 = arith.constant 0 : i32
      %dma_wait3A_111 = tpu.memref_slice %arg5[%arg0, %add3A_63, %dma_wait3A_110] : memref<2x10240x128xf32, #tpu.memory_space<hbm>> -> memref<1x128x128xf32, #tpu.memory_space<hbm>>
      %dma_wait3A_112 = tpu.memref_squeeze %dma_wait3A_111 : memref<1x128x128xf32, #tpu.memory_space<hbm>> -> memref<128x128xf32, #tpu.memory_space<hbm>>
      %dma_wait3A_113 = arith.constant 0 : i32
      %dma_wait3A_114 = arith.constant 0 : i32
      %dma_wait3A_115 = tpu.memref_slice %arg8[%run_scoped3A_64, %dma_wait3A_113, %dma_wait3A_114] : memref<2x128x128xf32, #tpu.memory_space<vmem>> -> memref<1x128x128xf32, #tpu.memory_space<vmem>>
      %dma_wait3A_116 = tpu.memref_squeeze %dma_wait3A_115 : memref<1x128x128xf32, #tpu.memory_space<vmem>> -> memref<128x128xf32, #tpu.memory_space<vmem>>
      tpu.wait_dma2 semaphore(%run_scoped3A_89 : memref<!tpu.dma_semaphore, #tpu.memory_space<semaphore_mem>>) src(%dma_wait3A_116 : memref<128x128xf32, #tpu.memory_space<vmem>>) dst(%dma_wait3A_112 : memref<128x128xf32, #tpu.memory_space<hbm>>)
      tpu.yield
    }) : () -> ()
    %add3A_65 = arith.constant 128 : i32
    %add3A_66 = arith.addi %mul3A_8, %add3A_65 : i32
    %run_scoped3A_67 = arith.constant 0 : i32
    "tpu.region"() ({
      %run_scoped3A_89 = tpu.sem_alloc : memref<!tpu.dma_semaphore, #tpu.memory_space<semaphore_mem>>
      %dma_start3A_90 = arith.constant 0 : i32
      %dma_start3A_91 = arith.constant 0 : i32
      %dma_start3A_92 = tpu.memref_slice %arg8[%run_scoped3A_67, %dma_start3A_90, %dma_start3A_91] : memref<2x128x128xf32, #tpu.memory_space<vmem>> -> memref<1x128x128xf32, #tpu.memory_space<vmem>>
      %dma_start3A_93 = tpu.memref_squeeze %dma_start3A_92 : memref<1x128x128xf32, #tpu.memory_space<vmem>> -> memref<128x128xf32, #tpu.memory_space<vmem>>
      %dma_start3A_94 = arith.constant 0 : i32
      %dma_start3A_95 = tpu.memref_slice %arg9[%add3A_66, %dma_start3A_94] : memref<10240x128xf32, #tpu.memory_space<vmem_shared>> -> memref<128x128xf32, #tpu.memory_space<vmem_shared>>
      %dma_start3A_96 = arith.constant 0 : i32
      %dma_start3A_97 = arith.constant 0 : i32
      %dma_start3A_98 = tpu.memref_slice %arg8[%run_scoped3A_67, %dma_start3A_96, %dma_start3A_97] : memref<2x128x128xf32, #tpu.memory_space<vmem>> -> memref<1x128x128xf32, #tpu.memory_space<vmem>>
      %dma_start3A_99 = tpu.memref_squeeze %dma_start3A_98 : memref<1x128x128xf32, #tpu.memory_space<vmem>> -> memref<128x128xf32, #tpu.memory_space<vmem>>
      %dma_start3A_100 = arith.constant 0 : i32
      %dma_start3A_101 = tpu.memref_slice %arg9[%add3A_66, %dma_start3A_100] : memref<10240x128xf32, #tpu.memory_space<vmem_shared>> -> memref<128x128xf32, #tpu.memory_space<vmem_shared>>
      tpu.enqueue_dma source(%dma_start3A_101 : memref<128x128xf32, #tpu.memory_space<vmem_shared>>) target(%dma_start3A_99 : memref<128x128xf32, #tpu.memory_space<vmem>>) target_semaphore(%run_scoped3A_89 : memref<!tpu.dma_semaphore, #tpu.memory_space<semaphore_mem>>)
      %dma_wait3A = arith.constant 0 : i32
      %dma_wait3A_102 = arith.constant 0 : i32
      %dma_wait3A_103 = tpu.memref_slice %arg8[%run_scoped3A_67, %dma_wait3A, %dma_wait3A_102] : memref<2x128x128xf32, #tpu.memory_space<vmem>> -> memref<1x128x128xf32, #tpu.memory_space<vmem>>
      %dma_wait3A_104 = tpu.memref_squeeze %dma_wait3A_103 : memref<1x128x128xf32, #tpu.memory_space<vmem>> -> memref<128x128xf32, #tpu.memory_space<vmem>>
      %dma_wait3A_105 = arith.constant 0 : i32
      %dma_wait3A_106 = tpu.memref_slice %arg9[%add3A_66, %dma_wait3A_105] : memref<10240x128xf32, #tpu.memory_space<vmem_shared>> -> memref<128x128xf32, #tpu.memory_space<vmem_shared>>
      %dma_wait3A_107 = arith.constant 0 : i32
      %dma_wait3A_108 = arith.constant 0 : i32
      %dma_wait3A_109 = tpu.memref_slice %arg8[%run_scoped3A_67, %dma_wait3A_107, %dma_wait3A_108] : memref<2x128x128xf32, #tpu.memory_space<vmem>> -> memref<1x128x128xf32, #tpu.memory_space<vmem>>
      %dma_wait3A_110 = tpu.memref_squeeze %dma_wait3A_109 : memref<1x128x128xf32, #tpu.memory_space<vmem>> -> memref<128x128xf32, #tpu.memory_space<vmem>>
      %dma_wait3A_111 = arith.constant 0 : i32
      %dma_wait3A_112 = tpu.memref_slice %arg9[%add3A_66, %dma_wait3A_111] : memref<10240x128xf32, #tpu.memory_space<vmem_shared>> -> memref<128x128xf32, #tpu.memory_space<vmem_shared>>
      tpu.wait_dma2 semaphore(%run_scoped3A_89 : memref<!tpu.dma_semaphore, #tpu.memory_space<semaphore_mem>>) src(%dma_wait3A_112 : memref<128x128xf32, #tpu.memory_space<vmem_shared>>) dst(%dma_wait3A_110 : memref<128x128xf32, #tpu.memory_space<vmem>>)
      tpu.yield
    }) : () -> ()
    %add3A_68 = arith.constant 128 : i32
    %add3A_69 = arith.addi %mul3A_8, %add3A_68 : i32
    %run_scoped3A_70 = arith.constant 0 : i32
    "tpu.region"() ({
      %run_scoped3A_89 = tpu.sem_alloc : memref<!tpu.dma_semaphore, #tpu.memory_space<semaphore_mem>>
      %dma_start3A_90 = arith.constant 0 : i32
      %dma_start3A_91 = arith.constant 0 : i32
      %dma_start3A_92 = tpu.memref_slice %arg8[%run_scoped3A_70, %dma_start3A_90, %dma_start3A_91] : memref<2x128x128xf32, #tpu.memory_space<vmem>> -> memref<1x128x128xf32, #tpu.memory_space<vmem>>
      %dma_start3A_93 = tpu.memref_squeeze %dma_start3A_92 : memref<1x128x128xf32, #tpu.memory_space<vmem>> -> memref<128x128xf32, #tpu.memory_space<vmem>>
      %dma_start3A_94 = arith.constant 0 : i32
      %dma_start3A_95 = tpu.memref_slice %arg5[%arg0, %add3A_69, %dma_start3A_94] : memref<2x10240x128xf32, #tpu.memory_space<hbm>> -> memref<1x128x128xf32, #tpu.memory_space<hbm>>
      %dma_start3A_96 = tpu.memref_squeeze %dma_start3A_95 : memref<1x128x128xf32, #tpu.memory_space<hbm>> -> memref<128x128xf32, #tpu.memory_space<hbm>>
      %dma_start3A_97 = arith.constant 0 : i32
      %dma_start3A_98 = tpu.memref_slice %arg5[%arg0, %add3A_69, %dma_start3A_97] : memref<2x10240x128xf32, #tpu.memory_space<hbm>> -> memref<1x128x128xf32, #tpu.memory_space<hbm>>
      %dma_start3A_99 = tpu.memref_squeeze %dma_start3A_98 : memref<1x128x128xf32, #tpu.memory_space<hbm>> -> memref<128x128xf32, #tpu.memory_space<hbm>>
      %dma_start3A_100 = arith.constant 0 : i32
      %dma_start3A_101 = arith.constant 0 : i32
      %dma_start3A_102 = tpu.memref_slice %arg8[%run_scoped3A_70, %dma_start3A_100, %dma_start3A_101] : memref<2x128x128xf32, #tpu.memory_space<vmem>> -> memref<1x128x128xf32, #tpu.memory_space<vmem>>
      %dma_start3A_103 = tpu.memref_squeeze %dma_start3A_102 : memref<1x128x128xf32, #tpu.memory_space<vmem>> -> memref<128x128xf32, #tpu.memory_space<vmem>>
      tpu.enqueue_dma source(%dma_start3A_103 : memref<128x128xf32, #tpu.memory_space<vmem>>) target(%dma_start3A_99 : memref<128x128xf32, #tpu.memory_space<hbm>>) target_semaphore(%run_scoped3A_89 : memref<!tpu.dma_semaphore, #tpu.memory_space<semaphore_mem>>)
      %dma_wait3A = arith.constant 0 : i32
      %dma_wait3A_104 = arith.constant 0 : i32
      %dma_wait3A_105 = tpu.memref_slice %arg8[%run_scoped3A_70, %dma_wait3A, %dma_wait3A_104] : memref<2x128x128xf32, #tpu.memory_space<vmem>> -> memref<1x128x128xf32, #tpu.memory_space<vmem>>
      %dma_wait3A_106 = tpu.memref_squeeze %dma_wait3A_105 : memref<1x128x128xf32, #tpu.memory_space<vmem>> -> memref<128x128xf32, #tpu.memory_space<vmem>>
      %dma_wait3A_107 = arith.constant 0 : i32
      %dma_wait3A_108 = tpu.memref_slice %arg5[%arg0, %add3A_69, %dma_wait3A_107] : memref<2x10240x128xf32, #tpu.memory_space<hbm>> -> memref<1x128x128xf32, #tpu.memory_space<hbm>>
      %dma_wait3A_109 = tpu.memref_squeeze %dma_wait3A_108 : memref<1x128x128xf32, #tpu.memory_space<hbm>> -> memref<128x128xf32, #tpu.memory_space<hbm>>
      %dma_wait3A_110 = arith.constant 0 : i32
      %dma_wait3A_111 = tpu.memref_slice %arg5[%arg0, %add3A_69, %dma_wait3A_110] : memref<2x10240x128xf32, #tpu.memory_space<hbm>> -> memref<1x128x128xf32, #tpu.memory_space<hbm>>
      %dma_wait3A_112 = tpu.memref_squeeze %dma_wait3A_111 : memref<1x128x128xf32, #tpu.memory_space<hbm>> -> memref<128x128xf32, #tpu.memory_space<hbm>>
      %dma_wait3A_113 = arith.constant 0 : i32
      %dma_wait3A_114 = arith.constant 0 : i32
      %dma_wait3A_115 = tpu.memref_slice %arg8[%run_scoped3A_70, %dma_wait3A_113, %dma_wait3A_114] : memref<2x128x128xf32, #tpu.memory_space<vmem>> -> memref<1x128x128xf32, #tpu.memory_space<vmem>>
      %dma_wait3A_116 = tpu.memref_squeeze %dma_wait3A_115 : memref<1x128x128xf32, #tpu.memory_space<vmem>> -> memref<128x128xf32, #tpu.memory_space<vmem>>
      tpu.wait_dma2 semaphore(%run_scoped3A_89 : memref<!tpu.dma_semaphore, #tpu.memory_space<semaphore_mem>>) src(%dma_wait3A_116 : memref<128x128xf32, #tpu.memory_space<vmem>>) dst(%dma_wait3A_112 : memref<128x128xf32, #tpu.memory_space<hbm>>)
      tpu.yield
    }) : () -> ()
    %add3A_71 = arith.constant 256 : i32
    %add3A_72 = arith.addi %mul3A_8, %add3A_71 : i32
    %run_scoped3A_73 = arith.constant 0 : i32
    "tpu.region"() ({
      %run_scoped3A_89 = tpu.sem_alloc : memref<!tpu.dma_semaphore, #tpu.memory_space<semaphore_mem>>
      %dma_start3A_90 = arith.constant 0 : i32
      %dma_start3A_91 = arith.constant 0 : i32
      %dma_start3A_92 = tpu.memref_slice %arg8[%run_scoped3A_73, %dma_start3A_90, %dma_start3A_91] : memref<2x128x128xf32, #tpu.memory_space<vmem>> -> memref<1x128x128xf32, #tpu.memory_space<vmem>>
      %dma_start3A_93 = tpu.memref_squeeze %dma_start3A_92 : memref<1x128x128xf32, #tpu.memory_space<vmem>> -> memref<128x128xf32, #tpu.memory_space<vmem>>
      %dma_start3A_94 = arith.constant 0 : i32
      %dma_start3A_95 = tpu.memref_slice %arg9[%add3A_72, %dma_start3A_94] : memref<10240x128xf32, #tpu.memory_space<vmem_shared>> -> memref<128x128xf32, #tpu.memory_space<vmem_shared>>
      %dma_start3A_96 = arith.constant 0 : i32
      %dma_start3A_97 = arith.constant 0 : i32
      %dma_start3A_98 = tpu.memref_slice %arg8[%run_scoped3A_73, %dma_start3A_96, %dma_start3A_97] : memref<2x128x128xf32, #tpu.memory_space<vmem>> -> memref<1x128x128xf32, #tpu.memory_space<vmem>>
      %dma_start3A_99 = tpu.memref_squeeze %dma_start3A_98 : memref<1x128x128xf32, #tpu.memory_space<vmem>> -> memref<128x128xf32, #tpu.memory_space<vmem>>
      %dma_start3A_100 = arith.constant 0 : i32
      %dma_start3A_101 = tpu.memref_slice %arg9[%add3A_72, %dma_start3A_100] : memref<10240x128xf32, #tpu.memory_space<vmem_shared>> -> memref<128x128xf32, #tpu.memory_space<vmem_shared>>
      tpu.enqueue_dma source(%dma_start3A_101 : memref<128x128xf32, #tpu.memory_space<vmem_shared>>) target(%dma_start3A_99 : memref<128x128xf32, #tpu.memory_space<vmem>>) target_semaphore(%run_scoped3A_89 : memref<!tpu.dma_semaphore, #tpu.memory_space<semaphore_mem>>)
      %dma_wait3A = arith.constant 0 : i32
      %dma_wait3A_102 = arith.constant 0 : i32
      %dma_wait3A_103 = tpu.memref_slice %arg8[%run_scoped3A_73, %dma_wait3A, %dma_wait3A_102] : memref<2x128x128xf32, #tpu.memory_space<vmem>> -> memref<1x128x128xf32, #tpu.memory_space<vmem>>
      %dma_wait3A_104 = tpu.memref_squeeze %dma_wait3A_103 : memref<1x128x128xf32, #tpu.memory_space<vmem>> -> memref<128x128xf32, #tpu.memory_space<vmem>>
      %dma_wait3A_105 = arith.constant 0 : i32
      %dma_wait3A_106 = tpu.memref_slice %arg9[%add3A_72, %dma_wait3A_105] : memref<10240x128xf32, #tpu.memory_space<vmem_shared>> -> memref<128x128xf32, #tpu.memory_space<vmem_shared>>
      %dma_wait3A_107 = arith.constant 0 : i32
      %dma_wait3A_108 = arith.constant 0 : i32
      %dma_wait3A_109 = tpu.memref_slice %arg8[%run_scoped3A_73, %dma_wait3A_107, %dma_wait3A_108] : memref<2x128x128xf32, #tpu.memory_space<vmem>> -> memref<1x128x128xf32, #tpu.memory_space<vmem>>
      %dma_wait3A_110 = tpu.memref_squeeze %dma_wait3A_109 : memref<1x128x128xf32, #tpu.memory_space<vmem>> -> memref<128x128xf32, #tpu.memory_space<vmem>>
      %dma_wait3A_111 = arith.constant 0 : i32
      %dma_wait3A_112 = tpu.memref_slice %arg9[%add3A_72, %dma_wait3A_111] : memref<10240x128xf32, #tpu.memory_space<vmem_shared>> -> memref<128x128xf32, #tpu.memory_space<vmem_shared>>
      tpu.wait_dma2 semaphore(%run_scoped3A_89 : memref<!tpu.dma_semaphore, #tpu.memory_space<semaphore_mem>>) src(%dma_wait3A_112 : memref<128x128xf32, #tpu.memory_space<vmem_shared>>) dst(%dma_wait3A_110 : memref<128x128xf32, #tpu.memory_space<vmem>>)
      tpu.yield
    }) : () -> ()
    %add3A_74 = arith.constant 256 : i32
    %add3A_75 = arith.addi %mul3A_8, %add3A_74 : i32
    %run_scoped3A_76 = arith.constant 0 : i32
    "tpu.region"() ({
      %run_scoped3A_89 = tpu.sem_alloc : memref<!tpu.dma_semaphore, #tpu.memory_space<semaphore_mem>>
      %dma_start3A_90 = arith.constant 0 : i32
      %dma_start3A_91 = arith.constant 0 : i32
      %dma_start3A_92 = tpu.memref_slice %arg8[%run_scoped3A_76, %dma_start3A_90, %dma_start3A_91] : memref<2x128x128xf32, #tpu.memory_space<vmem>> -> memref<1x128x128xf32, #tpu.memory_space<vmem>>
      %dma_start3A_93 = tpu.memref_squeeze %dma_start3A_92 : memref<1x128x128xf32, #tpu.memory_space<vmem>> -> memref<128x128xf32, #tpu.memory_space<vmem>>
      %dma_start3A_94 = arith.constant 0 : i32
      %dma_start3A_95 = tpu.memref_slice %arg5[%arg0, %add3A_75, %dma_start3A_94] : memref<2x10240x128xf32, #tpu.memory_space<hbm>> -> memref<1x128x128xf32, #tpu.memory_space<hbm>>
      %dma_start3A_96 = tpu.memref_squeeze %dma_start3A_95 : memref<1x128x128xf32, #tpu.memory_space<hbm>> -> memref<128x128xf32, #tpu.memory_space<hbm>>
      %dma_start3A_97 = arith.constant 0 : i32
      %dma_start3A_98 = tpu.memref_slice %arg5[%arg0, %add3A_75, %dma_start3A_97] : memref<2x10240x128xf32, #tpu.memory_space<hbm>> -> memref<1x128x128xf32, #tpu.memory_space<hbm>>
      %dma_start3A_99 = tpu.memref_squeeze %dma_start3A_98 : memref<1x128x128xf32, #tpu.memory_space<hbm>> -> memref<128x128xf32, #tpu.memory_space<hbm>>
      %dma_start3A_100 = arith.constant 0 : i32
      %dma_start3A_101 = arith.constant 0 : i32
      %dma_start3A_102 = tpu.memref_slice %arg8[%run_scoped3A_76, %dma_start3A_100, %dma_start3A_101] : memref<2x128x128xf32, #tpu.memory_space<vmem>> -> memref<1x128x128xf32, #tpu.memory_space<vmem>>
      %dma_start3A_103 = tpu.memref_squeeze %dma_start3A_102 : memref<1x128x128xf32, #tpu.memory_space<vmem>> -> memref<128x128xf32, #tpu.memory_space<vmem>>
      tpu.enqueue_dma source(%dma_start3A_103 : memref<128x128xf32, #tpu.memory_space<vmem>>) target(%dma_start3A_99 : memref<128x128xf32, #tpu.memory_space<hbm>>) target_semaphore(%run_scoped3A_89 : memref<!tpu.dma_semaphore, #tpu.memory_space<semaphore_mem>>)
      %dma_wait3A = arith.constant 0 : i32
      %dma_wait3A_104 = arith.constant 0 : i32
      %dma_wait3A_105 = tpu.memref_slice %arg8[%run_scoped3A_76, %dma_wait3A, %dma_wait3A_104] : memref<2x128x128xf32, #tpu.memory_space<vmem>> -> memref<1x128x128xf32, #tpu.memory_space<vmem>>
      %dma_wait3A_106 = tpu.memref_squeeze %dma_wait3A_105 : memref<1x128x128xf32, #tpu.memory_space<vmem>> -> memref<128x128xf32, #tpu.memory_space<vmem>>
      %dma_wait3A_107 = arith.constant 0 : i32
      %dma_wait3A_108 = tpu.memref_slice %arg5[%arg0, %add3A_75, %dma_wait3A_107] : memref<2x10240x128xf32, #tpu.memory_space<hbm>> -> memref<1x128x128xf32, #tpu.memory_space<hbm>>
      %dma_wait3A_109 = tpu.memref_squeeze %dma_wait3A_108 : memref<1x128x128xf32, #tpu.memory_space<hbm>> -> memref<128x128xf32, #tpu.memory_space<hbm>>
      %dma_wait3A_110 = arith.constant 0 : i32
      %dma_wait3A_111 = tpu.memref_slice %arg5[%arg0, %add3A_75, %dma_wait3A_110] : memref<2x10240x128xf32, #tpu.memory_space<hbm>> -> memref<1x128x128xf32, #tpu.memory_space<hbm>>
      %dma_wait3A_112 = tpu.memref_squeeze %dma_wait3A_111 : memref<1x128x128xf32, #tpu.memory_space<hbm>> -> memref<128x128xf32, #tpu.memory_space<hbm>>
      %dma_wait3A_113 = arith.constant 0 : i32
      %dma_wait3A_114 = arith.constant 0 : i32
      %dma_wait3A_115 = tpu.memref_slice %arg8[%run_scoped3A_76, %dma_wait3A_113, %dma_wait3A_114] : memref<2x128x128xf32, #tpu.memory_space<vmem>> -> memref<1x128x128xf32, #tpu.memory_space<vmem>>
      %dma_wait3A_116 = tpu.memref_squeeze %dma_wait3A_115 : memref<1x128x128xf32, #tpu.memory_space<vmem>> -> memref<128x128xf32, #tpu.memory_space<vmem>>
      tpu.wait_dma2 semaphore(%run_scoped3A_89 : memref<!tpu.dma_semaphore, #tpu.memory_space<semaphore_mem>>) src(%dma_wait3A_116 : memref<128x128xf32, #tpu.memory_space<vmem>>) dst(%dma_wait3A_112 : memref<128x128xf32, #tpu.memory_space<hbm>>)
      tpu.yield
    }) : () -> ()
    %add3A_77 = arith.constant 384 : i32
    %add3A_78 = arith.addi %mul3A_8, %add3A_77 : i32
    %run_scoped3A_79 = arith.constant 0 : i32
    "tpu.region"() ({
      %run_scoped3A_89 = tpu.sem_alloc : memref<!tpu.dma_semaphore, #tpu.memory_space<semaphore_mem>>
      %dma_start3A_90 = arith.constant 0 : i32
      %dma_start3A_91 = arith.constant 0 : i32
      %dma_start3A_92 = tpu.memref_slice %arg8[%run_scoped3A_79, %dma_start3A_90, %dma_start3A_91] : memref<2x128x128xf32, #tpu.memory_space<vmem>> -> memref<1x128x128xf32, #tpu.memory_space<vmem>>
      %dma_start3A_93 = tpu.memref_squeeze %dma_start3A_92 : memref<1x128x128xf32, #tpu.memory_space<vmem>> -> memref<128x128xf32, #tpu.memory_space<vmem>>
      %dma_start3A_94 = arith.constant 0 : i32
      %dma_start3A_95 = tpu.memref_slice %arg9[%add3A_78, %dma_start3A_94] : memref<10240x128xf32, #tpu.memory_space<vmem_shared>> -> memref<128x128xf32, #tpu.memory_space<vmem_shared>>
      %dma_start3A_96 = arith.constant 0 : i32
      %dma_start3A_97 = arith.constant 0 : i32
      %dma_start3A_98 = tpu.memref_slice %arg8[%run_scoped3A_79, %dma_start3A_96, %dma_start3A_97] : memref<2x128x128xf32, #tpu.memory_space<vmem>> -> memref<1x128x128xf32, #tpu.memory_space<vmem>>
      %dma_start3A_99 = tpu.memref_squeeze %dma_start3A_98 : memref<1x128x128xf32, #tpu.memory_space<vmem>> -> memref<128x128xf32, #tpu.memory_space<vmem>>
      %dma_start3A_100 = arith.constant 0 : i32
      %dma_start3A_101 = tpu.memref_slice %arg9[%add3A_78, %dma_start3A_100] : memref<10240x128xf32, #tpu.memory_space<vmem_shared>> -> memref<128x128xf32, #tpu.memory_space<vmem_shared>>
      tpu.enqueue_dma source(%dma_start3A_101 : memref<128x128xf32, #tpu.memory_space<vmem_shared>>) target(%dma_start3A_99 : memref<128x128xf32, #tpu.memory_space<vmem>>) target_semaphore(%run_scoped3A_89 : memref<!tpu.dma_semaphore, #tpu.memory_space<semaphore_mem>>)
      %dma_wait3A = arith.constant 0 : i32
      %dma_wait3A_102 = arith.constant 0 : i32
      %dma_wait3A_103 = tpu.memref_slice %arg8[%run_scoped3A_79, %dma_wait3A, %dma_wait3A_102] : memref<2x128x128xf32, #tpu.memory_space<vmem>> -> memref<1x128x128xf32, #tpu.memory_space<vmem>>
      %dma_wait3A_104 = tpu.memref_squeeze %dma_wait3A_103 : memref<1x128x128xf32, #tpu.memory_space<vmem>> -> memref<128x128xf32, #tpu.memory_space<vmem>>
      %dma_wait3A_105 = arith.constant 0 : i32
      %dma_wait3A_106 = tpu.memref_slice %arg9[%add3A_78, %dma_wait3A_105] : memref<10240x128xf32, #tpu.memory_space<vmem_shared>> -> memref<128x128xf32, #tpu.memory_space<vmem_shared>>
      %dma_wait3A_107 = arith.constant 0 : i32
      %dma_wait3A_108 = arith.constant 0 : i32
      %dma_wait3A_109 = tpu.memref_slice %arg8[%run_scoped3A_79, %dma_wait3A_107, %dma_wait3A_108] : memref<2x128x128xf32, #tpu.memory_space<vmem>> -> memref<1x128x128xf32, #tpu.memory_space<vmem>>
      %dma_wait3A_110 = tpu.memref_squeeze %dma_wait3A_109 : memref<1x128x128xf32, #tpu.memory_space<vmem>> -> memref<128x128xf32, #tpu.memory_space<vmem>>
      %dma_wait3A_111 = arith.constant 0 : i32
      %dma_wait3A_112 = tpu.memref_slice %arg9[%add3A_78, %dma_wait3A_111] : memref<10240x128xf32, #tpu.memory_space<vmem_shared>> -> memref<128x128xf32, #tpu.memory_space<vmem_shared>>
      tpu.wait_dma2 semaphore(%run_scoped3A_89 : memref<!tpu.dma_semaphore, #tpu.memory_space<semaphore_mem>>) src(%dma_wait3A_112 : memref<128x128xf32, #tpu.memory_space<vmem_shared>>) dst(%dma_wait3A_110 : memref<128x128xf32, #tpu.memory_space<vmem>>)
      tpu.yield
    }) : () -> ()
    %add3A_80 = arith.constant 384 : i32
    %add3A_81 = arith.addi %mul3A_8, %add3A_80 : i32
    %run_scoped3A_82 = arith.constant 0 : i32
    "tpu.region"() ({
      %run_scoped3A_89 = tpu.sem_alloc : memref<!tpu.dma_semaphore, #tpu.memory_space<semaphore_mem>>
      %dma_start3A_90 = arith.constant 0 : i32
      %dma_start3A_91 = arith.constant 0 : i32
      %dma_start3A_92 = tpu.memref_slice %arg8[%run_scoped3A_82, %dma_start3A_90, %dma_start3A_91] : memref<2x128x128xf32, #tpu.memory_space<vmem>> -> memref<1x128x128xf32, #tpu.memory_space<vmem>>
      %dma_start3A_93 = tpu.memref_squeeze %dma_start3A_92 : memref<1x128x128xf32, #tpu.memory_space<vmem>> -> memref<128x128xf32, #tpu.memory_space<vmem>>
      %dma_start3A_94 = arith.constant 0 : i32
      %dma_start3A_95 = tpu.memref_slice %arg5[%arg0, %add3A_81, %dma_start3A_94] : memref<2x10240x128xf32, #tpu.memory_space<hbm>> -> memref<1x128x128xf32, #tpu.memory_space<hbm>>
      %dma_start3A_96 = tpu.memref_squeeze %dma_start3A_95 : memref<1x128x128xf32, #tpu.memory_space<hbm>> -> memref<128x128xf32, #tpu.memory_space<hbm>>
      %dma_start3A_97 = arith.constant 0 : i32
      %dma_start3A_98 = tpu.memref_slice %arg5[%arg0, %add3A_81, %dma_start3A_97] : memref<2x10240x128xf32, #tpu.memory_space<hbm>> -> memref<1x128x128xf32, #tpu.memory_space<hbm>>
      %dma_start3A_99 = tpu.memref_squeeze %dma_start3A_98 : memref<1x128x128xf32, #tpu.memory_space<hbm>> -> memref<128x128xf32, #tpu.memory_space<hbm>>
      %dma_start3A_100 = arith.constant 0 : i32
      %dma_start3A_101 = arith.constant 0 : i32
      %dma_start3A_102 = tpu.memref_slice %arg8[%run_scoped3A_82, %dma_start3A_100, %dma_start3A_101] : memref<2x128x128xf32, #tpu.memory_space<vmem>> -> memref<1x128x128xf32, #tpu.memory_space<vmem>>
      %dma_start3A_103 = tpu.memref_squeeze %dma_start3A_102 : memref<1x128x128xf32, #tpu.memory_space<vmem>> -> memref<128x128xf32, #tpu.memory_space<vmem>>
      tpu.enqueue_dma source(%dma_start3A_103 : memref<128x128xf32, #tpu.memory_space<vmem>>) target(%dma_start3A_99 : memref<128x128xf32, #tpu.memory_space<hbm>>) target_semaphore(%run_scoped3A_89 : memref<!tpu.dma_semaphore, #tpu.memory_space<semaphore_mem>>)
      %dma_wait3A = arith.constant 0 : i32
      %dma_wait3A_104 = arith.constant 0 : i32
      %dma_wait3A_105 = tpu.memref_slice %arg8[%run_scoped3A_82, %dma_wait3A, %dma_wait3A_104] : memref<2x128x128xf32, #tpu.memory_space<vmem>> -> memref<1x128x128xf32, #tpu.memory_space<vmem>>
      %dma_wait3A_106 = tpu.memref_squeeze %dma_wait3A_105 : memref<1x128x128xf32, #tpu.memory_space<vmem>> -> memref<128x128xf32, #tpu.memory_space<vmem>>
      %dma_wait3A_107 = arith.constant 0 : i32
      %dma_wait3A_108 = tpu.memref_slice %arg5[%arg0, %add3A_81, %dma_wait3A_107] : memref<2x10240x128xf32, #tpu.memory_space<hbm>> -> memref<1x128x128xf32, #tpu.memory_space<hbm>>
      %dma_wait3A_109 = tpu.memref_squeeze %dma_wait3A_108 : memref<1x128x128xf32, #tpu.memory_space<hbm>> -> memref<128x128xf32, #tpu.memory_space<hbm>>
      %dma_wait3A_110 = arith.constant 0 : i32
      %dma_wait3A_111 = tpu.memref_slice %arg5[%arg0, %add3A_81, %dma_wait3A_110] : memref<2x10240x128xf32, #tpu.memory_space<hbm>> -> memref<1x128x128xf32, #tpu.memory_space<hbm>>
      %dma_wait3A_112 = tpu.memref_squeeze %dma_wait3A_111 : memref<1x128x128xf32, #tpu.memory_space<hbm>> -> memref<128x128xf32, #tpu.memory_space<hbm>>
      %dma_wait3A_113 = arith.constant 0 : i32
      %dma_wait3A_114 = arith.constant 0 : i32
      %dma_wait3A_115 = tpu.memref_slice %arg8[%run_scoped3A_82, %dma_wait3A_113, %dma_wait3A_114] : memref<2x128x128xf32, #tpu.memory_space<vmem>> -> memref<1x128x128xf32, #tpu.memory_space<vmem>>
      %dma_wait3A_116 = tpu.memref_squeeze %dma_wait3A_115 : memref<1x128x128xf32, #tpu.memory_space<vmem>> -> memref<128x128xf32, #tpu.memory_space<vmem>>
      tpu.wait_dma2 semaphore(%run_scoped3A_89 : memref<!tpu.dma_semaphore, #tpu.memory_space<semaphore_mem>>) src(%dma_wait3A_116 : memref<128x128xf32, #tpu.memory_space<vmem>>) dst(%dma_wait3A_112 : memref<128x128xf32, #tpu.memory_space<hbm>>)
      tpu.yield
    }) : () -> ()
    %add3A_83 = arith.constant 512 : i32
    %add3A_84 = arith.addi %mul3A_8, %add3A_83 : i32
    %run_scoped3A_85 = arith.constant 0 : i32
    "tpu.region"() ({
      %run_scoped3A_89 = tpu.sem_alloc : memref<!tpu.dma_semaphore, #tpu.memory_space<semaphore_mem>>
      %dma_start3A_90 = arith.constant 0 : i32
      %dma_start3A_91 = arith.constant 0 : i32
      %dma_start3A_92 = tpu.memref_slice %arg8[%run_scoped3A_85, %dma_start3A_90, %dma_start3A_91] : memref<2x128x128xf32, #tpu.memory_space<vmem>> -> memref<1x128x128xf32, #tpu.memory_space<vmem>>
      %dma_start3A_93 = tpu.memref_squeeze %dma_start3A_92 : memref<1x128x128xf32, #tpu.memory_space<vmem>> -> memref<128x128xf32, #tpu.memory_space<vmem>>
      %dma_start3A_94 = arith.constant 0 : i32
      %dma_start3A_95 = tpu.memref_slice %arg9[%add3A_84, %dma_start3A_94] : memref<10240x128xf32, #tpu.memory_space<vmem_shared>> -> memref<128x128xf32, #tpu.memory_space<vmem_shared>>
      %dma_start3A_96 = arith.constant 0 : i32
      %dma_start3A_97 = arith.constant 0 : i32
      %dma_start3A_98 = tpu.memref_slice %arg8[%run_scoped3A_85, %dma_start3A_96, %dma_start3A_97] : memref<2x128x128xf32, #tpu.memory_space<vmem>> -> memref<1x128x128xf32, #tpu.memory_space<vmem>>
      %dma_start3A_99 = tpu.memref_squeeze %dma_start3A_98 : memref<1x128x128xf32, #tpu.memory_space<vmem>> -> memref<128x128xf32, #tpu.memory_space<vmem>>
      %dma_start3A_100 = arith.constant 0 : i32
      %dma_start3A_101 = tpu.memref_slice %arg9[%add3A_84, %dma_start3A_100] : memref<10240x128xf32, #tpu.memory_space<vmem_shared>> -> memref<128x128xf32, #tpu.memory_space<vmem_shared>>
      tpu.enqueue_dma source(%dma_start3A_101 : memref<128x128xf32, #tpu.memory_space<vmem_shared>>) target(%dma_start3A_99 : memref<128x128xf32, #tpu.memory_space<vmem>>) target_semaphore(%run_scoped3A_89 : memref<!tpu.dma_semaphore, #tpu.memory_space<semaphore_mem>>)
      %dma_wait3A = arith.constant 0 : i32
      %dma_wait3A_102 = arith.constant 0 : i32
      %dma_wait3A_103 = tpu.memref_slice %arg8[%run_scoped3A_85, %dma_wait3A, %dma_wait3A_102] : memref<2x128x128xf32, #tpu.memory_space<vmem>> -> memref<1x128x128xf32, #tpu.memory_space<vmem>>
      %dma_wait3A_104 = tpu.memref_squeeze %dma_wait3A_103 : memref<1x128x128xf32, #tpu.memory_space<vmem>> -> memref<128x128xf32, #tpu.memory_space<vmem>>
      %dma_wait3A_105 = arith.constant 0 : i32
      %dma_wait3A_106 = tpu.memref_slice %arg9[%add3A_84, %dma_wait3A_105] : memref<10240x128xf32, #tpu.memory_space<vmem_shared>> -> memref<128x128xf32, #tpu.memory_space<vmem_shared>>
      %dma_wait3A_107 = arith.constant 0 : i32
      %dma_wait3A_108 = arith.constant 0 : i32
      %dma_wait3A_109 = tpu.memref_slice %arg8[%run_scoped3A_85, %dma_wait3A_107, %dma_wait3A_108] : memref<2x128x128xf32, #tpu.memory_space<vmem>> -> memref<1x128x128xf32, #tpu.memory_space<vmem>>
      %dma_wait3A_110 = tpu.memref_squeeze %dma_wait3A_109 : memref<1x128x128xf32, #tpu.memory_space<vmem>> -> memref<128x128xf32, #tpu.memory_space<vmem>>
      %dma_wait3A_111 = arith.constant 0 : i32
      %dma_wait3A_112 = tpu.memref_slice %arg9[%add3A_84, %dma_wait3A_111] : memref<10240x128xf32, #tpu.memory_space<vmem_shared>> -> memref<128x128xf32, #tpu.memory_space<vmem_shared>>
      tpu.wait_dma2 semaphore(%run_scoped3A_89 : memref<!tpu.dma_semaphore, #tpu.memory_space<semaphore_mem>>) src(%dma_wait3A_112 : memref<128x128xf32, #tpu.memory_space<vmem_shared>>) dst(%dma_wait3A_110 : memref<128x128xf32, #tpu.memory_space<vmem>>)
      tpu.yield
    }) : () -> ()
    %add3A_86 = arith.constant 512 : i32
    %add3A_87 = arith.addi %mul3A_8, %add3A_86 : i32
    %run_scoped3A_88 = arith.constant 0 : i32
    "tpu.region"() ({
      %run_scoped3A_89 = tpu.sem_alloc : memref<!tpu.dma_semaphore, #tpu.memory_space<semaphore_mem>>
      %dma_start3A_90 = arith.constant 0 : i32
      %dma_start3A_91 = arith.constant 0 : i32
      %dma_start3A_92 = tpu.memref_slice %arg8[%run_scoped3A_88, %dma_start3A_90, %dma_start3A_91] : memref<2x128x128xf32, #tpu.memory_space<vmem>> -> memref<1x128x128xf32, #tpu.memory_space<vmem>>
      %dma_start3A_93 = tpu.memref_squeeze %dma_start3A_92 : memref<1x128x128xf32, #tpu.memory_space<vmem>> -> memref<128x128xf32, #tpu.memory_space<vmem>>
      %dma_start3A_94 = arith.constant 0 : i32
      %dma_start3A_95 = tpu.memref_slice %arg5[%arg0, %add3A_87, %dma_start3A_94] : memref<2x10240x128xf32, #tpu.memory_space<hbm>> -> memref<1x128x128xf32, #tpu.memory_space<hbm>>
      %dma_start3A_96 = tpu.memref_squeeze %dma_start3A_95 : memref<1x128x128xf32, #tpu.memory_space<hbm>> -> memref<128x128xf32, #tpu.memory_space<hbm>>
      %dma_start3A_97 = arith.constant 0 : i32
      %dma_start3A_98 = tpu.memref_slice %arg5[%arg0, %add3A_87, %dma_start3A_97] : memref<2x10240x128xf32, #tpu.memory_space<hbm>> -> memref<1x128x128xf32, #tpu.memory_space<hbm>>
      %dma_start3A_99 = tpu.memref_squeeze %dma_start3A_98 : memref<1x128x128xf32, #tpu.memory_space<hbm>> -> memref<128x128xf32, #tpu.memory_space<hbm>>
      %dma_start3A_100 = arith.constant 0 : i32
      %dma_start3A_101 = arith.constant 0 : i32
      %dma_start3A_102 = tpu.memref_slice %arg8[%run_scoped3A_88, %dma_start3A_100, %dma_start3A_101] : memref<2x128x128xf32, #tpu.memory_space<vmem>> -> memref<1x128x128xf32, #tpu.memory_space<vmem>>
      %dma_start3A_103 = tpu.memref_squeeze %dma_start3A_102 : memref<1x128x128xf32, #tpu.memory_space<vmem>> -> memref<128x128xf32, #tpu.memory_space<vmem>>
      tpu.enqueue_dma source(%dma_start3A_103 : memref<128x128xf32, #tpu.memory_space<vmem>>) target(%dma_start3A_99 : memref<128x128xf32, #tpu.memory_space<hbm>>) target_semaphore(%run_scoped3A_89 : memref<!tpu.dma_semaphore, #tpu.memory_space<semaphore_mem>>)
      %dma_wait3A = arith.constant 0 : i32
      %dma_wait3A_104 = arith.constant 0 : i32
      %dma_wait3A_105 = tpu.memref_slice %arg8[%run_scoped3A_88, %dma_wait3A, %dma_wait3A_104] : memref<2x128x128xf32, #tpu.memory_space<vmem>> -> memref<1x128x128xf32, #tpu.memory_space<vmem>>
      %dma_wait3A_106 = tpu.memref_squeeze %dma_wait3A_105 : memref<1x128x128xf32, #tpu.memory_space<vmem>> -> memref<128x128xf32, #tpu.memory_space<vmem>>
      %dma_wait3A_107 = arith.constant 0 : i32
      %dma_wait3A_108 = tpu.memref_slice %arg5[%arg0, %add3A_87, %dma_wait3A_107] : memref<2x10240x128xf32, #tpu.memory_space<hbm>> -> memref<1x128x128xf32, #tpu.memory_space<hbm>>
      %dma_wait3A_109 = tpu.memref_squeeze %dma_wait3A_108 : memref<1x128x128xf32, #tpu.memory_space<hbm>> -> memref<128x128xf32, #tpu.memory_space<hbm>>
      %dma_wait3A_110 = arith.constant 0 : i32
      %dma_wait3A_111 = tpu.memref_slice %arg5[%arg0, %add3A_87, %dma_wait3A_110] : memref<2x10240x128xf32, #tpu.memory_space<hbm>> -> memref<1x128x128xf32, #tpu.memory_space<hbm>>
      %dma_wait3A_112 = tpu.memref_squeeze %dma_wait3A_111 : memref<1x128x128xf32, #tpu.memory_space<hbm>> -> memref<128x128xf32, #tpu.memory_space<hbm>>
      %dma_wait3A_113 = arith.constant 0 : i32
      %dma_wait3A_114 = arith.constant 0 : i32
      %dma_wait3A_115 = tpu.memref_slice %arg8[%run_scoped3A_88, %dma_wait3A_113, %dma_wait3A_114] : memref<2x128x128xf32, #tpu.memory_space<vmem>> -> memref<1x128x128xf32, #tpu.memory_space<vmem>>
      %dma_wait3A_116 = tpu.memref_squeeze %dma_wait3A_115 : memref<1x128x128xf32, #tpu.memory_space<vmem>> -> memref<128x128xf32, #tpu.memory_space<vmem>>
      tpu.wait_dma2 semaphore(%run_scoped3A_89 : memref<!tpu.dma_semaphore, #tpu.memory_space<semaphore_mem>>) src(%dma_wait3A_116 : memref<128x128xf32, #tpu.memory_space<vmem>>) dst(%dma_wait3A_112 : memref<128x128xf32, #tpu.memory_space<hbm>>)
      tpu.yield
    }) : () -> ()
    return
  }
}

#map = affine_map<(d0, d1) -> (0)>
#map1 = affine_map<(d0, d1) -> (0, 0)>
module attributes {stable_mosaic.version = 14 : i64} {
  func.func @_hist_body(%arg0: i32, %arg1: i32, %arg2: memref<327680xi32, #tpu.memory_space<hbm>>, %arg3: memref<32x10240xf32, #tpu.memory_space<hbm>>, %arg4: memref<10240xi32, #tpu.memory_space<vmem>>, %arg5: memref<10240xf32, #tpu.memory_space<vmem>>) attributes {dimension_semantics = [#tpu.dimension_semantics<core_parallel>, #tpu.dimension_semantics<subcore_parallel>], iteration_bounds = array<i64: 2, 16>, scalar_prefetch = 0 : i64, scratch_operands = 2 : i64, tpu.core_type = #tpu.core_type<sc_vector_subcore>, window_params = [{transform_indices = #map}, {transform_indices = #map1}]} {
    %mul3A = arith.constant 16 : i32
    %mul3A_0 = arith.muli %arg0, %mul3A : i32
    %add3A = arith.addi %mul3A_0, %arg1 : i32
    %mul3A_1 = arith.constant 10240 : i32
    %mul3A_2 = arith.muli %add3A, %mul3A_1 : i32
    %broadcast_in_dim3A = arith.constant 0.000000e+00 : f32
    %broadcast_in_dim3A_3 = vector.broadcast %broadcast_in_dim3A : f32 to vector<16xf32>
    %broadcast_in_dim3A_4 = arith.constant 1.000000e+00 : f32
    %broadcast_in_dim3A_5 = vector.broadcast %broadcast_in_dim3A_4 : f32 to vector<16xf32>
    %scan3A = arith.constant 0 : i32
    %scan3A_6 = arith.constant 0 : i32
    %scan3A_7 = arith.constant 640 : i32
    %scan3A_8 = arith.addi %scan3A_6, %scan3A_7 : i32
    %scan3A_9 = arith.constant 1 : i32
    scf.for %scan3A_17 = %scan3A_6 to %scan3A_8 step %scan3A_9  : i32 {
      %mul3A_18 = arith.constant 16 : i32
      %mul3A_19 = arith.muli %scan3A_17, %mul3A_18 : i32
      %swap3A = arith.index_cast %mul3A_19 : i32 to index
      %swap3A_20 = tpu.vector_load %arg5[%swap3A] {strides = array<i32>} : memref<10240xf32, #tpu.memory_space<vmem>>, vector<16xf32>,
      tpu.vector_store %arg5[%swap3A], %broadcast_in_dim3A_3 {strides = array<i32>} : memref<10240xf32, #tpu.memory_space<vmem>>, vector<16xf32>,
    }
    %scan3A_10 = arith.constant 640 : i32
    "tpu.region"() ({
      %run_scoped3A = tpu.sem_alloc : memref<!tpu.dma_semaphore, #tpu.memory_space<semaphore_mem>>
      %dma_start3A = tpu.memref_slice %arg2[%mul3A_2] : memref<327680xi32, #tpu.memory_space<hbm>> -> memref<10240xi32, #tpu.memory_space<hbm>>
      %dma_start3A_17 = tpu.memref_slice %arg2[%mul3A_2] : memref<327680xi32, #tpu.memory_space<hbm>> -> memref<10240xi32, #tpu.memory_space<hbm>>
      tpu.enqueue_dma source(%dma_start3A_17 : memref<10240xi32, #tpu.memory_space<hbm>>) target(%arg4 : memref<10240xi32, #tpu.memory_space<vmem>>) target_semaphore(%run_scoped3A : memref<!tpu.dma_semaphore, #tpu.memory_space<semaphore_mem>>)
      %dma_wait3A = tpu.memref_slice %arg2[%mul3A_2] : memref<327680xi32, #tpu.memory_space<hbm>> -> memref<10240xi32, #tpu.memory_space<hbm>>
      %dma_wait3A_18 = tpu.memref_slice %arg2[%mul3A_2] : memref<327680xi32, #tpu.memory_space<hbm>> -> memref<10240xi32, #tpu.memory_space<hbm>>
      tpu.wait_dma2 semaphore(%run_scoped3A : memref<!tpu.dma_semaphore, #tpu.memory_space<semaphore_mem>>) src(%dma_wait3A_18 : memref<10240xi32, #tpu.memory_space<hbm>>) dst(%arg4 : memref<10240xi32, #tpu.memory_space<vmem>>)
      tpu.yield
    }) : () -> ()
    %scan3A_11 = arith.constant 0 : i32
    %scan3A_12 = arith.constant 0 : i32
    %scan3A_13 = arith.constant 640 : i32
    %scan3A_14 = arith.addi %scan3A_12, %scan3A_13 : i32
    %scan3A_15 = arith.constant 1 : i32
    scf.for %scan3A_17 = %scan3A_12 to %scan3A_14 step %scan3A_15  : i32 {
      %mul3A_18 = arith.constant 16 : i32
      %mul3A_19 = arith.muli %scan3A_17, %mul3A_18 : i32
      %get3A = arith.index_cast %mul3A_19 : i32 to index
      %get3A_20 = tpu.vector_load %arg4[%get3A] {strides = array<i32>} : memref<10240xi32, #tpu.memory_space<vmem>>, vector<16xi32>,
      tpu.vector_store_idx %arg5[%get3A_20], %broadcast_in_dim3A_5 {add = true} : memref<10240xf32, #tpu.memory_space<vmem>>[vector<16xi32>], vector<16xf32>,
    }
    %scan3A_16 = arith.constant 640 : i32
    "tpu.region"() ({
      %run_scoped3A = tpu.sem_alloc : memref<!tpu.dma_semaphore, #tpu.memory_space<semaphore_mem>>
      %dma_start3A = arith.constant 0 : i32
      %dma_start3A_17 = tpu.memref_slice %arg3[%add3A, %dma_start3A] : memref<32x10240xf32, #tpu.memory_space<hbm>> -> memref<1x10240xf32, #tpu.memory_space<hbm>>
      %dma_start3A_18 = tpu.memref_squeeze %dma_start3A_17 : memref<1x10240xf32, #tpu.memory_space<hbm>> -> memref<10240xf32, #tpu.memory_space<hbm>>
      %dma_start3A_19 = arith.constant 0 : i32
      %dma_start3A_20 = tpu.memref_slice %arg3[%add3A, %dma_start3A_19] : memref<32x10240xf32, #tpu.memory_space<hbm>> -> memref<1x10240xf32, #tpu.memory_space<hbm>>
      %dma_start3A_21 = tpu.memref_squeeze %dma_start3A_20 : memref<1x10240xf32, #tpu.memory_space<hbm>> -> memref<10240xf32, #tpu.memory_space<hbm>>
      tpu.enqueue_dma source(%arg5 : memref<10240xf32, #tpu.memory_space<vmem>>) target(%dma_start3A_21 : memref<10240xf32, #tpu.memory_space<hbm>>) target_semaphore(%run_scoped3A : memref<!tpu.dma_semaphore, #tpu.memory_space<semaphore_mem>>)
      %dma_wait3A = arith.constant 0 : i32
      %dma_wait3A_22 = tpu.memref_slice %arg3[%add3A, %dma_wait3A] : memref<32x10240xf32, #tpu.memory_space<hbm>> -> memref<1x10240xf32, #tpu.memory_space<hbm>>
      %dma_wait3A_23 = tpu.memref_squeeze %dma_wait3A_22 : memref<1x10240xf32, #tpu.memory_space<hbm>> -> memref<10240xf32, #tpu.memory_space<hbm>>
      %dma_wait3A_24 = arith.constant 0 : i32
      %dma_wait3A_25 = tpu.memref_slice %arg3[%add3A, %dma_wait3A_24] : memref<32x10240xf32, #tpu.memory_space<hbm>> -> memref<1x10240xf32, #tpu.memory_space<hbm>>
      %dma_wait3A_26 = tpu.memref_squeeze %dma_wait3A_25 : memref<1x10240xf32, #tpu.memory_space<hbm>> -> memref<10240xf32, #tpu.memory_space<hbm>>
      tpu.wait_dma2 semaphore(%run_scoped3A : memref<!tpu.dma_semaphore, #tpu.memory_space<semaphore_mem>>) src(%arg5 : memref<10240xf32, #tpu.memory_space<vmem>>) dst(%dma_wait3A_26 : memref<10240xf32, #tpu.memory_space<hbm>>)
      tpu.yield
    }) : () -> ()
    return
  }
}

#map = affine_map<(d0, d1) -> (0, 0)>
#map1 = affine_map<(d0, d1) -> (0, 0, 0)>
module attributes {stable_mosaic.version = 14 : i64} {
  func.func @_agg_body(%arg0: i32, %arg1: i32, %arg2: memref<10240x128xf32, #tpu.memory_space<hbm>>, %arg3: memref<32x80x128xi32, #tpu.memory_space<hbm>>, %arg4: memref<32x80x128xi32, #tpu.memory_space<hbm>>, %arg5: memref<2x10240x128xf32, #tpu.memory_space<hbm>>, %arg6: memref<40x128xi32, #tpu.memory_space<vmem>>, %arg7: memref<40x128xi32, #tpu.memory_space<vmem>>, %arg8: memref<2x128x128xf32, #tpu.memory_space<vmem>>, %arg9: memref<10240x128xf32, #tpu.memory_space<vmem_shared>>, %arg10: memref<!tpu.dma_semaphore, #tpu.memory_space<semaphore_mem>>, %arg11: memref<!tpu.dma_semaphore, #tpu.memory_space<semaphore_mem>>) attributes {dimension_semantics = [#tpu.dimension_semantics<core_parallel>, #tpu.dimension_semantics<subcore_parallel>], iteration_bounds = array<i64: 2, 16>, scalar_prefetch = 0 : i64, scratch_operands = 6 : i64, tpu.core_type = #tpu.core_type<sc_vector_subcore>, window_params = [{transform_indices = #map}, {transform_indices = #map1}, {transform_indices = #map1}, {transform_indices = #map1}]} {
    %mul3A = arith.constant 16 : i32
    %mul3A_0 = arith.muli %arg0, %mul3A : i32
    %add3A = arith.addi %mul3A_0, %arg1 : i32
    %broadcast_in_dim3A = arith.constant 0.000000e+00 : f32
    %broadcast_in_dim3A_1 = vector.broadcast %broadcast_in_dim3A : f32 to vector<16xf32>
    %scan3A = arith.constant 0 : i32
    %scan3A_2 = arith.constant 0 : i32
    %scan3A_3 = arith.constant 1024 : i32
    %scan3A_4 = arith.addi %scan3A_2, %scan3A_3 : i32
    %scan3A_5 = arith.constant 1 : i32
    scf.for %scan3A_89 = %scan3A_2 to %scan3A_4 step %scan3A_5  : i32 {
      %jit3A = arith.constant 8 : i32
      %div3A = arith.divsi %scan3A_89, %jit3A : i32
      %sign3A = arith.constant 0 : i32
      %sign3A_90 = arith.cmpi sgt, %scan3A_89, %sign3A : i32
      %sign3A_91 = arith.extui %sign3A_90 : i1 to i32
      %sign3A_92 = arith.constant 0 : i32
      %sign3A_93 = arith.cmpi slt, %scan3A_89, %sign3A_92 : i32
      %sign3A_94 = arith.extui %sign3A_93 : i1 to i32
      %sign3A_95 = arith.subi %sign3A_91, %sign3A_94 : i32
      %sign3A_96 = arith.constant 0 : i32
      %sign3A_97 = arith.cmpi sgt, %jit3A, %sign3A_96 : i32
      %sign3A_98 = arith.extui %sign3A_97 : i1 to i32
      %sign3A_99 = arith.constant 0 : i32
      %sign3A_100 = arith.cmpi slt, %jit3A, %sign3A_99 : i32
      %sign3A_101 = arith.extui %sign3A_100 : i1 to i32
      %sign3A_102 = arith.subi %sign3A_98, %sign3A_101 : i32
      %ne3A = arith.cmpi ne, %sign3A_95, %sign3A_102 : i32
      %rem3A = arith.remsi %scan3A_89, %jit3A : i32
      %ne3A_103 = arith.constant 0 : i32
      %ne3A_104 = arith.cmpi ne, %rem3A, %ne3A_103 : i32
      %and3A = arith.andi %ne3A, %ne3A_104 : i1
      %sub3A = arith.constant 1 : i32
      %sub3A_105 = arith.subi %div3A, %sub3A : i32
      %select_n3A = arith.select %and3A, %sub3A_105, %div3A : i32
      %jit3A_106 = arith.constant 8 : i32
      %eq3A = arith.constant 0 : i32
      %eq3A_107 = arith.cmpi eq, %jit3A_106, %eq3A : i32
      %jit3A_108 = arith.constant 1 : i32
      %select_n3A_109 = arith.select %eq3A_107, %jit3A_108, %jit3A_106 : i32
      %rem3A_110 = arith.remsi %scan3A_89, %select_n3A_109 : i32
      %ne3A_111 = arith.constant 0 : i32
      %ne3A_112 = arith.cmpi ne, %rem3A_110, %ne3A_111 : i32
      %lt3A = arith.constant 0 : i32
      %lt3A_113 = arith.cmpi slt, %rem3A_110, %lt3A : i32
      %lt3A_114 = arith.constant 0 : i32
      %lt3A_115 = arith.cmpi slt, %select_n3A_109, %lt3A_114 : i32
      %ne3A_116 = arith.xori %lt3A_113, %lt3A_115 : i1
      %and3A_117 = arith.andi %ne3A_116, %ne3A_112 : i1
      %add3A_118 = arith.addi %rem3A_110, %select_n3A_109 : i32
      %select_n3A_119 = arith.select %and3A_117, %add3A_118, %rem3A_110 : i32
      %mul3A_120 = arith.constant 16 : i32
      %mul3A_121 = arith.muli %select_n3A_119, %mul3A_120 : i32
      %swap3A = arith.constant 0 : i32
      %swap3A_122 = arith.index_cast %swap3A : i32 to index
      %swap3A_123 = arith.index_cast %select_n3A : i32 to index
      %swap3A_124 = arith.index_cast %mul3A_121 : i32 to index
      %swap3A_125 = tpu.vector_load %arg8[%swap3A_122, %swap3A_123, %swap3A_124] {strides = array<i32>} : memref<2x128x128xf32, #tpu.memory_space<vmem>>, vector<16xf32>,
      tpu.vector_store %arg8[%swap3A_122, %swap3A_123, %swap3A_124], %broadcast_in_dim3A_1 {strides = array<i32>} : memref<2x128x128xf32, #tpu.memory_space<vmem>>, vector<16xf32>,
    }
    %scan3A_6 = arith.constant 1024 : i32
    %mul3A_7 = arith.constant 640 : i32
    %mul3A_8 = arith.muli %arg1, %mul3A_7 : i32
    %add3A_9 = arith.constant 0 : i32
    %add3A_10 = arith.addi %mul3A_8, %add3A_9 : i32
    %run_scoped3A = arith.constant 0 : i32
    "tpu.region"() ({
      %run_scoped3A_89 = tpu.sem_alloc : memref<!tpu.dma_semaphore, #tpu.memory_space<semaphore_mem>>
      %dma_start3A_90 = arith.constant 0 : i32
      %dma_start3A_91 = arith.constant 0 : i32
      %dma_start3A_92 = tpu.memref_slice %arg8[%run_scoped3A, %dma_start3A_90, %dma_start3A_91] : memref<2x128x128xf32, #tpu.memory_space<vmem>> -> memref<1x128x128xf32, #tpu.memory_space<vmem>>
      %dma_start3A_93 = tpu.memref_squeeze %dma_start3A_92 : memref<1x128x128xf32, #tpu.memory_space<vmem>> -> memref<128x128xf32, #tpu.memory_space<vmem>>
      %dma_start3A_94 = arith.constant 0 : i32
      %dma_start3A_95 = tpu.memref_slice %arg9[%add3A_10, %dma_start3A_94] : memref<10240x128xf32, #tpu.memory_space<vmem_shared>> -> memref<128x128xf32, #tpu.memory_space<vmem_shared>>
      %dma_start3A_96 = arith.constant 0 : i32
      %dma_start3A_97 = tpu.memref_slice %arg9[%add3A_10, %dma_start3A_96] : memref<10240x128xf32, #tpu.memory_space<vmem_shared>> -> memref<128x128xf32, #tpu.memory_space<vmem_shared>>
      %dma_start3A_98 = arith.constant 0 : i32
      %dma_start3A_99 = arith.constant 0 : i32
      %dma_start3A_100 = tpu.memref_slice %arg8[%run_scoped3A, %dma_start3A_98, %dma_start3A_99] : memref<2x128x128xf32, #tpu.memory_space<vmem>> -> memref<1x128x128xf32, #tpu.memory_space<vmem>>
      %dma_start3A_101 = tpu.memref_squeeze %dma_start3A_100 : memref<1x128x128xf32, #tpu.memory_space<vmem>> -> memref<128x128xf32, #tpu.memory_space<vmem>>
      tpu.enqueue_dma source(%dma_start3A_101 : memref<128x128xf32, #tpu.memory_space<vmem>>) target(%dma_start3A_97 : memref<128x128xf32, #tpu.memory_space<vmem_shared>>) target_semaphore(%run_scoped3A_89 : memref<!tpu.dma_semaphore, #tpu.memory_space<semaphore_mem>>)
      %dma_wait3A = arith.constant 0 : i32
      %dma_wait3A_102 = arith.constant 0 : i32
      %dma_wait3A_103 = tpu.memref_slice %arg8[%run_scoped3A, %dma_wait3A, %dma_wait3A_102] : memref<2x128x128xf32, #tpu.memory_space<vmem>> -> memref<1x128x128xf32, #tpu.memory_space<vmem>>
      %dma_wait3A_104 = tpu.memref_squeeze %dma_wait3A_103 : memref<1x128x128xf32, #tpu.memory_space<vmem>> -> memref<128x128xf32, #tpu.memory_space<vmem>>
      %dma_wait3A_105 = arith.constant 0 : i32
      %dma_wait3A_106 = tpu.memref_slice %arg9[%add3A_10, %dma_wait3A_105] : memref<10240x128xf32, #tpu.memory_space<vmem_shared>> -> memref<128x128xf32, #tpu.memory_space<vmem_shared>>
      %dma_wait3A_107 = arith.constant 0 : i32
      %dma_wait3A_108 = tpu.memref_slice %arg9[%add3A_10, %dma_wait3A_107] : memref<10240x128xf32, #tpu.memory_space<vmem_shared>> -> memref<128x128xf32, #tpu.memory_space<vmem_shared>>
      %dma_wait3A_109 = arith.constant 0 : i32
      %dma_wait3A_110 = arith.constant 0 : i32
      %dma_wait3A_111 = tpu.memref_slice %arg8[%run_scoped3A, %dma_wait3A_109, %dma_wait3A_110] : memref<2x128x128xf32, #tpu.memory_space<vmem>> -> memref<1x128x128xf32, #tpu.memory_space<vmem>>
      %dma_wait3A_112 = tpu.memref_squeeze %dma_wait3A_111 : memref<1x128x128xf32, #tpu.memory_space<vmem>> -> memref<128x128xf32, #tpu.memory_space<vmem>>
      tpu.wait_dma2 semaphore(%run_scoped3A_89 : memref<!tpu.dma_semaphore, #tpu.memory_space<semaphore_mem>>) src(%dma_wait3A_112 : memref<128x128xf32, #tpu.memory_space<vmem>>) dst(%dma_wait3A_108 : memref<128x128xf32, #tpu.memory_space<vmem_shared>>)
      tpu.yield
    }) : () -> ()
    %add3A_11 = arith.constant 128 : i32
    %add3A_12 = arith.addi %mul3A_8, %add3A_11 : i32
    %run_scoped3A_13 = arith.constant 0 : i32
    "tpu.region"() ({
      %run_scoped3A_89 = tpu.sem_alloc : memref<!tpu.dma_semaphore, #tpu.memory_space<semaphore_mem>>
      %dma_start3A_90 = arith.constant 0 : i32
      %dma_start3A_91 = arith.constant 0 : i32
      %dma_start3A_92 = tpu.memref_slice %arg8[%run_scoped3A_13, %dma_start3A_90, %dma_start3A_91] : memref<2x128x128xf32, #tpu.memory_space<vmem>> -> memref<1x128x128xf32, #tpu.memory_space<vmem>>
      %dma_start3A_93 = tpu.memref_squeeze %dma_start3A_92 : memref<1x128x128xf32, #tpu.memory_space<vmem>> -> memref<128x128xf32, #tpu.memory_space<vmem>>
      %dma_start3A_94 = arith.constant 0 : i32
      %dma_start3A_95 = tpu.memref_slice %arg9[%add3A_12, %dma_start3A_94] : memref<10240x128xf32, #tpu.memory_space<vmem_shared>> -> memref<128x128xf32, #tpu.memory_space<vmem_shared>>
      %dma_start3A_96 = arith.constant 0 : i32
      %dma_start3A_97 = tpu.memref_slice %arg9[%add3A_12, %dma_start3A_96] : memref<10240x128xf32, #tpu.memory_space<vmem_shared>> -> memref<128x128xf32, #tpu.memory_space<vmem_shared>>
      %dma_start3A_98 = arith.constant 0 : i32
      %dma_start3A_99 = arith.constant 0 : i32
      %dma_start3A_100 = tpu.memref_slice %arg8[%run_scoped3A_13, %dma_start3A_98, %dma_start3A_99] : memref<2x128x128xf32, #tpu.memory_space<vmem>> -> memref<1x128x128xf32, #tpu.memory_space<vmem>>
      %dma_start3A_101 = tpu.memref_squeeze %dma_start3A_100 : memref<1x128x128xf32, #tpu.memory_space<vmem>> -> memref<128x128xf32, #tpu.memory_space<vmem>>
      tpu.enqueue_dma source(%dma_start3A_101 : memref<128x128xf32, #tpu.memory_space<vmem>>) target(%dma_start3A_97 : memref<128x128xf32, #tpu.memory_space<vmem_shared>>) target_semaphore(%run_scoped3A_89 : memref<!tpu.dma_semaphore, #tpu.memory_space<semaphore_mem>>)
      %dma_wait3A = arith.constant 0 : i32
      %dma_wait3A_102 = arith.constant 0 : i32
      %dma_wait3A_103 = tpu.memref_slice %arg8[%run_scoped3A_13, %dma_wait3A, %dma_wait3A_102] : memref<2x128x128xf32, #tpu.memory_space<vmem>> -> memref<1x128x128xf32, #tpu.memory_space<vmem>>
      %dma_wait3A_104 = tpu.memref_squeeze %dma_wait3A_103 : memref<1x128x128xf32, #tpu.memory_space<vmem>> -> memref<128x128xf32, #tpu.memory_space<vmem>>
      %dma_wait3A_105 = arith.constant 0 : i32
      %dma_wait3A_106 = tpu.memref_slice %arg9[%add3A_12, %dma_wait3A_105] : memref<10240x128xf32, #tpu.memory_space<vmem_shared>> -> memref<128x128xf32, #tpu.memory_space<vmem_shared>>
      %dma_wait3A_107 = arith.constant 0 : i32
      %dma_wait3A_108 = tpu.memref_slice %arg9[%add3A_12, %dma_wait3A_107] : memref<10240x128xf32, #tpu.memory_space<vmem_shared>> -> memref<128x128xf32, #tpu.memory_space<vmem_shared>>
      %dma_wait3A_109 = arith.constant 0 : i32
      %dma_wait3A_110 = arith.constant 0 : i32
      %dma_wait3A_111 = tpu.memref_slice %arg8[%run_scoped3A_13, %dma_wait3A_109, %dma_wait3A_110] : memref<2x128x128xf32, #tpu.memory_space<vmem>> -> memref<1x128x128xf32, #tpu.memory_space<vmem>>
      %dma_wait3A_112 = tpu.memref_squeeze %dma_wait3A_111 : memref<1x128x128xf32, #tpu.memory_space<vmem>> -> memref<128x128xf32, #tpu.memory_space<vmem>>
      tpu.wait_dma2 semaphore(%run_scoped3A_89 : memref<!tpu.dma_semaphore, #tpu.memory_space<semaphore_mem>>) src(%dma_wait3A_112 : memref<128x128xf32, #tpu.memory_space<vmem>>) dst(%dma_wait3A_108 : memref<128x128xf32, #tpu.memory_space<vmem_shared>>)
      tpu.yield
    }) : () -> ()
    %add3A_14 = arith.constant 256 : i32
    %add3A_15 = arith.addi %mul3A_8, %add3A_14 : i32
    %run_scoped3A_16 = arith.constant 0 : i32
    "tpu.region"() ({
      %run_scoped3A_89 = tpu.sem_alloc : memref<!tpu.dma_semaphore, #tpu.memory_space<semaphore_mem>>
      %dma_start3A_90 = arith.constant 0 : i32
      %dma_start3A_91 = arith.constant 0 : i32
      %dma_start3A_92 = tpu.memref_slice %arg8[%run_scoped3A_16, %dma_start3A_90, %dma_start3A_91] : memref<2x128x128xf32, #tpu.memory_space<vmem>> -> memref<1x128x128xf32, #tpu.memory_space<vmem>>
      %dma_start3A_93 = tpu.memref_squeeze %dma_start3A_92 : memref<1x128x128xf32, #tpu.memory_space<vmem>> -> memref<128x128xf32, #tpu.memory_space<vmem>>
      %dma_start3A_94 = arith.constant 0 : i32
      %dma_start3A_95 = tpu.memref_slice %arg9[%add3A_15, %dma_start3A_94] : memref<10240x128xf32, #tpu.memory_space<vmem_shared>> -> memref<128x128xf32, #tpu.memory_space<vmem_shared>>
      %dma_start3A_96 = arith.constant 0 : i32
      %dma_start3A_97 = tpu.memref_slice %arg9[%add3A_15, %dma_start3A_96] : memref<10240x128xf32, #tpu.memory_space<vmem_shared>> -> memref<128x128xf32, #tpu.memory_space<vmem_shared>>
      %dma_start3A_98 = arith.constant 0 : i32
      %dma_start3A_99 = arith.constant 0 : i32
      %dma_start3A_100 = tpu.memref_slice %arg8[%run_scoped3A_16, %dma_start3A_98, %dma_start3A_99] : memref<2x128x128xf32, #tpu.memory_space<vmem>> -> memref<1x128x128xf32, #tpu.memory_space<vmem>>
      %dma_start3A_101 = tpu.memref_squeeze %dma_start3A_100 : memref<1x128x128xf32, #tpu.memory_space<vmem>> -> memref<128x128xf32, #tpu.memory_space<vmem>>
      tpu.enqueue_dma source(%dma_start3A_101 : memref<128x128xf32, #tpu.memory_space<vmem>>) target(%dma_start3A_97 : memref<128x128xf32, #tpu.memory_space<vmem_shared>>) target_semaphore(%run_scoped3A_89 : memref<!tpu.dma_semaphore, #tpu.memory_space<semaphore_mem>>)
      %dma_wait3A = arith.constant 0 : i32
      %dma_wait3A_102 = arith.constant 0 : i32
      %dma_wait3A_103 = tpu.memref_slice %arg8[%run_scoped3A_16, %dma_wait3A, %dma_wait3A_102] : memref<2x128x128xf32, #tpu.memory_space<vmem>> -> memref<1x128x128xf32, #tpu.memory_space<vmem>>
      %dma_wait3A_104 = tpu.memref_squeeze %dma_wait3A_103 : memref<1x128x128xf32, #tpu.memory_space<vmem>> -> memref<128x128xf32, #tpu.memory_space<vmem>>
      %dma_wait3A_105 = arith.constant 0 : i32
      %dma_wait3A_106 = tpu.memref_slice %arg9[%add3A_15, %dma_wait3A_105] : memref<10240x128xf32, #tpu.memory_space<vmem_shared>> -> memref<128x128xf32, #tpu.memory_space<vmem_shared>>
      %dma_wait3A_107 = arith.constant 0 : i32
      %dma_wait3A_108 = tpu.memref_slice %arg9[%add3A_15, %dma_wait3A_107] : memref<10240x128xf32, #tpu.memory_space<vmem_shared>> -> memref<128x128xf32, #tpu.memory_space<vmem_shared>>
      %dma_wait3A_109 = arith.constant 0 : i32
      %dma_wait3A_110 = arith.constant 0 : i32
      %dma_wait3A_111 = tpu.memref_slice %arg8[%run_scoped3A_16, %dma_wait3A_109, %dma_wait3A_110] : memref<2x128x128xf32, #tpu.memory_space<vmem>> -> memref<1x128x128xf32, #tpu.memory_space<vmem>>
      %dma_wait3A_112 = tpu.memref_squeeze %dma_wait3A_111 : memref<1x128x128xf32, #tpu.memory_space<vmem>> -> memref<128x128xf32, #tpu.memory_space<vmem>>
      tpu.wait_dma2 semaphore(%run_scoped3A_89 : memref<!tpu.dma_semaphore, #tpu.memory_space<semaphore_mem>>) src(%dma_wait3A_112 : memref<128x128xf32, #tpu.memory_space<vmem>>) dst(%dma_wait3A_108 : memref<128x128xf32, #tpu.memory_space<vmem_shared>>)
      tpu.yield
    }) : () -> ()
    %add3A_17 = arith.constant 384 : i32
    %add3A_18 = arith.addi %mul3A_8, %add3A_17 : i32
    %run_scoped3A_19 = arith.constant 0 : i32
    "tpu.region"() ({
      %run_scoped3A_89 = tpu.sem_alloc : memref<!tpu.dma_semaphore, #tpu.memory_space<semaphore_mem>>
      %dma_start3A_90 = arith.constant 0 : i32
      %dma_start3A_91 = arith.constant 0 : i32
      %dma_start3A_92 = tpu.memref_slice %arg8[%run_scoped3A_19, %dma_start3A_90, %dma_start3A_91] : memref<2x128x128xf32, #tpu.memory_space<vmem>> -> memref<1x128x128xf32, #tpu.memory_space<vmem>>
      %dma_start3A_93 = tpu.memref_squeeze %dma_start3A_92 : memref<1x128x128xf32, #tpu.memory_space<vmem>> -> memref<128x128xf32, #tpu.memory_space<vmem>>
      %dma_start3A_94 = arith.constant 0 : i32
      %dma_start3A_95 = tpu.memref_slice %arg9[%add3A_18, %dma_start3A_94] : memref<10240x128xf32, #tpu.memory_space<vmem_shared>> -> memref<128x128xf32, #tpu.memory_space<vmem_shared>>
      %dma_start3A_96 = arith.constant 0 : i32
      %dma_start3A_97 = tpu.memref_slice %arg9[%add3A_18, %dma_start3A_96] : memref<10240x128xf32, #tpu.memory_space<vmem_shared>> -> memref<128x128xf32, #tpu.memory_space<vmem_shared>>
      %dma_start3A_98 = arith.constant 0 : i32
      %dma_start3A_99 = arith.constant 0 : i32
      %dma_start3A_100 = tpu.memref_slice %arg8[%run_scoped3A_19, %dma_start3A_98, %dma_start3A_99] : memref<2x128x128xf32, #tpu.memory_space<vmem>> -> memref<1x128x128xf32, #tpu.memory_space<vmem>>
      %dma_start3A_101 = tpu.memref_squeeze %dma_start3A_100 : memref<1x128x128xf32, #tpu.memory_space<vmem>> -> memref<128x128xf32, #tpu.memory_space<vmem>>
      tpu.enqueue_dma source(%dma_start3A_101 : memref<128x128xf32, #tpu.memory_space<vmem>>) target(%dma_start3A_97 : memref<128x128xf32, #tpu.memory_space<vmem_shared>>) target_semaphore(%run_scoped3A_89 : memref<!tpu.dma_semaphore, #tpu.memory_space<semaphore_mem>>)
      %dma_wait3A = arith.constant 0 : i32
      %dma_wait3A_102 = arith.constant 0 : i32
      %dma_wait3A_103 = tpu.memref_slice %arg8[%run_scoped3A_19, %dma_wait3A, %dma_wait3A_102] : memref<2x128x128xf32, #tpu.memory_space<vmem>> -> memref<1x128x128xf32, #tpu.memory_space<vmem>>
      %dma_wait3A_104 = tpu.memref_squeeze %dma_wait3A_103 : memref<1x128x128xf32, #tpu.memory_space<vmem>> -> memref<128x128xf32, #tpu.memory_space<vmem>>
      %dma_wait3A_105 = arith.constant 0 : i32
      %dma_wait3A_106 = tpu.memref_slice %arg9[%add3A_18, %dma_wait3A_105] : memref<10240x128xf32, #tpu.memory_space<vmem_shared>> -> memref<128x128xf32, #tpu.memory_space<vmem_shared>>
      %dma_wait3A_107 = arith.constant 0 : i32
      %dma_wait3A_108 = tpu.memref_slice %arg9[%add3A_18, %dma_wait3A_107] : memref<10240x128xf32, #tpu.memory_space<vmem_shared>> -> memref<128x128xf32, #tpu.memory_space<vmem_shared>>
      %dma_wait3A_109 = arith.constant 0 : i32
      %dma_wait3A_110 = arith.constant 0 : i32
      %dma_wait3A_111 = tpu.memref_slice %arg8[%run_scoped3A_19, %dma_wait3A_109, %dma_wait3A_110] : memref<2x128x128xf32, #tpu.memory_space<vmem>> -> memref<1x128x128xf32, #tpu.memory_space<vmem>>
      %dma_wait3A_112 = tpu.memref_squeeze %dma_wait3A_111 : memref<1x128x128xf32, #tpu.memory_space<vmem>> -> memref<128x128xf32, #tpu.memory_space<vmem>>
      tpu.wait_dma2 semaphore(%run_scoped3A_89 : memref<!tpu.dma_semaphore, #tpu.memory_space<semaphore_mem>>) src(%dma_wait3A_112 : memref<128x128xf32, #tpu.memory_space<vmem>>) dst(%dma_wait3A_108 : memref<128x128xf32, #tpu.memory_space<vmem_shared>>)
      tpu.yield
    }) : () -> ()
    %add3A_20 = arith.constant 512 : i32
    %add3A_21 = arith.addi %mul3A_8, %add3A_20 : i32
    %run_scoped3A_22 = arith.constant 0 : i32
    "tpu.region"() ({
      %run_scoped3A_89 = tpu.sem_alloc : memref<!tpu.dma_semaphore, #tpu.memory_space<semaphore_mem>>
      %dma_start3A_90 = arith.constant 0 : i32
      %dma_start3A_91 = arith.constant 0 : i32
      %dma_start3A_92 = tpu.memref_slice %arg8[%run_scoped3A_22, %dma_start3A_90, %dma_start3A_91] : memref<2x128x128xf32, #tpu.memory_space<vmem>> -> memref<1x128x128xf32, #tpu.memory_space<vmem>>
      %dma_start3A_93 = tpu.memref_squeeze %dma_start3A_92 : memref<1x128x128xf32, #tpu.memory_space<vmem>> -> memref<128x128xf32, #tpu.memory_space<vmem>>
      %dma_start3A_94 = arith.constant 0 : i32
      %dma_start3A_95 = tpu.memref_slice %arg9[%add3A_21, %dma_start3A_94] : memref<10240x128xf32, #tpu.memory_space<vmem_shared>> -> memref<128x128xf32, #tpu.memory_space<vmem_shared>>
      %dma_start3A_96 = arith.constant 0 : i32
      %dma_start3A_97 = tpu.memref_slice %arg9[%add3A_21, %dma_start3A_96] : memref<10240x128xf32, #tpu.memory_space<vmem_shared>> -> memref<128x128xf32, #tpu.memory_space<vmem_shared>>
      %dma_start3A_98 = arith.constant 0 : i32
      %dma_start3A_99 = arith.constant 0 : i32
      %dma_start3A_100 = tpu.memref_slice %arg8[%run_scoped3A_22, %dma_start3A_98, %dma_start3A_99] : memref<2x128x128xf32, #tpu.memory_space<vmem>> -> memref<1x128x128xf32, #tpu.memory_space<vmem>>
      %dma_start3A_101 = tpu.memref_squeeze %dma_start3A_100 : memref<1x128x128xf32, #tpu.memory_space<vmem>> -> memref<128x128xf32, #tpu.memory_space<vmem>>
      tpu.enqueue_dma source(%dma_start3A_101 : memref<128x128xf32, #tpu.memory_space<vmem>>) target(%dma_start3A_97 : memref<128x128xf32, #tpu.memory_space<vmem_shared>>) target_semaphore(%run_scoped3A_89 : memref<!tpu.dma_semaphore, #tpu.memory_space<semaphore_mem>>)
      %dma_wait3A = arith.constant 0 : i32
      %dma_wait3A_102 = arith.constant 0 : i32
      %dma_wait3A_103 = tpu.memref_slice %arg8[%run_scoped3A_22, %dma_wait3A, %dma_wait3A_102] : memref<2x128x128xf32, #tpu.memory_space<vmem>> -> memref<1x128x128xf32, #tpu.memory_space<vmem>>
      %dma_wait3A_104 = tpu.memref_squeeze %dma_wait3A_103 : memref<1x128x128xf32, #tpu.memory_space<vmem>> -> memref<128x128xf32, #tpu.memory_space<vmem>>
      %dma_wait3A_105 = arith.constant 0 : i32
      %dma_wait3A_106 = tpu.memref_slice %arg9[%add3A_21, %dma_wait3A_105] : memref<10240x128xf32, #tpu.memory_space<vmem_shared>> -> memref<128x128xf32, #tpu.memory_space<vmem_shared>>
      %dma_wait3A_107 = arith.constant 0 : i32
      %dma_wait3A_108 = tpu.memref_slice %arg9[%add3A_21, %dma_wait3A_107] : memref<10240x128xf32, #tpu.memory_space<vmem_shared>> -> memref<128x128xf32, #tpu.memory_space<vmem_shared>>
      %dma_wait3A_109 = arith.constant 0 : i32
      %dma_wait3A_110 = arith.constant 0 : i32
      %dma_wait3A_111 = tpu.memref_slice %arg8[%run_scoped3A_22, %dma_wait3A_109, %dma_wait3A_110] : memref<2x128x128xf32, #tpu.memory_space<vmem>> -> memref<1x128x128xf32, #tpu.memory_space<vmem>>
      %dma_wait3A_112 = tpu.memref_squeeze %dma_wait3A_111 : memref<1x128x128xf32, #tpu.memory_space<vmem>> -> memref<128x128xf32, #tpu.memory_space<vmem>>
      tpu.wait_dma2 semaphore(%run_scoped3A_89 : memref<!tpu.dma_semaphore, #tpu.memory_space<semaphore_mem>>) src(%dma_wait3A_112 : memref<128x128xf32, #tpu.memory_space<vmem>>) dst(%dma_wait3A_108 : memref<128x128xf32, #tpu.memory_space<vmem_shared>>)
      tpu.yield
    }) : () -> ()
    %barrier3A = arith.constant 0 : index
    tpu.barrier barrier_id(%barrier3A)
    "tpu.region"() ({
      %run_scoped3A_89 = tpu.sem_alloc : memref<!tpu.dma_semaphore, #tpu.memory_space<semaphore_mem>>
      %dma_start3A_90 = arith.constant 0 : i32
      %dma_start3A_91 = arith.constant 0 : i32
      %dma_start3A_92 = tpu.memref_slice %arg3[%add3A, %dma_start3A_90, %dma_start3A_91] : memref<32x80x128xi32, #tpu.memory_space<hbm>> -> memref<1x40x128xi32, #tpu.memory_space<hbm>>
      %dma_start3A_93 = tpu.memref_squeeze %dma_start3A_92 : memref<1x40x128xi32, #tpu.memory_space<hbm>> -> memref<40x128xi32, #tpu.memory_space<hbm>>
      %dma_start3A_94 = arith.constant 0 : i32
      %dma_start3A_95 = arith.constant 0 : i32
      %dma_start3A_96 = tpu.memref_slice %arg3[%add3A, %dma_start3A_94, %dma_start3A_95] : memref<32x80x128xi32, #tpu.memory_space<hbm>> -> memref<1x40x128xi32, #tpu.memory_space<hbm>>
      %dma_start3A_97 = tpu.memref_squeeze %dma_start3A_96 : memref<1x40x128xi32, #tpu.memory_space<hbm>> -> memref<40x128xi32, #tpu.memory_space<hbm>>
      tpu.enqueue_dma source(%dma_start3A_97 : memref<40x128xi32, #tpu.memory_space<hbm>>) target(%arg6 : memref<40x128xi32, #tpu.memory_space<vmem>>) target_semaphore(%run_scoped3A_89 : memref<!tpu.dma_semaphore, #tpu.memory_space<semaphore_mem>>)
      %dma_wait3A = arith.constant 0 : i32
      %dma_wait3A_98 = arith.constant 0 : i32
      %dma_wait3A_99 = tpu.memref_slice %arg3[%add3A, %dma_wait3A, %dma_wait3A_98] : memref<32x80x128xi32, #tpu.memory_space<hbm>> -> memref<1x40x128xi32, #tpu.memory_space<hbm>>
      %dma_wait3A_100 = tpu.memref_squeeze %dma_wait3A_99 : memref<1x40x128xi32, #tpu.memory_space<hbm>> -> memref<40x128xi32, #tpu.memory_space<hbm>>
      %dma_wait3A_101 = arith.constant 0 : i32
      %dma_wait3A_102 = arith.constant 0 : i32
      %dma_wait3A_103 = tpu.memref_slice %arg3[%add3A, %dma_wait3A_101, %dma_wait3A_102] : memref<32x80x128xi32, #tpu.memory_space<hbm>> -> memref<1x40x128xi32, #tpu.memory_space<hbm>>
      %dma_wait3A_104 = tpu.memref_squeeze %dma_wait3A_103 : memref<1x40x128xi32, #tpu.memory_space<hbm>> -> memref<40x128xi32, #tpu.memory_space<hbm>>
      tpu.wait_dma2 semaphore(%run_scoped3A_89 : memref<!tpu.dma_semaphore, #tpu.memory_space<semaphore_mem>>) src(%dma_wait3A_104 : memref<40x128xi32, #tpu.memory_space<hbm>>) dst(%arg6 : memref<40x128xi32, #tpu.memory_space<vmem>>)
      tpu.yield
    }) : () -> ()
    "tpu.region"() ({
      %run_scoped3A_89 = tpu.sem_alloc : memref<!tpu.dma_semaphore, #tpu.memory_space<semaphore_mem>>
      %dma_start3A_90 = arith.constant 0 : i32
      %dma_start3A_91 = arith.constant 0 : i32
      %dma_start3A_92 = tpu.memref_slice %arg4[%add3A, %dma_start3A_90, %dma_start3A_91] : memref<32x80x128xi32, #tpu.memory_space<hbm>> -> memref<1x40x128xi32, #tpu.memory_space<hbm>>
      %dma_start3A_93 = tpu.memref_squeeze %dma_start3A_92 : memref<1x40x128xi32, #tpu.memory_space<hbm>> -> memref<40x128xi32, #tpu.memory_space<hbm>>
      %dma_start3A_94 = arith.constant 0 : i32
      %dma_start3A_95 = arith.constant 0 : i32
      %dma_start3A_96 = tpu.memref_slice %arg4[%add3A, %dma_start3A_94, %dma_start3A_95] : memref<32x80x128xi32, #tpu.memory_space<hbm>> -> memref<1x40x128xi32, #tpu.memory_space<hbm>>
      %dma_start3A_97 = tpu.memref_squeeze %dma_start3A_96 : memref<1x40x128xi32, #tpu.memory_space<hbm>> -> memref<40x128xi32, #tpu.memory_space<hbm>>
      tpu.enqueue_dma source(%dma_start3A_97 : memref<40x128xi32, #tpu.memory_space<hbm>>) target(%arg7 : memref<40x128xi32, #tpu.memory_space<vmem>>) target_semaphore(%run_scoped3A_89 : memref<!tpu.dma_semaphore, #tpu.memory_space<semaphore_mem>>)
      %dma_wait3A = arith.constant 0 : i32
      %dma_wait3A_98 = arith.constant 0 : i32
      %dma_wait3A_99 = tpu.memref_slice %arg4[%add3A, %dma_wait3A, %dma_wait3A_98] : memref<32x80x128xi32, #tpu.memory_space<hbm>> -> memref<1x40x128xi32, #tpu.memory_space<hbm>>
      %dma_wait3A_100 = tpu.memref_squeeze %dma_wait3A_99 : memref<1x40x128xi32, #tpu.memory_space<hbm>> -> memref<40x128xi32, #tpu.memory_space<hbm>>
      %dma_wait3A_101 = arith.constant 0 : i32
      %dma_wait3A_102 = arith.constant 0 : i32
      %dma_wait3A_103 = tpu.memref_slice %arg4[%add3A, %dma_wait3A_101, %dma_wait3A_102] : memref<32x80x128xi32, #tpu.memory_space<hbm>> -> memref<1x40x128xi32, #tpu.memory_space<hbm>>
      %dma_wait3A_104 = tpu.memref_squeeze %dma_wait3A_103 : memref<1x40x128xi32, #tpu.memory_space<hbm>> -> memref<40x128xi32, #tpu.memory_space<hbm>>
      tpu.wait_dma2 semaphore(%run_scoped3A_89 : memref<!tpu.dma_semaphore, #tpu.memory_space<semaphore_mem>>) src(%dma_wait3A_104 : memref<40x128xi32, #tpu.memory_space<hbm>>) dst(%arg7 : memref<40x128xi32, #tpu.memory_space<vmem>>)
      tpu.yield
    }) : () -> ()
    %dma_start3A = arith.constant 0 : i32
    %dma_start3A_23 = arith.constant 0 : i32
    %dma_start3A_24 = arith.constant 0 : i32
    %dma_start3A_25 = arith.constant 0 : i32
    %dma_start3A_26 = tpu.memref_slice %arg8[%dma_start3A_23, %dma_start3A_24, %dma_start3A_25] : memref<2x128x128xf32, #tpu.memory_space<vmem>> -> memref<1x128x128xf32, #tpu.memory_space<vmem>>
    %dma_start3A_27 = tpu.memref_squeeze %dma_start3A_26 : memref<1x128x128xf32, #tpu.memory_space<vmem>> -> memref<128x128xf32, #tpu.memory_space<vmem>>
    %dma_start3A_28 = arith.constant 0 : i32
    %dma_start3A_29 = tpu.memref_slice %arg6[%dma_start3A, %dma_start3A_28] : memref<40x128xi32, #tpu.memory_space<vmem>> -> memref<1x128xi32, #tpu.memory_space<vmem>>
    %dma_start3A_30 = tpu.memref_squeeze %dma_start3A_29 : memref<1x128xi32, #tpu.memory_space<vmem>> -> memref<128xi32, #tpu.memory_space<vmem>>
    %dma_start3A_31 = arith.constant 0 : i32
    %dma_start3A_32 = arith.constant 0 : i32
    %dma_start3A_33 = tpu.memref_slice %arg2[%dma_start3A_31, %dma_start3A_32] : memref<10240x128xf32, #tpu.memory_space<hbm>> -> memref<10240x128xf32, #tpu.memory_space<hbm>>
    tpu.enqueue_indirect_dma source(%dma_start3A_33 : memref<10240x128xf32, #tpu.memory_space<hbm>>) target(%dma_start3A_27 : memref<128x128xf32, #tpu.memory_space<vmem>>) offsets(%dma_start3A_30 : memref<128xi32, #tpu.memory_space<vmem>>) semaphore(%arg10 : memref<!tpu.dma_semaphore, #tpu.memory_space<semaphore_mem>>)
    %scan3A_34 = arith.constant 0 : i32
    %scan3A_35 = arith.constant 0 : i32
    %scan3A_36 = arith.constant 20 : i32
    %scan3A_37 = arith.addi %scan3A_35, %scan3A_36 : i32
    %scan3A_38 = arith.constant 1 : i32
    scf.for %scan3A_89 = %scan3A_35 to %scan3A_37 step %scan3A_38  : i32 {
      %mul3A_90 = arith.constant 2 : i32
      %mul3A_91 = arith.muli %mul3A_90, %scan3A_89 : i32
      %add3A_92 = arith.constant 1 : i32
      %add3A_93 = arith.addi %mul3A_91, %add3A_92 : i32
      %dma_start3A_94 = arith.constant 1 : i32
      %dma_start3A_95 = arith.constant 0 : i32
      %dma_start3A_96 = arith.constant 0 : i32
      %dma_start3A_97 = tpu.memref_slice %arg8[%dma_start3A_94, %dma_start3A_95, %dma_start3A_96] : memref<2x128x128xf32, #tpu.memory_space<vmem>> -> memref<1x128x128xf32, #tpu.memory_space<vmem>>
      %dma_start3A_98 = tpu.memref_squeeze %dma_start3A_97 : memref<1x128x128xf32, #tpu.memory_space<vmem>> -> memref<128x128xf32, #tpu.memory_space<vmem>>
      %dma_start3A_99 = arith.constant 0 : i32
      %dma_start3A_100 = tpu.memref_slice %arg6[%add3A_93, %dma_start3A_99] : memref<40x128xi32, #tpu.memory_space<vmem>> -> memref<1x128xi32, #tpu.memory_space<vmem>>
      %dma_start3A_101 = tpu.memref_squeeze %dma_start3A_100 : memref<1x128xi32, #tpu.memory_space<vmem>> -> memref<128xi32, #tpu.memory_space<vmem>>
      %dma_start3A_102 = arith.constant 0 : i32
      %dma_start3A_103 = arith.constant 0 : i32
      %dma_start3A_104 = tpu.memref_slice %arg2[%dma_start3A_102, %dma_start3A_103] : memref<10240x128xf32, #tpu.memory_space<hbm>> -> memref<10240x128xf32, #tpu.memory_space<hbm>>
      tpu.enqueue_indirect_dma source(%dma_start3A_104 : memref<10240x128xf32, #tpu.memory_space<hbm>>) target(%dma_start3A_98 : memref<128x128xf32, #tpu.memory_space<vmem>>) offsets(%dma_start3A_101 : memref<128xi32, #tpu.memory_space<vmem>>) semaphore(%arg11 : memref<!tpu.dma_semaphore, #tpu.memory_space<semaphore_mem>>)
      %dma_wait3A = arith.constant 0 : i32
      %dma_wait3A_105 = arith.constant 0 : i32
      %dma_wait3A_106 = arith.constant 0 : i32
      %dma_wait3A_107 = arith.constant 0 : i32
      %dma_wait3A_108 = tpu.memref_slice %arg8[%dma_wait3A_105, %dma_wait3A_106, %dma_wait3A_107] : memref<2x128x128xf32, #tpu.memory_space<vmem>> -> memref<1x128x128xf32, #tpu.memory_space<vmem>>
      %dma_wait3A_109 = tpu.memref_squeeze %dma_wait3A_108 : memref<1x128x128xf32, #tpu.memory_space<vmem>> -> memref<128x128xf32, #tpu.memory_space<vmem>>
      %dma_wait3A_110 = arith.constant 0 : i32
      %dma_wait3A_111 = tpu.memref_slice %arg6[%dma_wait3A, %dma_wait3A_110] : memref<40x128xi32, #tpu.memory_space<vmem>> -> memref<1x128xi32, #tpu.memory_space<vmem>>
      %dma_wait3A_112 = tpu.memref_squeeze %dma_wait3A_111 : memref<1x128xi32, #tpu.memory_space<vmem>> -> memref<128xi32, #tpu.memory_space<vmem>>
      %dma_wait3A_113 = arith.constant 0 : i32
      %dma_wait3A_114 = arith.constant 0 : i32
      %dma_wait3A_115 = tpu.memref_slice %arg2[%dma_wait3A_113, %dma_wait3A_114] : memref<10240x128xf32, #tpu.memory_space<hbm>> -> memref<10240x128xf32, #tpu.memory_space<hbm>>
      tpu.wait_indirect_dma semaphore(%arg10 : memref<!tpu.dma_semaphore, #tpu.memory_space<semaphore_mem>>) src(%dma_wait3A_115 : memref<10240x128xf32, #tpu.memory_space<hbm>>) dst(%dma_wait3A_109 : memref<128x128xf32, #tpu.memory_space<vmem>>)
      %mul3A_116 = arith.constant 2 : i32
      %mul3A_117 = arith.muli %mul3A_116, %scan3A_89 : i32
      %run_scoped3A_118 = arith.constant 0 : i32
      "tpu.region"() ({
        %run_scoped3A_142 = tpu.sem_alloc : memref<!tpu.dma_semaphore, #tpu.memory_space<semaphore_mem>>
        %dma_start3A_143 = arith.constant 0 : i32
        %dma_start3A_144 = arith.constant 0 : i32
        %dma_start3A_145 = tpu.memref_slice %arg8[%run_scoped3A_118, %dma_start3A_143, %dma_start3A_144] : memref<2x128x128xf32, #tpu.memory_space<vmem>> -> memref<1x128x128xf32, #tpu.memory_space<vmem>>
        %dma_start3A_146 = tpu.memref_squeeze %dma_start3A_145 : memref<1x128x128xf32, #tpu.memory_space<vmem>> -> memref<128x128xf32, #tpu.memory_space<vmem>>
        %dma_start3A_147 = arith.constant 0 : i32
        %dma_start3A_148 = tpu.memref_slice %arg7[%mul3A_117, %dma_start3A_147] : memref<40x128xi32, #tpu.memory_space<vmem>> -> memref<1x128xi32, #tpu.memory_space<vmem>>
        %dma_start3A_149 = tpu.memref_squeeze %dma_start3A_148 : memref<1x128xi32, #tpu.memory_space<vmem>> -> memref<128xi32, #tpu.memory_space<vmem>>
        %dma_start3A_150 = arith.constant 0 : i32
        %dma_start3A_151 = arith.constant 0 : i32
        %dma_start3A_152 = tpu.memref_slice %arg9[%dma_start3A_150, %dma_start3A_151] : memref<10240x128xf32, #tpu.memory_space<vmem_shared>> -> memref<10240x128xf32, #tpu.memory_space<vmem_shared>>
        tpu.enqueue_indirect_dma source(%dma_start3A_146 : memref<128x128xf32, #tpu.memory_space<vmem>>) target(%dma_start3A_152 : memref<10240x128xf32, #tpu.memory_space<vmem_shared>>) offsets(%dma_start3A_149 : memref<128xi32, #tpu.memory_space<vmem>>) semaphore(%run_scoped3A_142 : memref<!tpu.dma_semaphore, #tpu.memory_space<semaphore_mem>>) {add = true}
        %dma_wait3A_153 = arith.constant 0 : i32
        %dma_wait3A_154 = arith.constant 0 : i32
        %dma_wait3A_155 = tpu.memref_slice %arg8[%run_scoped3A_118, %dma_wait3A_153, %dma_wait3A_154] : memref<2x128x128xf32, #tpu.memory_space<vmem>> -> memref<1x128x128xf32, #tpu.memory_space<vmem>>
        %dma_wait3A_156 = tpu.memref_squeeze %dma_wait3A_155 : memref<1x128x128xf32, #tpu.memory_space<vmem>> -> memref<128x128xf32, #tpu.memory_space<vmem>>
        %dma_wait3A_157 = arith.constant 0 : i32
        %dma_wait3A_158 = tpu.memref_slice %arg7[%mul3A_117, %dma_wait3A_157] : memref<40x128xi32, #tpu.memory_space<vmem>> -> memref<1x128xi32, #tpu.memory_space<vmem>>
        %dma_wait3A_159 = tpu.memref_squeeze %dma_wait3A_158 : memref<1x128xi32, #tpu.memory_space<vmem>> -> memref<128xi32, #tpu.memory_space<vmem>>
        %dma_wait3A_160 = arith.constant 0 : i32
        %dma_wait3A_161 = arith.constant 0 : i32
        %dma_wait3A_162 = tpu.memref_slice %arg9[%dma_wait3A_160, %dma_wait3A_161] : memref<10240x128xf32, #tpu.memory_space<vmem_shared>> -> memref<10240x128xf32, #tpu.memory_space<vmem_shared>>
        tpu.wait_indirect_dma semaphore(%run_scoped3A_142 : memref<!tpu.dma_semaphore, #tpu.memory_space<semaphore_mem>>) src(%dma_wait3A_156 : memref<128x128xf32, #tpu.memory_space<vmem>>) dst(%dma_wait3A_162 : memref<10240x128xf32, #tpu.memory_space<vmem_shared>>)
        tpu.yield
      }) : () -> ()
      %mul3A_119 = arith.constant 2 : i32
      %mul3A_120 = arith.muli %mul3A_119, %scan3A_89 : i32
      %add3A_121 = arith.constant 2 : i32
      %add3A_122 = arith.addi %mul3A_120, %add3A_121 : i32
      %lt3A = arith.constant 40 : i32
      %lt3A_123 = arith.cmpi slt, %add3A_122, %lt3A : i32
      %convert_element_type3A = arith.extui %lt3A_123 : i1 to i32
      %cond3A = arith.constant 0 : i32
      %cond3A_124 = arith.cmpi ne, %convert_element_type3A, %cond3A : i32
      scf.if %cond3A_124 {
        %mul3A_142 = arith.constant 2 : i32
        %mul3A_143 = arith.muli %mul3A_142, %scan3A_89 : i32
        %add3A_144 = arith.constant 2 : i32
        %add3A_145 = arith.addi %mul3A_143, %add3A_144 : i32
        %dma_start3A_146 = arith.constant 0 : i32
        %dma_start3A_147 = arith.constant 0 : i32
        %dma_start3A_148 = arith.constant 0 : i32
        %dma_start3A_149 = tpu.memref_slice %arg8[%dma_start3A_146, %dma_start3A_147, %dma_start3A_148] : memref<2x128x128xf32, #tpu.memory_space<vmem>> -> memref<1x128x128xf32, #tpu.memory_space<vmem>>
        %dma_start3A_150 = tpu.memref_squeeze %dma_start3A_149 : memref<1x128x128xf32, #tpu.memory_space<vmem>> -> memref<128x128xf32, #tpu.memory_space<vmem>>
        %dma_start3A_151 = arith.constant 0 : i32
        %dma_start3A_152 = tpu.memref_slice %arg6[%add3A_145, %dma_start3A_151] : memref<40x128xi32, #tpu.memory_space<vmem>> -> memref<1x128xi32, #tpu.memory_space<vmem>>
        %dma_start3A_153 = tpu.memref_squeeze %dma_start3A_152 : memref<1x128xi32, #tpu.memory_space<vmem>> -> memref<128xi32, #tpu.memory_space<vmem>>
        %dma_start3A_154 = arith.constant 0 : i32
        %dma_start3A_155 = arith.constant 0 : i32
        %dma_start3A_156 = tpu.memref_slice %arg2[%dma_start3A_154, %dma_start3A_155] : memref<10240x128xf32, #tpu.memory_space<hbm>> -> memref<10240x128xf32, #tpu.memory_space<hbm>>
        tpu.enqueue_indirect_dma source(%dma_start3A_156 : memref<10240x128xf32, #tpu.memory_space<hbm>>) target(%dma_start3A_150 : memref<128x128xf32, #tpu.memory_space<vmem>>) offsets(%dma_start3A_153 : memref<128xi32, #tpu.memory_space<vmem>>) semaphore(%arg10 : memref<!tpu.dma_semaphore, #tpu.memory_space<semaphore_mem>>)
      } else {
      }
      %dma_wait3A_125 = arith.constant 0 : i32
      %dma_wait3A_126 = arith.constant 1 : i32
      %dma_wait3A_127 = arith.constant 0 : i32
      %dma_wait3A_128 = arith.constant 0 : i32
      %dma_wait3A_129 = tpu.memref_slice %arg8[%dma_wait3A_126, %dma_wait3A_127, %dma_wait3A_128] : memref<2x128x128xf32, #tpu.memory_space<vmem>> -> memref<1x128x128xf32, #tpu.memory_space<vmem>>
      %dma_wait3A_130 = tpu.memref_squeeze %dma_wait3A_129 : memref<1x128x128xf32, #tpu.memory_space<vmem>> -> memref<128x128xf32, #tpu.memory_space<vmem>>
      %dma_wait3A_131 = arith.constant 0 : i32
      %dma_wait3A_132 = tpu.memref_slice %arg6[%dma_wait3A_125, %dma_wait3A_131] : memref<40x128xi32, #tpu.memory_space<vmem>> -> memref<1x128xi32, #tpu.memory_space<vmem>>
      %dma_wait3A_133 = tpu.memref_squeeze %dma_wait3A_132 : memref<1x128xi32, #tpu.memory_space<vmem>> -> memref<128xi32, #tpu.memory_space<vmem>>
      %dma_wait3A_134 = arith.constant 0 : i32
      %dma_wait3A_135 = arith.constant 0 : i32
      %dma_wait3A_136 = tpu.memref_slice %arg2[%dma_wait3A_134, %dma_wait3A_135] : memref<10240x128xf32, #tpu.memory_space<hbm>> -> memref<10240x128xf32, #tpu.memory_space<hbm>>
      tpu.wait_indirect_dma semaphore(%arg11 : memref<!tpu.dma_semaphore, #tpu.memory_space<semaphore_mem>>) src(%dma_wait3A_136 : memref<10240x128xf32, #tpu.memory_space<hbm>>) dst(%dma_wait3A_130 : memref<128x128xf32, #tpu.memory_space<vmem>>)
      %mul3A_137 = arith.constant 2 : i32
      %mul3A_138 = arith.muli %mul3A_137, %scan3A_89 : i32
      %add3A_139 = arith.constant 1 : i32
      %add3A_140 = arith.addi %mul3A_138, %add3A_139 : i32
      %run_scoped3A_141 = arith.constant 1 : i32
      "tpu.region"() ({
        %run_scoped3A_142 = tpu.sem_alloc : memref<!tpu.dma_semaphore, #tpu.memory_space<semaphore_mem>>
        %dma_start3A_143 = arith.constant 0 : i32
        %dma_start3A_144 = arith.constant 0 : i32
        %dma_start3A_145 = tpu.memref_slice %arg8[%run_scoped3A_141, %dma_start3A_143, %dma_start3A_144] : memref<2x128x128xf32, #tpu.memory_space<vmem>> -> memref<1x128x128xf32, #tpu.memory_space<vmem>>
        %dma_start3A_146 = tpu.memref_squeeze %dma_start3A_145 : memref<1x128x128xf32, #tpu.memory_space<vmem>> -> memref<128x128xf32, #tpu.memory_space<vmem>>
        %dma_start3A_147 = arith.constant 0 : i32
        %dma_start3A_148 = tpu.memref_slice %arg7[%add3A_140, %dma_start3A_147] : memref<40x128xi32, #tpu.memory_space<vmem>> -> memref<1x128xi32, #tpu.memory_space<vmem>>
        %dma_start3A_149 = tpu.memref_squeeze %dma_start3A_148 : memref<1x128xi32, #tpu.memory_space<vmem>> -> memref<128xi32, #tpu.memory_space<vmem>>
        %dma_start3A_150 = arith.constant 0 : i32
        %dma_start3A_151 = arith.constant 0 : i32
        %dma_start3A_152 = tpu.memref_slice %arg9[%dma_start3A_150, %dma_start3A_151] : memref<10240x128xf32, #tpu.memory_space<vmem_shared>> -> memref<10240x128xf32, #tpu.memory_space<vmem_shared>>
        tpu.enqueue_indirect_dma source(%dma_start3A_146 : memref<128x128xf32, #tpu.memory_space<vmem>>) target(%dma_start3A_152 : memref<10240x128xf32, #tpu.memory_space<vmem_shared>>) offsets(%dma_start3A_149 : memref<128xi32, #tpu.memory_space<vmem>>) semaphore(%run_scoped3A_142 : memref<!tpu.dma_semaphore, #tpu.memory_space<semaphore_mem>>) {add = true}
        %dma_wait3A_153 = arith.constant 0 : i32
        %dma_wait3A_154 = arith.constant 0 : i32
        %dma_wait3A_155 = tpu.memref_slice %arg8[%run_scoped3A_141, %dma_wait3A_153, %dma_wait3A_154] : memref<2x128x128xf32, #tpu.memory_space<vmem>> -> memref<1x128x128xf32, #tpu.memory_space<vmem>>
        %dma_wait3A_156 = tpu.memref_squeeze %dma_wait3A_155 : memref<1x128x128xf32, #tpu.memory_space<vmem>> -> memref<128x128xf32, #tpu.memory_space<vmem>>
        %dma_wait3A_157 = arith.constant 0 : i32
        %dma_wait3A_158 = tpu.memref_slice %arg7[%add3A_140, %dma_wait3A_157] : memref<40x128xi32, #tpu.memory_space<vmem>> -> memref<1x128xi32, #tpu.memory_space<vmem>>
        %dma_wait3A_159 = tpu.memref_squeeze %dma_wait3A_158 : memref<1x128xi32, #tpu.memory_space<vmem>> -> memref<128xi32, #tpu.memory_space<vmem>>
        %dma_wait3A_160 = arith.constant 0 : i32
        %dma_wait3A_161 = arith.constant 0 : i32
        %dma_wait3A_162 = tpu.memref_slice %arg9[%dma_wait3A_160, %dma_wait3A_161] : memref<10240x128xf32, #tpu.memory_space<vmem_shared>> -> memref<10240x128xf32, #tpu.memory_space<vmem_shared>>
        tpu.wait_indirect_dma semaphore(%run_scoped3A_142 : memref<!tpu.dma_semaphore, #tpu.memory_space<semaphore_mem>>) src(%dma_wait3A_156 : memref<128x128xf32, #tpu.memory_space<vmem>>) dst(%dma_wait3A_162 : memref<10240x128xf32, #tpu.memory_space<vmem_shared>>)
        tpu.yield
      }) : () -> ()
    }
    %scan3A_39 = arith.constant 20 : i32
    "tpu.region"() ({
      %run_scoped3A_89 = tpu.sem_alloc : memref<!tpu.dma_semaphore, #tpu.memory_space<semaphore_mem>>
      %dma_start3A_90 = arith.constant 40 : i32
      %dma_start3A_91 = arith.constant 0 : i32
      %dma_start3A_92 = tpu.memref_slice %arg3[%add3A, %dma_start3A_90, %dma_start3A_91] : memref<32x80x128xi32, #tpu.memory_space<hbm>> -> memref<1x40x128xi32, #tpu.memory_space<hbm>>
      %dma_start3A_93 = tpu.memref_squeeze %dma_start3A_92 : memref<1x40x128xi32, #tpu.memory_space<hbm>> -> memref<40x128xi32, #tpu.memory_space<hbm>>
      %dma_start3A_94 = arith.constant 40 : i32
      %dma_start3A_95 = arith.constant 0 : i32
      %dma_start3A_96 = tpu.memref_slice %arg3[%add3A, %dma_start3A_94, %dma_start3A_95] : memref<32x80x128xi32, #tpu.memory_space<hbm>> -> memref<1x40x128xi32, #tpu.memory_space<hbm>>
      %dma_start3A_97 = tpu.memref_squeeze %dma_start3A_96 : memref<1x40x128xi32, #tpu.memory_space<hbm>> -> memref<40x128xi32, #tpu.memory_space<hbm>>
      tpu.enqueue_dma source(%dma_start3A_97 : memref<40x128xi32, #tpu.memory_space<hbm>>) target(%arg6 : memref<40x128xi32, #tpu.memory_space<vmem>>) target_semaphore(%run_scoped3A_89 : memref<!tpu.dma_semaphore, #tpu.memory_space<semaphore_mem>>)
      %dma_wait3A = arith.constant 40 : i32
      %dma_wait3A_98 = arith.constant 0 : i32
      %dma_wait3A_99 = tpu.memref_slice %arg3[%add3A, %dma_wait3A, %dma_wait3A_98] : memref<32x80x128xi32, #tpu.memory_space<hbm>> -> memref<1x40x128xi32, #tpu.memory_space<hbm>>
      %dma_wait3A_100 = tpu.memref_squeeze %dma_wait3A_99 : memref<1x40x128xi32, #tpu.memory_space<hbm>> -> memref<40x128xi32, #tpu.memory_space<hbm>>
      %dma_wait3A_101 = arith.constant 40 : i32
      %dma_wait3A_102 = arith.constant 0 : i32
      %dma_wait3A_103 = tpu.memref_slice %arg3[%add3A, %dma_wait3A_101, %dma_wait3A_102] : memref<32x80x128xi32, #tpu.memory_space<hbm>> -> memref<1x40x128xi32, #tpu.memory_space<hbm>>
      %dma_wait3A_104 = tpu.memref_squeeze %dma_wait3A_103 : memref<1x40x128xi32, #tpu.memory_space<hbm>> -> memref<40x128xi32, #tpu.memory_space<hbm>>
      tpu.wait_dma2 semaphore(%run_scoped3A_89 : memref<!tpu.dma_semaphore, #tpu.memory_space<semaphore_mem>>) src(%dma_wait3A_104 : memref<40x128xi32, #tpu.memory_space<hbm>>) dst(%arg6 : memref<40x128xi32, #tpu.memory_space<vmem>>)
      tpu.yield
    }) : () -> ()
    "tpu.region"() ({
      %run_scoped3A_89 = tpu.sem_alloc : memref<!tpu.dma_semaphore, #tpu.memory_space<semaphore_mem>>
      %dma_start3A_90 = arith.constant 40 : i32
      %dma_start3A_91 = arith.constant 0 : i32
      %dma_start3A_92 = tpu.memref_slice %arg4[%add3A, %dma_start3A_90, %dma_start3A_91] : memref<32x80x128xi32, #tpu.memory_space<hbm>> -> memref<1x40x128xi32, #tpu.memory_space<hbm>>
      %dma_start3A_93 = tpu.memref_squeeze %dma_start3A_92 : memref<1x40x128xi32, #tpu.memory_space<hbm>> -> memref<40x128xi32, #tpu.memory_space<hbm>>
      %dma_start3A_94 = arith.constant 40 : i32
      %dma_start3A_95 = arith.constant 0 : i32
      %dma_start3A_96 = tpu.memref_slice %arg4[%add3A, %dma_start3A_94, %dma_start3A_95] : memref<32x80x128xi32, #tpu.memory_space<hbm>> -> memref<1x40x128xi32, #tpu.memory_space<hbm>>
      %dma_start3A_97 = tpu.memref_squeeze %dma_start3A_96 : memref<1x40x128xi32, #tpu.memory_space<hbm>> -> memref<40x128xi32, #tpu.memory_space<hbm>>
      tpu.enqueue_dma source(%dma_start3A_97 : memref<40x128xi32, #tpu.memory_space<hbm>>) target(%arg7 : memref<40x128xi32, #tpu.memory_space<vmem>>) target_semaphore(%run_scoped3A_89 : memref<!tpu.dma_semaphore, #tpu.memory_space<semaphore_mem>>)
      %dma_wait3A = arith.constant 40 : i32
      %dma_wait3A_98 = arith.constant 0 : i32
      %dma_wait3A_99 = tpu.memref_slice %arg4[%add3A, %dma_wait3A, %dma_wait3A_98] : memref<32x80x128xi32, #tpu.memory_space<hbm>> -> memref<1x40x128xi32, #tpu.memory_space<hbm>>
      %dma_wait3A_100 = tpu.memref_squeeze %dma_wait3A_99 : memref<1x40x128xi32, #tpu.memory_space<hbm>> -> memref<40x128xi32, #tpu.memory_space<hbm>>
      %dma_wait3A_101 = arith.constant 40 : i32
      %dma_wait3A_102 = arith.constant 0 : i32
      %dma_wait3A_103 = tpu.memref_slice %arg4[%add3A, %dma_wait3A_101, %dma_wait3A_102] : memref<32x80x128xi32, #tpu.memory_space<hbm>> -> memref<1x40x128xi32, #tpu.memory_space<hbm>>
      %dma_wait3A_104 = tpu.memref_squeeze %dma_wait3A_103 : memref<1x40x128xi32, #tpu.memory_space<hbm>> -> memref<40x128xi32, #tpu.memory_space<hbm>>
      tpu.wait_dma2 semaphore(%run_scoped3A_89 : memref<!tpu.dma_semaphore, #tpu.memory_space<semaphore_mem>>) src(%dma_wait3A_104 : memref<40x128xi32, #tpu.memory_space<hbm>>) dst(%arg7 : memref<40x128xi32, #tpu.memory_space<vmem>>)
      tpu.yield
    }) : () -> ()
    %dma_start3A_40 = arith.constant 0 : i32
    %dma_start3A_41 = arith.constant 0 : i32
    %dma_start3A_42 = arith.constant 0 : i32
    %dma_start3A_43 = arith.constant 0 : i32
    %dma_start3A_44 = tpu.memref_slice %arg8[%dma_start3A_41, %dma_start3A_42, %dma_start3A_43] : memref<2x128x128xf32, #tpu.memory_space<vmem>> -> memref<1x128x128xf32, #tpu.memory_space<vmem>>
    %dma_start3A_45 = tpu.memref_squeeze %dma_start3A_44 : memref<1x128x128xf32, #tpu.memory_space<vmem>> -> memref<128x128xf32, #tpu.memory_space<vmem>>
    %dma_start3A_46 = arith.constant 0 : i32
    %dma_start3A_47 = tpu.memref_slice %arg6[%dma_start3A_40, %dma_start3A_46] : memref<40x128xi32, #tpu.memory_space<vmem>> -> memref<1x128xi32, #tpu.memory_space<vmem>>
    %dma_start3A_48 = tpu.memref_squeeze %dma_start3A_47 : memref<1x128xi32, #tpu.memory_space<vmem>> -> memref<128xi32, #tpu.memory_space<vmem>>
    %dma_start3A_49 = arith.constant 0 : i32
    %dma_start3A_50 = arith.constant 0 : i32
    %dma_start3A_51 = tpu.memref_slice %arg2[%dma_start3A_49, %dma_start3A_50] : memref<10240x128xf32, #tpu.memory_space<hbm>> -> memref<10240x128xf32, #tpu.memory_space<hbm>>
    tpu.enqueue_indirect_dma source(%dma_start3A_51 : memref<10240x128xf32, #tpu.memory_space<hbm>>) target(%dma_start3A_45 : memref<128x128xf32, #tpu.memory_space<vmem>>) offsets(%dma_start3A_48 : memref<128xi32, #tpu.memory_space<vmem>>) semaphore(%arg10 : memref<!tpu.dma_semaphore, #tpu.memory_space<semaphore_mem>>)
    %scan3A_52 = arith.constant 0 : i32
    %scan3A_53 = arith.constant 0 : i32
    %scan3A_54 = arith.constant 20 : i32
    %scan3A_55 = arith.addi %scan3A_53, %scan3A_54 : i32
    %scan3A_56 = arith.constant 1 : i32
    scf.for %scan3A_89 = %scan3A_53 to %scan3A_55 step %scan3A_56  : i32 {
      %mul3A_90 = arith.constant 2 : i32
      %mul3A_91 = arith.muli %mul3A_90, %scan3A_89 : i32
      %add3A_92 = arith.constant 1 : i32
      %add3A_93 = arith.addi %mul3A_91, %add3A_92 : i32
      %dma_start3A_94 = arith.constant 1 : i32
      %dma_start3A_95 = arith.constant 0 : i32
      %dma_start3A_96 = arith.constant 0 : i32
      %dma_start3A_97 = tpu.memref_slice %arg8[%dma_start3A_94, %dma_start3A_95, %dma_start3A_96] : memref<2x128x128xf32, #tpu.memory_space<vmem>> -> memref<1x128x128xf32, #tpu.memory_space<vmem>>
      %dma_start3A_98 = tpu.memref_squeeze %dma_start3A_97 : memref<1x128x128xf32, #tpu.memory_space<vmem>> -> memref<128x128xf32, #tpu.memory_space<vmem>>
      %dma_start3A_99 = arith.constant 0 : i32
      %dma_start3A_100 = tpu.memref_slice %arg6[%add3A_93, %dma_start3A_99] : memref<40x128xi32, #tpu.memory_space<vmem>> -> memref<1x128xi32, #tpu.memory_space<vmem>>
      %dma_start3A_101 = tpu.memref_squeeze %dma_start3A_100 : memref<1x128xi32, #tpu.memory_space<vmem>> -> memref<128xi32, #tpu.memory_space<vmem>>
      %dma_start3A_102 = arith.constant 0 : i32
      %dma_start3A_103 = arith.constant 0 : i32
      %dma_start3A_104 = tpu.memref_slice %arg2[%dma_start3A_102, %dma_start3A_103] : memref<10240x128xf32, #tpu.memory_space<hbm>> -> memref<10240x128xf32, #tpu.memory_space<hbm>>
      tpu.enqueue_indirect_dma source(%dma_start3A_104 : memref<10240x128xf32, #tpu.memory_space<hbm>>) target(%dma_start3A_98 : memref<128x128xf32, #tpu.memory_space<vmem>>) offsets(%dma_start3A_101 : memref<128xi32, #tpu.memory_space<vmem>>) semaphore(%arg11 : memref<!tpu.dma_semaphore, #tpu.memory_space<semaphore_mem>>)
      %dma_wait3A = arith.constant 0 : i32
      %dma_wait3A_105 = arith.constant 0 : i32
      %dma_wait3A_106 = arith.constant 0 : i32
      %dma_wait3A_107 = arith.constant 0 : i32
      %dma_wait3A_108 = tpu.memref_slice %arg8[%dma_wait3A_105, %dma_wait3A_106, %dma_wait3A_107] : memref<2x128x128xf32, #tpu.memory_space<vmem>> -> memref<1x128x128xf32, #tpu.memory_space<vmem>>
      %dma_wait3A_109 = tpu.memref_squeeze %dma_wait3A_108 : memref<1x128x128xf32, #tpu.memory_space<vmem>> -> memref<128x128xf32, #tpu.memory_space<vmem>>
      %dma_wait3A_110 = arith.constant 0 : i32
      %dma_wait3A_111 = tpu.memref_slice %arg6[%dma_wait3A, %dma_wait3A_110] : memref<40x128xi32, #tpu.memory_space<vmem>> -> memref<1x128xi32, #tpu.memory_space<vmem>>
      %dma_wait3A_112 = tpu.memref_squeeze %dma_wait3A_111 : memref<1x128xi32, #tpu.memory_space<vmem>> -> memref<128xi32, #tpu.memory_space<vmem>>
      %dma_wait3A_113 = arith.constant 0 : i32
      %dma_wait3A_114 = arith.constant 0 : i32
      %dma_wait3A_115 = tpu.memref_slice %arg2[%dma_wait3A_113, %dma_wait3A_114] : memref<10240x128xf32, #tpu.memory_space<hbm>> -> memref<10240x128xf32, #tpu.memory_space<hbm>>
      tpu.wait_indirect_dma semaphore(%arg10 : memref<!tpu.dma_semaphore, #tpu.memory_space<semaphore_mem>>) src(%dma_wait3A_115 : memref<10240x128xf32, #tpu.memory_space<hbm>>) dst(%dma_wait3A_109 : memref<128x128xf32, #tpu.memory_space<vmem>>)
      %mul3A_116 = arith.constant 2 : i32
      %mul3A_117 = arith.muli %mul3A_116, %scan3A_89 : i32
      %run_scoped3A_118 = arith.constant 0 : i32
      "tpu.region"() ({
        %run_scoped3A_142 = tpu.sem_alloc : memref<!tpu.dma_semaphore, #tpu.memory_space<semaphore_mem>>
        %dma_start3A_143 = arith.constant 0 : i32
        %dma_start3A_144 = arith.constant 0 : i32
        %dma_start3A_145 = tpu.memref_slice %arg8[%run_scoped3A_118, %dma_start3A_143, %dma_start3A_144] : memref<2x128x128xf32, #tpu.memory_space<vmem>> -> memref<1x128x128xf32, #tpu.memory_space<vmem>>
        %dma_start3A_146 = tpu.memref_squeeze %dma_start3A_145 : memref<1x128x128xf32, #tpu.memory_space<vmem>> -> memref<128x128xf32, #tpu.memory_space<vmem>>
        %dma_start3A_147 = arith.constant 0 : i32
        %dma_start3A_148 = tpu.memref_slice %arg7[%mul3A_117, %dma_start3A_147] : memref<40x128xi32, #tpu.memory_space<vmem>> -> memref<1x128xi32, #tpu.memory_space<vmem>>
        %dma_start3A_149 = tpu.memref_squeeze %dma_start3A_148 : memref<1x128xi32, #tpu.memory_space<vmem>> -> memref<128xi32, #tpu.memory_space<vmem>>
        %dma_start3A_150 = arith.constant 0 : i32
        %dma_start3A_151 = arith.constant 0 : i32
        %dma_start3A_152 = tpu.memref_slice %arg9[%dma_start3A_150, %dma_start3A_151] : memref<10240x128xf32, #tpu.memory_space<vmem_shared>> -> memref<10240x128xf32, #tpu.memory_space<vmem_shared>>
        tpu.enqueue_indirect_dma source(%dma_start3A_146 : memref<128x128xf32, #tpu.memory_space<vmem>>) target(%dma_start3A_152 : memref<10240x128xf32, #tpu.memory_space<vmem_shared>>) offsets(%dma_start3A_149 : memref<128xi32, #tpu.memory_space<vmem>>) semaphore(%run_scoped3A_142 : memref<!tpu.dma_semaphore, #tpu.memory_space<semaphore_mem>>) {add = true}
        %dma_wait3A_153 = arith.constant 0 : i32
        %dma_wait3A_154 = arith.constant 0 : i32
        %dma_wait3A_155 = tpu.memref_slice %arg8[%run_scoped3A_118, %dma_wait3A_153, %dma_wait3A_154] : memref<2x128x128xf32, #tpu.memory_space<vmem>> -> memref<1x128x128xf32, #tpu.memory_space<vmem>>
        %dma_wait3A_156 = tpu.memref_squeeze %dma_wait3A_155 : memref<1x128x128xf32, #tpu.memory_space<vmem>> -> memref<128x128xf32, #tpu.memory_space<vmem>>
        %dma_wait3A_157 = arith.constant 0 : i32
        %dma_wait3A_158 = tpu.memref_slice %arg7[%mul3A_117, %dma_wait3A_157] : memref<40x128xi32, #tpu.memory_space<vmem>> -> memref<1x128xi32, #tpu.memory_space<vmem>>
        %dma_wait3A_159 = tpu.memref_squeeze %dma_wait3A_158 : memref<1x128xi32, #tpu.memory_space<vmem>> -> memref<128xi32, #tpu.memory_space<vmem>>
        %dma_wait3A_160 = arith.constant 0 : i32
        %dma_wait3A_161 = arith.constant 0 : i32
        %dma_wait3A_162 = tpu.memref_slice %arg9[%dma_wait3A_160, %dma_wait3A_161] : memref<10240x128xf32, #tpu.memory_space<vmem_shared>> -> memref<10240x128xf32, #tpu.memory_space<vmem_shared>>
        tpu.wait_indirect_dma semaphore(%run_scoped3A_142 : memref<!tpu.dma_semaphore, #tpu.memory_space<semaphore_mem>>) src(%dma_wait3A_156 : memref<128x128xf32, #tpu.memory_space<vmem>>) dst(%dma_wait3A_162 : memref<10240x128xf32, #tpu.memory_space<vmem_shared>>)
        tpu.yield
      }) : () -> ()
      %mul3A_119 = arith.constant 2 : i32
      %mul3A_120 = arith.muli %mul3A_119, %scan3A_89 : i32
      %add3A_121 = arith.constant 2 : i32
      %add3A_122 = arith.addi %mul3A_120, %add3A_121 : i32
      %lt3A = arith.constant 40 : i32
      %lt3A_123 = arith.cmpi slt, %add3A_122, %lt3A : i32
      %convert_element_type3A = arith.extui %lt3A_123 : i1 to i32
      %cond3A = arith.constant 0 : i32
      %cond3A_124 = arith.cmpi ne, %convert_element_type3A, %cond3A : i32
      scf.if %cond3A_124 {
        %mul3A_142 = arith.constant 2 : i32
        %mul3A_143 = arith.muli %mul3A_142, %scan3A_89 : i32
        %add3A_144 = arith.constant 2 : i32
        %add3A_145 = arith.addi %mul3A_143, %add3A_144 : i32
        %dma_start3A_146 = arith.constant 0 : i32
        %dma_start3A_147 = arith.constant 0 : i32
        %dma_start3A_148 = arith.constant 0 : i32
        %dma_start3A_149 = tpu.memref_slice %arg8[%dma_start3A_146, %dma_start3A_147, %dma_start3A_148] : memref<2x128x128xf32, #tpu.memory_space<vmem>> -> memref<1x128x128xf32, #tpu.memory_space<vmem>>
        %dma_start3A_150 = tpu.memref_squeeze %dma_start3A_149 : memref<1x128x128xf32, #tpu.memory_space<vmem>> -> memref<128x128xf32, #tpu.memory_space<vmem>>
        %dma_start3A_151 = arith.constant 0 : i32
        %dma_start3A_152 = tpu.memref_slice %arg6[%add3A_145, %dma_start3A_151] : memref<40x128xi32, #tpu.memory_space<vmem>> -> memref<1x128xi32, #tpu.memory_space<vmem>>
        %dma_start3A_153 = tpu.memref_squeeze %dma_start3A_152 : memref<1x128xi32, #tpu.memory_space<vmem>> -> memref<128xi32, #tpu.memory_space<vmem>>
        %dma_start3A_154 = arith.constant 0 : i32
        %dma_start3A_155 = arith.constant 0 : i32
        %dma_start3A_156 = tpu.memref_slice %arg2[%dma_start3A_154, %dma_start3A_155] : memref<10240x128xf32, #tpu.memory_space<hbm>> -> memref<10240x128xf32, #tpu.memory_space<hbm>>
        tpu.enqueue_indirect_dma source(%dma_start3A_156 : memref<10240x128xf32, #tpu.memory_space<hbm>>) target(%dma_start3A_150 : memref<128x128xf32, #tpu.memory_space<vmem>>) offsets(%dma_start3A_153 : memref<128xi32, #tpu.memory_space<vmem>>) semaphore(%arg10 : memref<!tpu.dma_semaphore, #tpu.memory_space<semaphore_mem>>)
      } else {
      }
      %dma_wait3A_125 = arith.constant 0 : i32
      %dma_wait3A_126 = arith.constant 1 : i32
      %dma_wait3A_127 = arith.constant 0 : i32
      %dma_wait3A_128 = arith.constant 0 : i32
      %dma_wait3A_129 = tpu.memref_slice %arg8[%dma_wait3A_126, %dma_wait3A_127, %dma_wait3A_128] : memref<2x128x128xf32, #tpu.memory_space<vmem>> -> memref<1x128x128xf32, #tpu.memory_space<vmem>>
      %dma_wait3A_130 = tpu.memref_squeeze %dma_wait3A_129 : memref<1x128x128xf32, #tpu.memory_space<vmem>> -> memref<128x128xf32, #tpu.memory_space<vmem>>
      %dma_wait3A_131 = arith.constant 0 : i32
      %dma_wait3A_132 = tpu.memref_slice %arg6[%dma_wait3A_125, %dma_wait3A_131] : memref<40x128xi32, #tpu.memory_space<vmem>> -> memref<1x128xi32, #tpu.memory_space<vmem>>
      %dma_wait3A_133 = tpu.memref_squeeze %dma_wait3A_132 : memref<1x128xi32, #tpu.memory_space<vmem>> -> memref<128xi32, #tpu.memory_space<vmem>>
      %dma_wait3A_134 = arith.constant 0 : i32
      %dma_wait3A_135 = arith.constant 0 : i32
      %dma_wait3A_136 = tpu.memref_slice %arg2[%dma_wait3A_134, %dma_wait3A_135] : memref<10240x128xf32, #tpu.memory_space<hbm>> -> memref<10240x128xf32, #tpu.memory_space<hbm>>
      tpu.wait_indirect_dma semaphore(%arg11 : memref<!tpu.dma_semaphore, #tpu.memory_space<semaphore_mem>>) src(%dma_wait3A_136 : memref<10240x128xf32, #tpu.memory_space<hbm>>) dst(%dma_wait3A_130 : memref<128x128xf32, #tpu.memory_space<vmem>>)
      %mul3A_137 = arith.constant 2 : i32
      %mul3A_138 = arith.muli %mul3A_137, %scan3A_89 : i32
      %add3A_139 = arith.constant 1 : i32
      %add3A_140 = arith.addi %mul3A_138, %add3A_139 : i32
      %run_scoped3A_141 = arith.constant 1 : i32
      "tpu.region"() ({
        %run_scoped3A_142 = tpu.sem_alloc : memref<!tpu.dma_semaphore, #tpu.memory_space<semaphore_mem>>
        %dma_start3A_143 = arith.constant 0 : i32
        %dma_start3A_144 = arith.constant 0 : i32
        %dma_start3A_145 = tpu.memref_slice %arg8[%run_scoped3A_141, %dma_start3A_143, %dma_start3A_144] : memref<2x128x128xf32, #tpu.memory_space<vmem>> -> memref<1x128x128xf32, #tpu.memory_space<vmem>>
        %dma_start3A_146 = tpu.memref_squeeze %dma_start3A_145 : memref<1x128x128xf32, #tpu.memory_space<vmem>> -> memref<128x128xf32, #tpu.memory_space<vmem>>
        %dma_start3A_147 = arith.constant 0 : i32
        %dma_start3A_148 = tpu.memref_slice %arg7[%add3A_140, %dma_start3A_147] : memref<40x128xi32, #tpu.memory_space<vmem>> -> memref<1x128xi32, #tpu.memory_space<vmem>>
        %dma_start3A_149 = tpu.memref_squeeze %dma_start3A_148 : memref<1x128xi32, #tpu.memory_space<vmem>> -> memref<128xi32, #tpu.memory_space<vmem>>
        %dma_start3A_150 = arith.constant 0 : i32
        %dma_start3A_151 = arith.constant 0 : i32
        %dma_start3A_152 = tpu.memref_slice %arg9[%dma_start3A_150, %dma_start3A_151] : memref<10240x128xf32, #tpu.memory_space<vmem_shared>> -> memref<10240x128xf32, #tpu.memory_space<vmem_shared>>
        tpu.enqueue_indirect_dma source(%dma_start3A_146 : memref<128x128xf32, #tpu.memory_space<vmem>>) target(%dma_start3A_152 : memref<10240x128xf32, #tpu.memory_space<vmem_shared>>) offsets(%dma_start3A_149 : memref<128xi32, #tpu.memory_space<vmem>>) semaphore(%run_scoped3A_142 : memref<!tpu.dma_semaphore, #tpu.memory_space<semaphore_mem>>) {add = true}
        %dma_wait3A_153 = arith.constant 0 : i32
        %dma_wait3A_154 = arith.constant 0 : i32
        %dma_wait3A_155 = tpu.memref_slice %arg8[%run_scoped3A_141, %dma_wait3A_153, %dma_wait3A_154] : memref<2x128x128xf32, #tpu.memory_space<vmem>> -> memref<1x128x128xf32, #tpu.memory_space<vmem>>
        %dma_wait3A_156 = tpu.memref_squeeze %dma_wait3A_155 : memref<1x128x128xf32, #tpu.memory_space<vmem>> -> memref<128x128xf32, #tpu.memory_space<vmem>>
        %dma_wait3A_157 = arith.constant 0 : i32
        %dma_wait3A_158 = tpu.memref_slice %arg7[%add3A_140, %dma_wait3A_157] : memref<40x128xi32, #tpu.memory_space<vmem>> -> memref<1x128xi32, #tpu.memory_space<vmem>>
        %dma_wait3A_159 = tpu.memref_squeeze %dma_wait3A_158 : memref<1x128xi32, #tpu.memory_space<vmem>> -> memref<128xi32, #tpu.memory_space<vmem>>
        %dma_wait3A_160 = arith.constant 0 : i32
        %dma_wait3A_161 = arith.constant 0 : i32
        %dma_wait3A_162 = tpu.memref_slice %arg9[%dma_wait3A_160, %dma_wait3A_161] : memref<10240x128xf32, #tpu.memory_space<vmem_shared>> -> memref<10240x128xf32, #tpu.memory_space<vmem_shared>>
        tpu.wait_indirect_dma semaphore(%run_scoped3A_142 : memref<!tpu.dma_semaphore, #tpu.memory_space<semaphore_mem>>) src(%dma_wait3A_156 : memref<128x128xf32, #tpu.memory_space<vmem>>) dst(%dma_wait3A_162 : memref<10240x128xf32, #tpu.memory_space<vmem_shared>>)
        tpu.yield
      }) : () -> ()
    }
    %scan3A_57 = arith.constant 20 : i32
    %barrier3A_58 = arith.constant 0 : index
    tpu.barrier barrier_id(%barrier3A_58)
    %add3A_59 = arith.constant 0 : i32
    %add3A_60 = arith.addi %mul3A_8, %add3A_59 : i32
    %run_scoped3A_61 = arith.constant 0 : i32
    "tpu.region"() ({
      %run_scoped3A_89 = tpu.sem_alloc : memref<!tpu.dma_semaphore, #tpu.memory_space<semaphore_mem>>
      %dma_start3A_90 = arith.constant 0 : i32
      %dma_start3A_91 = arith.constant 0 : i32
      %dma_start3A_92 = tpu.memref_slice %arg8[%run_scoped3A_61, %dma_start3A_90, %dma_start3A_91] : memref<2x128x128xf32, #tpu.memory_space<vmem>> -> memref<1x128x128xf32, #tpu.memory_space<vmem>>
      %dma_start3A_93 = tpu.memref_squeeze %dma_start3A_92 : memref<1x128x128xf32, #tpu.memory_space<vmem>> -> memref<128x128xf32, #tpu.memory_space<vmem>>
      %dma_start3A_94 = arith.constant 0 : i32
      %dma_start3A_95 = tpu.memref_slice %arg9[%add3A_60, %dma_start3A_94] : memref<10240x128xf32, #tpu.memory_space<vmem_shared>> -> memref<128x128xf32, #tpu.memory_space<vmem_shared>>
      %dma_start3A_96 = arith.constant 0 : i32
      %dma_start3A_97 = arith.constant 0 : i32
      %dma_start3A_98 = tpu.memref_slice %arg8[%run_scoped3A_61, %dma_start3A_96, %dma_start3A_97] : memref<2x128x128xf32, #tpu.memory_space<vmem>> -> memref<1x128x128xf32, #tpu.memory_space<vmem>>
      %dma_start3A_99 = tpu.memref_squeeze %dma_start3A_98 : memref<1x128x128xf32, #tpu.memory_space<vmem>> -> memref<128x128xf32, #tpu.memory_space<vmem>>
      %dma_start3A_100 = arith.constant 0 : i32
      %dma_start3A_101 = tpu.memref_slice %arg9[%add3A_60, %dma_start3A_100] : memref<10240x128xf32, #tpu.memory_space<vmem_shared>> -> memref<128x128xf32, #tpu.memory_space<vmem_shared>>
      tpu.enqueue_dma source(%dma_start3A_101 : memref<128x128xf32, #tpu.memory_space<vmem_shared>>) target(%dma_start3A_99 : memref<128x128xf32, #tpu.memory_space<vmem>>) target_semaphore(%run_scoped3A_89 : memref<!tpu.dma_semaphore, #tpu.memory_space<semaphore_mem>>)
      %dma_wait3A = arith.constant 0 : i32
      %dma_wait3A_102 = arith.constant 0 : i32
      %dma_wait3A_103 = tpu.memref_slice %arg8[%run_scoped3A_61, %dma_wait3A, %dma_wait3A_102] : memref<2x128x128xf32, #tpu.memory_space<vmem>> -> memref<1x128x128xf32, #tpu.memory_space<vmem>>
      %dma_wait3A_104 = tpu.memref_squeeze %dma_wait3A_103 : memref<1x128x128xf32, #tpu.memory_space<vmem>> -> memref<128x128xf32, #tpu.memory_space<vmem>>
      %dma_wait3A_105 = arith.constant 0 : i32
      %dma_wait3A_106 = tpu.memref_slice %arg9[%add3A_60, %dma_wait3A_105] : memref<10240x128xf32, #tpu.memory_space<vmem_shared>> -> memref<128x128xf32, #tpu.memory_space<vmem_shared>>
      %dma_wait3A_107 = arith.constant 0 : i32
      %dma_wait3A_108 = arith.constant 0 : i32
      %dma_wait3A_109 = tpu.memref_slice %arg8[%run_scoped3A_61, %dma_wait3A_107, %dma_wait3A_108] : memref<2x128x128xf32, #tpu.memory_space<vmem>> -> memref<1x128x128xf32, #tpu.memory_space<vmem>>
      %dma_wait3A_110 = tpu.memref_squeeze %dma_wait3A_109 : memref<1x128x128xf32, #tpu.memory_space<vmem>> -> memref<128x128xf32, #tpu.memory_space<vmem>>
      %dma_wait3A_111 = arith.constant 0 : i32
      %dma_wait3A_112 = tpu.memref_slice %arg9[%add3A_60, %dma_wait3A_111] : memref<10240x128xf32, #tpu.memory_space<vmem_shared>> -> memref<128x128xf32, #tpu.memory_space<vmem_shared>>
      tpu.wait_dma2 semaphore(%run_scoped3A_89 : memref<!tpu.dma_semaphore, #tpu.memory_space<semaphore_mem>>) src(%dma_wait3A_112 : memref<128x128xf32, #tpu.memory_space<vmem_shared>>) dst(%dma_wait3A_110 : memref<128x128xf32, #tpu.memory_space<vmem>>)
      tpu.yield
    }) : () -> ()
    %add3A_62 = arith.constant 0 : i32
    %add3A_63 = arith.addi %mul3A_8, %add3A_62 : i32
    %run_scoped3A_64 = arith.constant 0 : i32
    "tpu.region"() ({
      %run_scoped3A_89 = tpu.sem_alloc : memref<!tpu.dma_semaphore, #tpu.memory_space<semaphore_mem>>
      %dma_start3A_90 = arith.constant 0 : i32
      %dma_start3A_91 = arith.constant 0 : i32
      %dma_start3A_92 = tpu.memref_slice %arg8[%run_scoped3A_64, %dma_start3A_90, %dma_start3A_91] : memref<2x128x128xf32, #tpu.memory_space<vmem>> -> memref<1x128x128xf32, #tpu.memory_space<vmem>>
      %dma_start3A_93 = tpu.memref_squeeze %dma_start3A_92 : memref<1x128x128xf32, #tpu.memory_space<vmem>> -> memref<128x128xf32, #tpu.memory_space<vmem>>
      %dma_start3A_94 = arith.constant 0 : i32
      %dma_start3A_95 = tpu.memref_slice %arg5[%arg0, %add3A_63, %dma_start3A_94] : memref<2x10240x128xf32, #tpu.memory_space<hbm>> -> memref<1x128x128xf32, #tpu.memory_space<hbm>>
      %dma_start3A_96 = tpu.memref_squeeze %dma_start3A_95 : memref<1x128x128xf32, #tpu.memory_space<hbm>> -> memref<128x128xf32, #tpu.memory_space<hbm>>
      %dma_start3A_97 = arith.constant 0 : i32
      %dma_start3A_98 = tpu.memref_slice %arg5[%arg0, %add3A_63, %dma_start3A_97] : memref<2x10240x128xf32, #tpu.memory_space<hbm>> -> memref<1x128x128xf32, #tpu.memory_space<hbm>>
      %dma_start3A_99 = tpu.memref_squeeze %dma_start3A_98 : memref<1x128x128xf32, #tpu.memory_space<hbm>> -> memref<128x128xf32, #tpu.memory_space<hbm>>
      %dma_start3A_100 = arith.constant 0 : i32
      %dma_start3A_101 = arith.constant 0 : i32
      %dma_start3A_102 = tpu.memref_slice %arg8[%run_scoped3A_64, %dma_start3A_100, %dma_start3A_101] : memref<2x128x128xf32, #tpu.memory_space<vmem>> -> memref<1x128x128xf32, #tpu.memory_space<vmem>>
      %dma_start3A_103 = tpu.memref_squeeze %dma_start3A_102 : memref<1x128x128xf32, #tpu.memory_space<vmem>> -> memref<128x128xf32, #tpu.memory_space<vmem>>
      tpu.enqueue_dma source(%dma_start3A_103 : memref<128x128xf32, #tpu.memory_space<vmem>>) target(%dma_start3A_99 : memref<128x128xf32, #tpu.memory_space<hbm>>) target_semaphore(%run_scoped3A_89 : memref<!tpu.dma_semaphore, #tpu.memory_space<semaphore_mem>>)
      %dma_wait3A = arith.constant 0 : i32
      %dma_wait3A_104 = arith.constant 0 : i32
      %dma_wait3A_105 = tpu.memref_slice %arg8[%run_scoped3A_64, %dma_wait3A, %dma_wait3A_104] : memref<2x128x128xf32, #tpu.memory_space<vmem>> -> memref<1x128x128xf32, #tpu.memory_space<vmem>>
      %dma_wait3A_106 = tpu.memref_squeeze %dma_wait3A_105 : memref<1x128x128xf32, #tpu.memory_space<vmem>> -> memref<128x128xf32, #tpu.memory_space<vmem>>
      %dma_wait3A_107 = arith.constant 0 : i32
      %dma_wait3A_108 = tpu.memref_slice %arg5[%arg0, %add3A_63, %dma_wait3A_107] : memref<2x10240x128xf32, #tpu.memory_space<hbm>> -> memref<1x128x128xf32, #tpu.memory_space<hbm>>
      %dma_wait3A_109 = tpu.memref_squeeze %dma_wait3A_108 : memref<1x128x128xf32, #tpu.memory_space<hbm>> -> memref<128x128xf32, #tpu.memory_space<hbm>>
      %dma_wait3A_110 = arith.constant 0 : i32
      %dma_wait3A_111 = tpu.memref_slice %arg5[%arg0, %add3A_63, %dma_wait3A_110] : memref<2x10240x128xf32, #tpu.memory_space<hbm>> -> memref<1x128x128xf32, #tpu.memory_space<hbm>>
      %dma_wait3A_112 = tpu.memref_squeeze %dma_wait3A_111 : memref<1x128x128xf32, #tpu.memory_space<hbm>> -> memref<128x128xf32, #tpu.memory_space<hbm>>
      %dma_wait3A_113 = arith.constant 0 : i32
      %dma_wait3A_114 = arith.constant 0 : i32
      %dma_wait3A_115 = tpu.memref_slice %arg8[%run_scoped3A_64, %dma_wait3A_113, %dma_wait3A_114] : memref<2x128x128xf32, #tpu.memory_space<vmem>> -> memref<1x128x128xf32, #tpu.memory_space<vmem>>
      %dma_wait3A_116 = tpu.memref_squeeze %dma_wait3A_115 : memref<1x128x128xf32, #tpu.memory_space<vmem>> -> memref<128x128xf32, #tpu.memory_space<vmem>>
      tpu.wait_dma2 semaphore(%run_scoped3A_89 : memref<!tpu.dma_semaphore, #tpu.memory_space<semaphore_mem>>) src(%dma_wait3A_116 : memref<128x128xf32, #tpu.memory_space<vmem>>) dst(%dma_wait3A_112 : memref<128x128xf32, #tpu.memory_space<hbm>>)
      tpu.yield
    }) : () -> ()
    %add3A_65 = arith.constant 128 : i32
    %add3A_66 = arith.addi %mul3A_8, %add3A_65 : i32
    %run_scoped3A_67 = arith.constant 0 : i32
    "tpu.region"() ({
      %run_scoped3A_89 = tpu.sem_alloc : memref<!tpu.dma_semaphore, #tpu.memory_space<semaphore_mem>>
      %dma_start3A_90 = arith.constant 0 : i32
      %dma_start3A_91 = arith.constant 0 : i32
      %dma_start3A_92 = tpu.memref_slice %arg8[%run_scoped3A_67, %dma_start3A_90, %dma_start3A_91] : memref<2x128x128xf32, #tpu.memory_space<vmem>> -> memref<1x128x128xf32, #tpu.memory_space<vmem>>
      %dma_start3A_93 = tpu.memref_squeeze %dma_start3A_92 : memref<1x128x128xf32, #tpu.memory_space<vmem>> -> memref<128x128xf32, #tpu.memory_space<vmem>>
      %dma_start3A_94 = arith.constant 0 : i32
      %dma_start3A_95 = tpu.memref_slice %arg9[%add3A_66, %dma_start3A_94] : memref<10240x128xf32, #tpu.memory_space<vmem_shared>> -> memref<128x128xf32, #tpu.memory_space<vmem_shared>>
      %dma_start3A_96 = arith.constant 0 : i32
      %dma_start3A_97 = arith.constant 0 : i32
      %dma_start3A_98 = tpu.memref_slice %arg8[%run_scoped3A_67, %dma_start3A_96, %dma_start3A_97] : memref<2x128x128xf32, #tpu.memory_space<vmem>> -> memref<1x128x128xf32, #tpu.memory_space<vmem>>
      %dma_start3A_99 = tpu.memref_squeeze %dma_start3A_98 : memref<1x128x128xf32, #tpu.memory_space<vmem>> -> memref<128x128xf32, #tpu.memory_space<vmem>>
      %dma_start3A_100 = arith.constant 0 : i32
      %dma_start3A_101 = tpu.memref_slice %arg9[%add3A_66, %dma_start3A_100] : memref<10240x128xf32, #tpu.memory_space<vmem_shared>> -> memref<128x128xf32, #tpu.memory_space<vmem_shared>>
      tpu.enqueue_dma source(%dma_start3A_101 : memref<128x128xf32, #tpu.memory_space<vmem_shared>>) target(%dma_start3A_99 : memref<128x128xf32, #tpu.memory_space<vmem>>) target_semaphore(%run_scoped3A_89 : memref<!tpu.dma_semaphore, #tpu.memory_space<semaphore_mem>>)
      %dma_wait3A = arith.constant 0 : i32
      %dma_wait3A_102 = arith.constant 0 : i32
      %dma_wait3A_103 = tpu.memref_slice %arg8[%run_scoped3A_67, %dma_wait3A, %dma_wait3A_102] : memref<2x128x128xf32, #tpu.memory_space<vmem>> -> memref<1x128x128xf32, #tpu.memory_space<vmem>>
      %dma_wait3A_104 = tpu.memref_squeeze %dma_wait3A_103 : memref<1x128x128xf32, #tpu.memory_space<vmem>> -> memref<128x128xf32, #tpu.memory_space<vmem>>
      %dma_wait3A_105 = arith.constant 0 : i32
      %dma_wait3A_106 = tpu.memref_slice %arg9[%add3A_66, %dma_wait3A_105] : memref<10240x128xf32, #tpu.memory_space<vmem_shared>> -> memref<128x128xf32, #tpu.memory_space<vmem_shared>>
      %dma_wait3A_107 = arith.constant 0 : i32
      %dma_wait3A_108 = arith.constant 0 : i32
      %dma_wait3A_109 = tpu.memref_slice %arg8[%run_scoped3A_67, %dma_wait3A_107, %dma_wait3A_108] : memref<2x128x128xf32, #tpu.memory_space<vmem>> -> memref<1x128x128xf32, #tpu.memory_space<vmem>>
      %dma_wait3A_110 = tpu.memref_squeeze %dma_wait3A_109 : memref<1x128x128xf32, #tpu.memory_space<vmem>> -> memref<128x128xf32, #tpu.memory_space<vmem>>
      %dma_wait3A_111 = arith.constant 0 : i32
      %dma_wait3A_112 = tpu.memref_slice %arg9[%add3A_66, %dma_wait3A_111] : memref<10240x128xf32, #tpu.memory_space<vmem_shared>> -> memref<128x128xf32, #tpu.memory_space<vmem_shared>>
      tpu.wait_dma2 semaphore(%run_scoped3A_89 : memref<!tpu.dma_semaphore, #tpu.memory_space<semaphore_mem>>) src(%dma_wait3A_112 : memref<128x128xf32, #tpu.memory_space<vmem_shared>>) dst(%dma_wait3A_110 : memref<128x128xf32, #tpu.memory_space<vmem>>)
      tpu.yield
    }) : () -> ()
    %add3A_68 = arith.constant 128 : i32
    %add3A_69 = arith.addi %mul3A_8, %add3A_68 : i32
    %run_scoped3A_70 = arith.constant 0 : i32
    "tpu.region"() ({
      %run_scoped3A_89 = tpu.sem_alloc : memref<!tpu.dma_semaphore, #tpu.memory_space<semaphore_mem>>
      %dma_start3A_90 = arith.constant 0 : i32
      %dma_start3A_91 = arith.constant 0 : i32
      %dma_start3A_92 = tpu.memref_slice %arg8[%run_scoped3A_70, %dma_start3A_90, %dma_start3A_91] : memref<2x128x128xf32, #tpu.memory_space<vmem>> -> memref<1x128x128xf32, #tpu.memory_space<vmem>>
      %dma_start3A_93 = tpu.memref_squeeze %dma_start3A_92 : memref<1x128x128xf32, #tpu.memory_space<vmem>> -> memref<128x128xf32, #tpu.memory_space<vmem>>
      %dma_start3A_94 = arith.constant 0 : i32
      %dma_start3A_95 = tpu.memref_slice %arg5[%arg0, %add3A_69, %dma_start3A_94] : memref<2x10240x128xf32, #tpu.memory_space<hbm>> -> memref<1x128x128xf32, #tpu.memory_space<hbm>>
      %dma_start3A_96 = tpu.memref_squeeze %dma_start3A_95 : memref<1x128x128xf32, #tpu.memory_space<hbm>> -> memref<128x128xf32, #tpu.memory_space<hbm>>
      %dma_start3A_97 = arith.constant 0 : i32
      %dma_start3A_98 = tpu.memref_slice %arg5[%arg0, %add3A_69, %dma_start3A_97] : memref<2x10240x128xf32, #tpu.memory_space<hbm>> -> memref<1x128x128xf32, #tpu.memory_space<hbm>>
      %dma_start3A_99 = tpu.memref_squeeze %dma_start3A_98 : memref<1x128x128xf32, #tpu.memory_space<hbm>> -> memref<128x128xf32, #tpu.memory_space<hbm>>
      %dma_start3A_100 = arith.constant 0 : i32
      %dma_start3A_101 = arith.constant 0 : i32
      %dma_start3A_102 = tpu.memref_slice %arg8[%run_scoped3A_70, %dma_start3A_100, %dma_start3A_101] : memref<2x128x128xf32, #tpu.memory_space<vmem>> -> memref<1x128x128xf32, #tpu.memory_space<vmem>>
      %dma_start3A_103 = tpu.memref_squeeze %dma_start3A_102 : memref<1x128x128xf32, #tpu.memory_space<vmem>> -> memref<128x128xf32, #tpu.memory_space<vmem>>
      tpu.enqueue_dma source(%dma_start3A_103 : memref<128x128xf32, #tpu.memory_space<vmem>>) target(%dma_start3A_99 : memref<128x128xf32, #tpu.memory_space<hbm>>) target_semaphore(%run_scoped3A_89 : memref<!tpu.dma_semaphore, #tpu.memory_space<semaphore_mem>>)
      %dma_wait3A = arith.constant 0 : i32
      %dma_wait3A_104 = arith.constant 0 : i32
      %dma_wait3A_105 = tpu.memref_slice %arg8[%run_scoped3A_70, %dma_wait3A, %dma_wait3A_104] : memref<2x128x128xf32, #tpu.memory_space<vmem>> -> memref<1x128x128xf32, #tpu.memory_space<vmem>>
      %dma_wait3A_106 = tpu.memref_squeeze %dma_wait3A_105 : memref<1x128x128xf32, #tpu.memory_space<vmem>> -> memref<128x128xf32, #tpu.memory_space<vmem>>
      %dma_wait3A_107 = arith.constant 0 : i32
      %dma_wait3A_108 = tpu.memref_slice %arg5[%arg0, %add3A_69, %dma_wait3A_107] : memref<2x10240x128xf32, #tpu.memory_space<hbm>> -> memref<1x128x128xf32, #tpu.memory_space<hbm>>
      %dma_wait3A_109 = tpu.memref_squeeze %dma_wait3A_108 : memref<1x128x128xf32, #tpu.memory_space<hbm>> -> memref<128x128xf32, #tpu.memory_space<hbm>>
      %dma_wait3A_110 = arith.constant 0 : i32
      %dma_wait3A_111 = tpu.memref_slice %arg5[%arg0, %add3A_69, %dma_wait3A_110] : memref<2x10240x128xf32, #tpu.memory_space<hbm>> -> memref<1x128x128xf32, #tpu.memory_space<hbm>>
      %dma_wait3A_112 = tpu.memref_squeeze %dma_wait3A_111 : memref<1x128x128xf32, #tpu.memory_space<hbm>> -> memref<128x128xf32, #tpu.memory_space<hbm>>
      %dma_wait3A_113 = arith.constant 0 : i32
      %dma_wait3A_114 = arith.constant 0 : i32
      %dma_wait3A_115 = tpu.memref_slice %arg8[%run_scoped3A_70, %dma_wait3A_113, %dma_wait3A_114] : memref<2x128x128xf32, #tpu.memory_space<vmem>> -> memref<1x128x128xf32, #tpu.memory_space<vmem>>
      %dma_wait3A_116 = tpu.memref_squeeze %dma_wait3A_115 : memref<1x128x128xf32, #tpu.memory_space<vmem>> -> memref<128x128xf32, #tpu.memory_space<vmem>>
      tpu.wait_dma2 semaphore(%run_scoped3A_89 : memref<!tpu.dma_semaphore, #tpu.memory_space<semaphore_mem>>) src(%dma_wait3A_116 : memref<128x128xf32, #tpu.memory_space<vmem>>) dst(%dma_wait3A_112 : memref<128x128xf32, #tpu.memory_space<hbm>>)
      tpu.yield
    }) : () -> ()
    %add3A_71 = arith.constant 256 : i32
    %add3A_72 = arith.addi %mul3A_8, %add3A_71 : i32
    %run_scoped3A_73 = arith.constant 0 : i32
    "tpu.region"() ({
      %run_scoped3A_89 = tpu.sem_alloc : memref<!tpu.dma_semaphore, #tpu.memory_space<semaphore_mem>>
      %dma_start3A_90 = arith.constant 0 : i32
      %dma_start3A_91 = arith.constant 0 : i32
      %dma_start3A_92 = tpu.memref_slice %arg8[%run_scoped3A_73, %dma_start3A_90, %dma_start3A_91] : memref<2x128x128xf32, #tpu.memory_space<vmem>> -> memref<1x128x128xf32, #tpu.memory_space<vmem>>
      %dma_start3A_93 = tpu.memref_squeeze %dma_start3A_92 : memref<1x128x128xf32, #tpu.memory_space<vmem>> -> memref<128x128xf32, #tpu.memory_space<vmem>>
      %dma_start3A_94 = arith.constant 0 : i32
      %dma_start3A_95 = tpu.memref_slice %arg9[%add3A_72, %dma_start3A_94] : memref<10240x128xf32, #tpu.memory_space<vmem_shared>> -> memref<128x128xf32, #tpu.memory_space<vmem_shared>>
      %dma_start3A_96 = arith.constant 0 : i32
      %dma_start3A_97 = arith.constant 0 : i32
      %dma_start3A_98 = tpu.memref_slice %arg8[%run_scoped3A_73, %dma_start3A_96, %dma_start3A_97] : memref<2x128x128xf32, #tpu.memory_space<vmem>> -> memref<1x128x128xf32, #tpu.memory_space<vmem>>
      %dma_start3A_99 = tpu.memref_squeeze %dma_start3A_98 : memref<1x128x128xf32, #tpu.memory_space<vmem>> -> memref<128x128xf32, #tpu.memory_space<vmem>>
      %dma_start3A_100 = arith.constant 0 : i32
      %dma_start3A_101 = tpu.memref_slice %arg9[%add3A_72, %dma_start3A_100] : memref<10240x128xf32, #tpu.memory_space<vmem_shared>> -> memref<128x128xf32, #tpu.memory_space<vmem_shared>>
      tpu.enqueue_dma source(%dma_start3A_101 : memref<128x128xf32, #tpu.memory_space<vmem_shared>>) target(%dma_start3A_99 : memref<128x128xf32, #tpu.memory_space<vmem>>) target_semaphore(%run_scoped3A_89 : memref<!tpu.dma_semaphore, #tpu.memory_space<semaphore_mem>>)
      %dma_wait3A = arith.constant 0 : i32
      %dma_wait3A_102 = arith.constant 0 : i32
      %dma_wait3A_103 = tpu.memref_slice %arg8[%run_scoped3A_73, %dma_wait3A, %dma_wait3A_102] : memref<2x128x128xf32, #tpu.memory_space<vmem>> -> memref<1x128x128xf32, #tpu.memory_space<vmem>>
      %dma_wait3A_104 = tpu.memref_squeeze %dma_wait3A_103 : memref<1x128x128xf32, #tpu.memory_space<vmem>> -> memref<128x128xf32, #tpu.memory_space<vmem>>
      %dma_wait3A_105 = arith.constant 0 : i32
      %dma_wait3A_106 = tpu.memref_slice %arg9[%add3A_72, %dma_wait3A_105] : memref<10240x128xf32, #tpu.memory_space<vmem_shared>> -> memref<128x128xf32, #tpu.memory_space<vmem_shared>>
      %dma_wait3A_107 = arith.constant 0 : i32
      %dma_wait3A_108 = arith.constant 0 : i32
      %dma_wait3A_109 = tpu.memref_slice %arg8[%run_scoped3A_73, %dma_wait3A_107, %dma_wait3A_108] : memref<2x128x128xf32, #tpu.memory_space<vmem>> -> memref<1x128x128xf32, #tpu.memory_space<vmem>>
      %dma_wait3A_110 = tpu.memref_squeeze %dma_wait3A_109 : memref<1x128x128xf32, #tpu.memory_space<vmem>> -> memref<128x128xf32, #tpu.memory_space<vmem>>
      %dma_wait3A_111 = arith.constant 0 : i32
      %dma_wait3A_112 = tpu.memref_slice %arg9[%add3A_72, %dma_wait3A_111] : memref<10240x128xf32, #tpu.memory_space<vmem_shared>> -> memref<128x128xf32, #tpu.memory_space<vmem_shared>>
      tpu.wait_dma2 semaphore(%run_scoped3A_89 : memref<!tpu.dma_semaphore, #tpu.memory_space<semaphore_mem>>) src(%dma_wait3A_112 : memref<128x128xf32, #tpu.memory_space<vmem_shared>>) dst(%dma_wait3A_110 : memref<128x128xf32, #tpu.memory_space<vmem>>)
      tpu.yield
    }) : () -> ()
    %add3A_74 = arith.constant 256 : i32
    %add3A_75 = arith.addi %mul3A_8, %add3A_74 : i32
    %run_scoped3A_76 = arith.constant 0 : i32
    "tpu.region"() ({
      %run_scoped3A_89 = tpu.sem_alloc : memref<!tpu.dma_semaphore, #tpu.memory_space<semaphore_mem>>
      %dma_start3A_90 = arith.constant 0 : i32
      %dma_start3A_91 = arith.constant 0 : i32
      %dma_start3A_92 = tpu.memref_slice %arg8[%run_scoped3A_76, %dma_start3A_90, %dma_start3A_91] : memref<2x128x128xf32, #tpu.memory_space<vmem>> -> memref<1x128x128xf32, #tpu.memory_space<vmem>>
      %dma_start3A_93 = tpu.memref_squeeze %dma_start3A_92 : memref<1x128x128xf32, #tpu.memory_space<vmem>> -> memref<128x128xf32, #tpu.memory_space<vmem>>
      %dma_start3A_94 = arith.constant 0 : i32
      %dma_start3A_95 = tpu.memref_slice %arg5[%arg0, %add3A_75, %dma_start3A_94] : memref<2x10240x128xf32, #tpu.memory_space<hbm>> -> memref<1x128x128xf32, #tpu.memory_space<hbm>>
      %dma_start3A_96 = tpu.memref_squeeze %dma_start3A_95 : memref<1x128x128xf32, #tpu.memory_space<hbm>> -> memref<128x128xf32, #tpu.memory_space<hbm>>
      %dma_start3A_97 = arith.constant 0 : i32
      %dma_start3A_98 = tpu.memref_slice %arg5[%arg0, %add3A_75, %dma_start3A_97] : memref<2x10240x128xf32, #tpu.memory_space<hbm>> -> memref<1x128x128xf32, #tpu.memory_space<hbm>>
      %dma_start3A_99 = tpu.memref_squeeze %dma_start3A_98 : memref<1x128x128xf32, #tpu.memory_space<hbm>> -> memref<128x128xf32, #tpu.memory_space<hbm>>
      %dma_start3A_100 = arith.constant 0 : i32
      %dma_start3A_101 = arith.constant 0 : i32
      %dma_start3A_102 = tpu.memref_slice %arg8[%run_scoped3A_76, %dma_start3A_100, %dma_start3A_101] : memref<2x128x128xf32, #tpu.memory_space<vmem>> -> memref<1x128x128xf32, #tpu.memory_space<vmem>>
      %dma_start3A_103 = tpu.memref_squeeze %dma_start3A_102 : memref<1x128x128xf32, #tpu.memory_space<vmem>> -> memref<128x128xf32, #tpu.memory_space<vmem>>
      tpu.enqueue_dma source(%dma_start3A_103 : memref<128x128xf32, #tpu.memory_space<vmem>>) target(%dma_start3A_99 : memref<128x128xf32, #tpu.memory_space<hbm>>) target_semaphore(%run_scoped3A_89 : memref<!tpu.dma_semaphore, #tpu.memory_space<semaphore_mem>>)
      %dma_wait3A = arith.constant 0 : i32
      %dma_wait3A_104 = arith.constant 0 : i32
      %dma_wait3A_105 = tpu.memref_slice %arg8[%run_scoped3A_76, %dma_wait3A, %dma_wait3A_104] : memref<2x128x128xf32, #tpu.memory_space<vmem>> -> memref<1x128x128xf32, #tpu.memory_space<vmem>>
      %dma_wait3A_106 = tpu.memref_squeeze %dma_wait3A_105 : memref<1x128x128xf32, #tpu.memory_space<vmem>> -> memref<128x128xf32, #tpu.memory_space<vmem>>
      %dma_wait3A_107 = arith.constant 0 : i32
      %dma_wait3A_108 = tpu.memref_slice %arg5[%arg0, %add3A_75, %dma_wait3A_107] : memref<2x10240x128xf32, #tpu.memory_space<hbm>> -> memref<1x128x128xf32, #tpu.memory_space<hbm>>
      %dma_wait3A_109 = tpu.memref_squeeze %dma_wait3A_108 : memref<1x128x128xf32, #tpu.memory_space<hbm>> -> memref<128x128xf32, #tpu.memory_space<hbm>>
      %dma_wait3A_110 = arith.constant 0 : i32
      %dma_wait3A_111 = tpu.memref_slice %arg5[%arg0, %add3A_75, %dma_wait3A_110] : memref<2x10240x128xf32, #tpu.memory_space<hbm>> -> memref<1x128x128xf32, #tpu.memory_space<hbm>>
      %dma_wait3A_112 = tpu.memref_squeeze %dma_wait3A_111 : memref<1x128x128xf32, #tpu.memory_space<hbm>> -> memref<128x128xf32, #tpu.memory_space<hbm>>
      %dma_wait3A_113 = arith.constant 0 : i32
      %dma_wait3A_114 = arith.constant 0 : i32
      %dma_wait3A_115 = tpu.memref_slice %arg8[%run_scoped3A_76, %dma_wait3A_113, %dma_wait3A_114] : memref<2x128x128xf32, #tpu.memory_space<vmem>> -> memref<1x128x128xf32, #tpu.memory_space<vmem>>
      %dma_wait3A_116 = tpu.memref_squeeze %dma_wait3A_115 : memref<1x128x128xf32, #tpu.memory_space<vmem>> -> memref<128x128xf32, #tpu.memory_space<vmem>>
      tpu.wait_dma2 semaphore(%run_scoped3A_89 : memref<!tpu.dma_semaphore, #tpu.memory_space<semaphore_mem>>) src(%dma_wait3A_116 : memref<128x128xf32, #tpu.memory_space<vmem>>) dst(%dma_wait3A_112 : memref<128x128xf32, #tpu.memory_space<hbm>>)
      tpu.yield
    }) : () -> ()
    %add3A_77 = arith.constant 384 : i32
    %add3A_78 = arith.addi %mul3A_8, %add3A_77 : i32
    %run_scoped3A_79 = arith.constant 0 : i32
    "tpu.region"() ({
      %run_scoped3A_89 = tpu.sem_alloc : memref<!tpu.dma_semaphore, #tpu.memory_space<semaphore_mem>>
      %dma_start3A_90 = arith.constant 0 : i32
      %dma_start3A_91 = arith.constant 0 : i32
      %dma_start3A_92 = tpu.memref_slice %arg8[%run_scoped3A_79, %dma_start3A_90, %dma_start3A_91] : memref<2x128x128xf32, #tpu.memory_space<vmem>> -> memref<1x128x128xf32, #tpu.memory_space<vmem>>
      %dma_start3A_93 = tpu.memref_squeeze %dma_start3A_92 : memref<1x128x128xf32, #tpu.memory_space<vmem>> -> memref<128x128xf32, #tpu.memory_space<vmem>>
      %dma_start3A_94 = arith.constant 0 : i32
      %dma_start3A_95 = tpu.memref_slice %arg9[%add3A_78, %dma_start3A_94] : memref<10240x128xf32, #tpu.memory_space<vmem_shared>> -> memref<128x128xf32, #tpu.memory_space<vmem_shared>>
      %dma_start3A_96 = arith.constant 0 : i32
      %dma_start3A_97 = arith.constant 0 : i32
      %dma_start3A_98 = tpu.memref_slice %arg8[%run_scoped3A_79, %dma_start3A_96, %dma_start3A_97] : memref<2x128x128xf32, #tpu.memory_space<vmem>> -> memref<1x128x128xf32, #tpu.memory_space<vmem>>
      %dma_start3A_99 = tpu.memref_squeeze %dma_start3A_98 : memref<1x128x128xf32, #tpu.memory_space<vmem>> -> memref<128x128xf32, #tpu.memory_space<vmem>>
      %dma_start3A_100 = arith.constant 0 : i32
      %dma_start3A_101 = tpu.memref_slice %arg9[%add3A_78, %dma_start3A_100] : memref<10240x128xf32, #tpu.memory_space<vmem_shared>> -> memref<128x128xf32, #tpu.memory_space<vmem_shared>>
      tpu.enqueue_dma source(%dma_start3A_101 : memref<128x128xf32, #tpu.memory_space<vmem_shared>>) target(%dma_start3A_99 : memref<128x128xf32, #tpu.memory_space<vmem>>) target_semaphore(%run_scoped3A_89 : memref<!tpu.dma_semaphore, #tpu.memory_space<semaphore_mem>>)
      %dma_wait3A = arith.constant 0 : i32
      %dma_wait3A_102 = arith.constant 0 : i32
      %dma_wait3A_103 = tpu.memref_slice %arg8[%run_scoped3A_79, %dma_wait3A, %dma_wait3A_102] : memref<2x128x128xf32, #tpu.memory_space<vmem>> -> memref<1x128x128xf32, #tpu.memory_space<vmem>>
      %dma_wait3A_104 = tpu.memref_squeeze %dma_wait3A_103 : memref<1x128x128xf32, #tpu.memory_space<vmem>> -> memref<128x128xf32, #tpu.memory_space<vmem>>
      %dma_wait3A_105 = arith.constant 0 : i32
      %dma_wait3A_106 = tpu.memref_slice %arg9[%add3A_78, %dma_wait3A_105] : memref<10240x128xf32, #tpu.memory_space<vmem_shared>> -> memref<128x128xf32, #tpu.memory_space<vmem_shared>>
      %dma_wait3A_107 = arith.constant 0 : i32
      %dma_wait3A_108 = arith.constant 0 : i32
      %dma_wait3A_109 = tpu.memref_slice %arg8[%run_scoped3A_79, %dma_wait3A_107, %dma_wait3A_108] : memref<2x128x128xf32, #tpu.memory_space<vmem>> -> memref<1x128x128xf32, #tpu.memory_space<vmem>>
      %dma_wait3A_110 = tpu.memref_squeeze %dma_wait3A_109 : memref<1x128x128xf32, #tpu.memory_space<vmem>> -> memref<128x128xf32, #tpu.memory_space<vmem>>
      %dma_wait3A_111 = arith.constant 0 : i32
      %dma_wait3A_112 = tpu.memref_slice %arg9[%add3A_78, %dma_wait3A_111] : memref<10240x128xf32, #tpu.memory_space<vmem_shared>> -> memref<128x128xf32, #tpu.memory_space<vmem_shared>>
      tpu.wait_dma2 semaphore(%run_scoped3A_89 : memref<!tpu.dma_semaphore, #tpu.memory_space<semaphore_mem>>) src(%dma_wait3A_112 : memref<128x128xf32, #tpu.memory_space<vmem_shared>>) dst(%dma_wait3A_110 : memref<128x128xf32, #tpu.memory_space<vmem>>)
      tpu.yield
    }) : () -> ()
    %add3A_80 = arith.constant 384 : i32
    %add3A_81 = arith.addi %mul3A_8, %add3A_80 : i32
    %run_scoped3A_82 = arith.constant 0 : i32
    "tpu.region"() ({
      %run_scoped3A_89 = tpu.sem_alloc : memref<!tpu.dma_semaphore, #tpu.memory_space<semaphore_mem>>
      %dma_start3A_90 = arith.constant 0 : i32
      %dma_start3A_91 = arith.constant 0 : i32
      %dma_start3A_92 = tpu.memref_slice %arg8[%run_scoped3A_82, %dma_start3A_90, %dma_start3A_91] : memref<2x128x128xf32, #tpu.memory_space<vmem>> -> memref<1x128x128xf32, #tpu.memory_space<vmem>>
      %dma_start3A_93 = tpu.memref_squeeze %dma_start3A_92 : memref<1x128x128xf32, #tpu.memory_space<vmem>> -> memref<128x128xf32, #tpu.memory_space<vmem>>
      %dma_start3A_94 = arith.constant 0 : i32
      %dma_start3A_95 = tpu.memref_slice %arg5[%arg0, %add3A_81, %dma_start3A_94] : memref<2x10240x128xf32, #tpu.memory_space<hbm>> -> memref<1x128x128xf32, #tpu.memory_space<hbm>>
      %dma_start3A_96 = tpu.memref_squeeze %dma_start3A_95 : memref<1x128x128xf32, #tpu.memory_space<hbm>> -> memref<128x128xf32, #tpu.memory_space<hbm>>
      %dma_start3A_97 = arith.constant 0 : i32
      %dma_start3A_98 = tpu.memref_slice %arg5[%arg0, %add3A_81, %dma_start3A_97] : memref<2x10240x128xf32, #tpu.memory_space<hbm>> -> memref<1x128x128xf32, #tpu.memory_space<hbm>>
      %dma_start3A_99 = tpu.memref_squeeze %dma_start3A_98 : memref<1x128x128xf32, #tpu.memory_space<hbm>> -> memref<128x128xf32, #tpu.memory_space<hbm>>
      %dma_start3A_100 = arith.constant 0 : i32
      %dma_start3A_101 = arith.constant 0 : i32
      %dma_start3A_102 = tpu.memref_slice %arg8[%run_scoped3A_82, %dma_start3A_100, %dma_start3A_101] : memref<2x128x128xf32, #tpu.memory_space<vmem>> -> memref<1x128x128xf32, #tpu.memory_space<vmem>>
      %dma_start3A_103 = tpu.memref_squeeze %dma_start3A_102 : memref<1x128x128xf32, #tpu.memory_space<vmem>> -> memref<128x128xf32, #tpu.memory_space<vmem>>
      tpu.enqueue_dma source(%dma_start3A_103 : memref<128x128xf32, #tpu.memory_space<vmem>>) target(%dma_start3A_99 : memref<128x128xf32, #tpu.memory_space<hbm>>) target_semaphore(%run_scoped3A_89 : memref<!tpu.dma_semaphore, #tpu.memory_space<semaphore_mem>>)
      %dma_wait3A = arith.constant 0 : i32
      %dma_wait3A_104 = arith.constant 0 : i32
      %dma_wait3A_105 = tpu.memref_slice %arg8[%run_scoped3A_82, %dma_wait3A, %dma_wait3A_104] : memref<2x128x128xf32, #tpu.memory_space<vmem>> -> memref<1x128x128xf32, #tpu.memory_space<vmem>>
      %dma_wait3A_106 = tpu.memref_squeeze %dma_wait3A_105 : memref<1x128x128xf32, #tpu.memory_space<vmem>> -> memref<128x128xf32, #tpu.memory_space<vmem>>
      %dma_wait3A_107 = arith.constant 0 : i32
      %dma_wait3A_108 = tpu.memref_slice %arg5[%arg0, %add3A_81, %dma_wait3A_107] : memref<2x10240x128xf32, #tpu.memory_space<hbm>> -> memref<1x128x128xf32, #tpu.memory_space<hbm>>
      %dma_wait3A_109 = tpu.memref_squeeze %dma_wait3A_108 : memref<1x128x128xf32, #tpu.memory_space<hbm>> -> memref<128x128xf32, #tpu.memory_space<hbm>>
      %dma_wait3A_110 = arith.constant 0 : i32
      %dma_wait3A_111 = tpu.memref_slice %arg5[%arg0, %add3A_81, %dma_wait3A_110] : memref<2x10240x128xf32, #tpu.memory_space<hbm>> -> memref<1x128x128xf32, #tpu.memory_space<hbm>>
      %dma_wait3A_112 = tpu.memref_squeeze %dma_wait3A_111 : memref<1x128x128xf32, #tpu.memory_space<hbm>> -> memref<128x128xf32, #tpu.memory_space<hbm>>
      %dma_wait3A_113 = arith.constant 0 : i32
      %dma_wait3A_114 = arith.constant 0 : i32
      %dma_wait3A_115 = tpu.memref_slice %arg8[%run_scoped3A_82, %dma_wait3A_113, %dma_wait3A_114] : memref<2x128x128xf32, #tpu.memory_space<vmem>> -> memref<1x128x128xf32, #tpu.memory_space<vmem>>
      %dma_wait3A_116 = tpu.memref_squeeze %dma_wait3A_115 : memref<1x128x128xf32, #tpu.memory_space<vmem>> -> memref<128x128xf32, #tpu.memory_space<vmem>>
      tpu.wait_dma2 semaphore(%run_scoped3A_89 : memref<!tpu.dma_semaphore, #tpu.memory_space<semaphore_mem>>) src(%dma_wait3A_116 : memref<128x128xf32, #tpu.memory_space<vmem>>) dst(%dma_wait3A_112 : memref<128x128xf32, #tpu.memory_space<hbm>>)
      tpu.yield
    }) : () -> ()
    %add3A_83 = arith.constant 512 : i32
    %add3A_84 = arith.addi %mul3A_8, %add3A_83 : i32
    %run_scoped3A_85 = arith.constant 0 : i32
    "tpu.region"() ({
      %run_scoped3A_89 = tpu.sem_alloc : memref<!tpu.dma_semaphore, #tpu.memory_space<semaphore_mem>>
      %dma_start3A_90 = arith.constant 0 : i32
      %dma_start3A_91 = arith.constant 0 : i32
      %dma_start3A_92 = tpu.memref_slice %arg8[%run_scoped3A_85, %dma_start3A_90, %dma_start3A_91] : memref<2x128x128xf32, #tpu.memory_space<vmem>> -> memref<1x128x128xf32, #tpu.memory_space<vmem>>
      %dma_start3A_93 = tpu.memref_squeeze %dma_start3A_92 : memref<1x128x128xf32, #tpu.memory_space<vmem>> -> memref<128x128xf32, #tpu.memory_space<vmem>>
      %dma_start3A_94 = arith.constant 0 : i32
      %dma_start3A_95 = tpu.memref_slice %arg9[%add3A_84, %dma_start3A_94] : memref<10240x128xf32, #tpu.memory_space<vmem_shared>> -> memref<128x128xf32, #tpu.memory_space<vmem_shared>>
      %dma_start3A_96 = arith.constant 0 : i32
      %dma_start3A_97 = arith.constant 0 : i32
      %dma_start3A_98 = tpu.memref_slice %arg8[%run_scoped3A_85, %dma_start3A_96, %dma_start3A_97] : memref<2x128x128xf32, #tpu.memory_space<vmem>> -> memref<1x128x128xf32, #tpu.memory_space<vmem>>
      %dma_start3A_99 = tpu.memref_squeeze %dma_start3A_98 : memref<1x128x128xf32, #tpu.memory_space<vmem>> -> memref<128x128xf32, #tpu.memory_space<vmem>>
      %dma_start3A_100 = arith.constant 0 : i32
      %dma_start3A_101 = tpu.memref_slice %arg9[%add3A_84, %dma_start3A_100] : memref<10240x128xf32, #tpu.memory_space<vmem_shared>> -> memref<128x128xf32, #tpu.memory_space<vmem_shared>>
      tpu.enqueue_dma source(%dma_start3A_101 : memref<128x128xf32, #tpu.memory_space<vmem_shared>>) target(%dma_start3A_99 : memref<128x128xf32, #tpu.memory_space<vmem>>) target_semaphore(%run_scoped3A_89 : memref<!tpu.dma_semaphore, #tpu.memory_space<semaphore_mem>>)
      %dma_wait3A = arith.constant 0 : i32
      %dma_wait3A_102 = arith.constant 0 : i32
      %dma_wait3A_103 = tpu.memref_slice %arg8[%run_scoped3A_85, %dma_wait3A, %dma_wait3A_102] : memref<2x128x128xf32, #tpu.memory_space<vmem>> -> memref<1x128x128xf32, #tpu.memory_space<vmem>>
      %dma_wait3A_104 = tpu.memref_squeeze %dma_wait3A_103 : memref<1x128x128xf32, #tpu.memory_space<vmem>> -> memref<128x128xf32, #tpu.memory_space<vmem>>
      %dma_wait3A_105 = arith.constant 0 : i32
      %dma_wait3A_106 = tpu.memref_slice %arg9[%add3A_84, %dma_wait3A_105] : memref<10240x128xf32, #tpu.memory_space<vmem_shared>> -> memref<128x128xf32, #tpu.memory_space<vmem_shared>>
      %dma_wait3A_107 = arith.constant 0 : i32
      %dma_wait3A_108 = arith.constant 0 : i32
      %dma_wait3A_109 = tpu.memref_slice %arg8[%run_scoped3A_85, %dma_wait3A_107, %dma_wait3A_108] : memref<2x128x128xf32, #tpu.memory_space<vmem>> -> memref<1x128x128xf32, #tpu.memory_space<vmem>>
      %dma_wait3A_110 = tpu.memref_squeeze %dma_wait3A_109 : memref<1x128x128xf32, #tpu.memory_space<vmem>> -> memref<128x128xf32, #tpu.memory_space<vmem>>
      %dma_wait3A_111 = arith.constant 0 : i32
      %dma_wait3A_112 = tpu.memref_slice %arg9[%add3A_84, %dma_wait3A_111] : memref<10240x128xf32, #tpu.memory_space<vmem_shared>> -> memref<128x128xf32, #tpu.memory_space<vmem_shared>>
      tpu.wait_dma2 semaphore(%run_scoped3A_89 : memref<!tpu.dma_semaphore, #tpu.memory_space<semaphore_mem>>) src(%dma_wait3A_112 : memref<128x128xf32, #tpu.memory_space<vmem_shared>>) dst(%dma_wait3A_110 : memref<128x128xf32, #tpu.memory_space<vmem>>)
      tpu.yield
    }) : () -> ()
    %add3A_86 = arith.constant 512 : i32
    %add3A_87 = arith.addi %mul3A_8, %add3A_86 : i32
    %run_scoped3A_88 = arith.constant 0 : i32
    "tpu.region"() ({
      %run_scoped3A_89 = tpu.sem_alloc : memref<!tpu.dma_semaphore, #tpu.memory_space<semaphore_mem>>
      %dma_start3A_90 = arith.constant 0 : i32
      %dma_start3A_91 = arith.constant 0 : i32
      %dma_start3A_92 = tpu.memref_slice %arg8[%run_scoped3A_88, %dma_start3A_90, %dma_start3A_91] : memref<2x128x128xf32, #tpu.memory_space<vmem>> -> memref<1x128x128xf32, #tpu.memory_space<vmem>>
      %dma_start3A_93 = tpu.memref_squeeze %dma_start3A_92 : memref<1x128x128xf32, #tpu.memory_space<vmem>> -> memref<128x128xf32, #tpu.memory_space<vmem>>
      %dma_start3A_94 = arith.constant 0 : i32
      %dma_start3A_95 = tpu.memref_slice %arg5[%arg0, %add3A_87, %dma_start3A_94] : memref<2x10240x128xf32, #tpu.memory_space<hbm>> -> memref<1x128x128xf32, #tpu.memory_space<hbm>>
      %dma_start3A_96 = tpu.memref_squeeze %dma_start3A_95 : memref<1x128x128xf32, #tpu.memory_space<hbm>> -> memref<128x128xf32, #tpu.memory_space<hbm>>
      %dma_start3A_97 = arith.constant 0 : i32
      %dma_start3A_98 = tpu.memref_slice %arg5[%arg0, %add3A_87, %dma_start3A_97] : memref<2x10240x128xf32, #tpu.memory_space<hbm>> -> memref<1x128x128xf32, #tpu.memory_space<hbm>>
      %dma_start3A_99 = tpu.memref_squeeze %dma_start3A_98 : memref<1x128x128xf32, #tpu.memory_space<hbm>> -> memref<128x128xf32, #tpu.memory_space<hbm>>
      %dma_start3A_100 = arith.constant 0 : i32
      %dma_start3A_101 = arith.constant 0 : i32
      %dma_start3A_102 = tpu.memref_slice %arg8[%run_scoped3A_88, %dma_start3A_100, %dma_start3A_101] : memref<2x128x128xf32, #tpu.memory_space<vmem>> -> memref<1x128x128xf32, #tpu.memory_space<vmem>>
      %dma_start3A_103 = tpu.memref_squeeze %dma_start3A_102 : memref<1x128x128xf32, #tpu.memory_space<vmem>> -> memref<128x128xf32, #tpu.memory_space<vmem>>
      tpu.enqueue_dma source(%dma_start3A_103 : memref<128x128xf32, #tpu.memory_space<vmem>>) target(%dma_start3A_99 : memref<128x128xf32, #tpu.memory_space<hbm>>) target_semaphore(%run_scoped3A_89 : memref<!tpu.dma_semaphore, #tpu.memory_space<semaphore_mem>>)
      %dma_wait3A = arith.constant 0 : i32
      %dma_wait3A_104 = arith.constant 0 : i32
      %dma_wait3A_105 = tpu.memref_slice %arg8[%run_scoped3A_88, %dma_wait3A, %dma_wait3A_104] : memref<2x128x128xf32, #tpu.memory_space<vmem>> -> memref<1x128x128xf32, #tpu.memory_space<vmem>>
      %dma_wait3A_106 = tpu.memref_squeeze %dma_wait3A_105 : memref<1x128x128xf32, #tpu.memory_space<vmem>> -> memref<128x128xf32, #tpu.memory_space<vmem>>
      %dma_wait3A_107 = arith.constant 0 : i32
      %dma_wait3A_108 = tpu.memref_slice %arg5[%arg0, %add3A_87, %dma_wait3A_107] : memref<2x10240x128xf32, #tpu.memory_space<hbm>> -> memref<1x128x128xf32, #tpu.memory_space<hbm>>
      %dma_wait3A_109 = tpu.memref_squeeze %dma_wait3A_108 : memref<1x128x128xf32, #tpu.memory_space<hbm>> -> memref<128x128xf32, #tpu.memory_space<hbm>>
      %dma_wait3A_110 = arith.constant 0 : i32
      %dma_wait3A_111 = tpu.memref_slice %arg5[%arg0, %add3A_87, %dma_wait3A_110] : memref<2x10240x128xf32, #tpu.memory_space<hbm>> -> memref<1x128x128xf32, #tpu.memory_space<hbm>>
      %dma_wait3A_112 = tpu.memref_squeeze %dma_wait3A_111 : memref<1x128x128xf32, #tpu.memory_space<hbm>> -> memref<128x128xf32, #tpu.memory_space<hbm>>
      %dma_wait3A_113 = arith.constant 0 : i32
      %dma_wait3A_114 = arith.constant 0 : i32
      %dma_wait3A_115 = tpu.memref_slice %arg8[%run_scoped3A_88, %dma_wait3A_113, %dma_wait3A_114] : memref<2x128x128xf32, #tpu.memory_space<vmem>> -> memref<1x128x128xf32, #tpu.memory_space<vmem>>
      %dma_wait3A_116 = tpu.memref_squeeze %dma_wait3A_115 : memref<1x128x128xf32, #tpu.memory_space<vmem>> -> memref<128x128xf32, #tpu.memory_space<vmem>>
      tpu.wait_dma2 semaphore(%run_scoped3A_89 : memref<!tpu.dma_semaphore, #tpu.memory_space<semaphore_mem>>) src(%dma_wait3A_116 : memref<128x128xf32, #tpu.memory_space<vmem>>) dst(%dma_wait3A_112 : memref<128x128xf32, #tpu.memory_space<hbm>>)
      tpu.yield
    }) : () -> ()
    return
  }
}

module attributes {stable_mosaic.version = 14 : i64} {
  func.func @_mm1_body(%arg0: i32, %arg1: memref<32x1024xf32, #tpu.memory_space<vmem>>, %arg2: memref<1024x128xf32, #tpu.memory_space<vmem>>, %arg3: memref<128x128xf32, #tpu.memory_space<vmem>>, %arg4: memref<1024x128xf32, #tpu.memory_space<vmem>>, %arg5: memref<1024xf32, #tpu.memory_space<vmem>>) attributes {dimension_semantics = [#tpu.dimension_semantics<arbitrary>], iteration_bounds = array<i64: 10>, scalar_prefetch = 0 : i64, scratch_operands = 0 : i64, tpu.core_type = #tpu.core_type<tc>, window_params = [{transform_indices = @transform_0, window_bounds = array<i64: 32, 1024>}, {transform_indices = @transform_1, window_bounds = array<i64: 1024, 128>}, {pipeline_mode = #tpu.pipeline_mode<synchronous>, transform_indices = @transform_2, window_bounds = array<i64: 128, 128>}, {transform_indices = @transform_3, window_bounds = array<i64: 1024, 128>}, {transform_indices = @transform_4, window_bounds = array<i64: 1024>}]} {
    %get3A = arith.constant 0 : index
    %get3A_0 = arith.constant 0 : index
    %get3A_1 = vector.load %arg1[%get3A, %get3A_0] : memref<32x1024xf32, #tpu.memory_space<vmem>>, vector<32x1024xf32>
    %reduce_sum3A = arith.constant dense<0.000000e+00> : vector<1024xf32>
    %reduce_sum3A_2 = vector.multi_reduction <add>, %get3A_1, %reduce_sum3A [0] : vector<32x1024xf32> to vector<1024xf32>
    %add3A = arith.constant 1.000000e+00 : f32
    %add3A_3 = vector.broadcast %add3A : f32 to vector<1024xf32>
    %add3A_4 = arith.addf %reduce_sum3A_2, %add3A_3 : vector<1024xf32>
    %rsqrt3A = math.rsqrt %add3A_4 : vector<1024xf32>
    %get3A_5 = arith.constant 0 : index
    %get3A_6 = arith.constant 0 : index
    %get3A_7 = vector.load %arg2[%get3A_5, %get3A_6] : memref<1024x128xf32, #tpu.memory_space<vmem>>, vector<1024x128xf32>
    %get3A_8 = arith.constant 0 : index
    %get3A_9 = arith.constant 0 : index
    %get3A_10 = vector.load %arg3[%get3A_8, %get3A_9] : memref<128x128xf32, #tpu.memory_space<vmem>>, vector<128x128xf32>
    %dot_general3A = arith.constant dense<0.000000e+00> : vector<1024x128xf32>
    %dot_general3A_11 = tpu.matmul %get3A_7, %get3A_10, %dot_general3A {dimension_numbers = #tpu.dot_dimension_numbers<[1], [0], [0], [1], [0, 0, 1, 1], [], []>, transpose_lhs_hint = false} : vector<1024x128xf32>, vector<128x128xf32>, vector<1024x128xf32> -> vector<1024x128xf32>
    %broadcast_in_dim3A = vector.shape_cast %rsqrt3A : vector<1024xf32> to vector<1024x1xf32>
    %mul3A = vector.broadcast %broadcast_in_dim3A : vector<1024x1xf32> to vector<1024x128xf32>
    %mul3A_12 = arith.mulf %dot_general3A_11, %mul3A : vector<1024x128xf32>
    %swap3A = arith.constant 0 : index
    %swap3A_13 = arith.constant 0 : index
    %swap3A_14 = vector.load %arg4[%swap3A, %swap3A_13] : memref<1024x128xf32, #tpu.memory_space<vmem>>, vector<1024x128xf32>
    tpu.vector_store %arg4[%swap3A, %swap3A_13], %mul3A_12 {strides = array<i32>} : memref<1024x128xf32, #tpu.memory_space<vmem>>, vector<1024x128xf32>,
    %swap3A_15 = arith.constant 0 : index
    %swap3A_16 = vector.load %arg5[%swap3A_15] : memref<1024xf32, #tpu.memory_space<vmem>>, vector<1024xf32>
    tpu.vector_store %arg5[%swap3A_15], %rsqrt3A {strides = array<i32>} : memref<1024xf32, #tpu.memory_space<vmem>>, vector<1024xf32>,
    return
  }
  func.func @transform_0(%arg0: i32) -> (i32, i32) {
    %c0_i32 = arith.constant 0 : i32
    %c0_i32_0 = arith.constant 0 : i32
    return %c0_i32, %arg0 : i32, i32
  }
  func.func @transform_1(%arg0: i32) -> (i32, i32) {
    %c0_i32 = arith.constant 0 : i32
    %c0_i32_0 = arith.constant 0 : i32
    return %arg0, %c0_i32 : i32, i32
  }
  func.func @transform_2(%arg0: i32) -> (i32, i32) {
    %c0_i32 = arith.constant 0 : i32
    %c0_i32_0 = arith.constant 0 : i32
    %c0_i32_1 = arith.constant 0 : i32
    return %c0_i32, %c0_i32_0 : i32, i32
  }
  func.func @transform_3(%arg0: i32) -> (i32, i32) {
    %c0_i32 = arith.constant 0 : i32
    %c0_i32_0 = arith.constant 0 : i32
    return %arg0, %c0_i32 : i32, i32
  }
  func.func @transform_4(%arg0: i32) -> i32 {
    %c0_i32 = arith.constant 0 : i32
    return %arg0 : i32
  }
}

module attributes {stable_mosaic.version = 14 : i64} {
  func.func @_mm2_body(%arg0: i32, %arg1: memref<2x1024x128xf32, #tpu.memory_space<vmem>>, %arg2: memref<1024x128xf32, #tpu.memory_space<vmem>>, %arg3: memref<1024xf32, #tpu.memory_space<vmem>>, %arg4: memref<128xf32, #tpu.memory_space<vmem>>, %arg5: memref<128x128xf32, #tpu.memory_space<vmem>>, %arg6: memref<1024x128xf32, #tpu.memory_space<vmem>>) attributes {dimension_semantics = [#tpu.dimension_semantics<arbitrary>], iteration_bounds = array<i64: 10>, scalar_prefetch = 0 : i64, scratch_operands = 0 : i64, tpu.core_type = #tpu.core_type<tc>, window_params = [{transform_indices = @transform_0, window_bounds = array<i64: 2, 1024, 128>}, {transform_indices = @transform_1, window_bounds = array<i64: 1024, 128>}, {transform_indices = @transform_2, window_bounds = array<i64: 1024>}, {pipeline_mode = #tpu.pipeline_mode<synchronous>, transform_indices = @transform_3, window_bounds = array<i64: 128>}, {pipeline_mode = #tpu.pipeline_mode<synchronous>, transform_indices = @transform_4, window_bounds = array<i64: 128, 128>}, {transform_indices = @transform_5, window_bounds = array<i64: 1024, 128>}]} {
    %get3A = arith.constant 0 : index
    %get3A_0 = vector.load %arg3[%get3A] : memref<1024xf32, #tpu.memory_space<vmem>>, vector<1024xf32>
    %get3A_1 = arith.constant 0 : index
    %get3A_2 = arith.constant 0 : index
    %get3A_3 = arith.constant 0 : index
    %get3A_4 = vector.load %arg1[%get3A_1, %get3A_2, %get3A_3] : memref<2x1024x128xf32, #tpu.memory_space<vmem>>, vector<1x1024x128xf32>
    %get3A_5 = vector.shape_cast %get3A_4 : vector<1x1024x128xf32> to vector<1024x128xf32>
    %get3A_6 = arith.constant 1 : index
    %get3A_7 = arith.constant 0 : index
    %get3A_8 = arith.constant 0 : index
    %get3A_9 = vector.load %arg1[%get3A_6, %get3A_7, %get3A_8] : memref<2x1024x128xf32, #tpu.memory_space<vmem>>, vector<1x1024x128xf32>
    %get3A_10 = vector.shape_cast %get3A_9 : vector<1x1024x128xf32> to vector<1024x128xf32>
    %add3A = arith.addf %get3A_5, %get3A_10 : vector<1024x128xf32>
    %get3A_11 = arith.constant 0 : index
    %get3A_12 = arith.constant 0 : index
    %get3A_13 = vector.load %arg2[%get3A_11, %get3A_12] : memref<1024x128xf32, #tpu.memory_space<vmem>>, vector<1024x128xf32>
    %add3A_14 = arith.addf %add3A, %get3A_13 : vector<1024x128xf32>
    %broadcast_in_dim3A = vector.shape_cast %get3A_0 : vector<1024xf32> to vector<1024x1xf32>
    %mul3A = vector.broadcast %broadcast_in_dim3A : vector<1024x1xf32> to vector<1024x128xf32>
    %mul3A_15 = arith.mulf %add3A_14, %mul3A : vector<1024x128xf32>
    %get3A_16 = arith.constant 0 : index
    %get3A_17 = vector.load %arg4[%get3A_16] : memref<128xf32, #tpu.memory_space<vmem>>, vector<128xf32>
    %broadcast_in_dim3A_18 = vector.shape_cast %get3A_17 : vector<128xf32> to vector<1x128xf32>
    %add3A_19 = vector.broadcast %broadcast_in_dim3A_18 : vector<1x128xf32> to vector<1024x128xf32>
    %add3A_20 = arith.addf %mul3A_15, %add3A_19 : vector<1024x128xf32>
    %max3A = arith.constant 0.000000e+00 : f32
    %max3A_21 = vector.broadcast %max3A : f32 to vector<1024x128xf32>
    %max3A_22 = arith.maximumf %add3A_20, %max3A_21 : vector<1024x128xf32>
    %get3A_23 = arith.constant 0 : index
    %get3A_24 = arith.constant 0 : index
    %get3A_25 = vector.load %arg5[%get3A_23, %get3A_24] : memref<128x128xf32, #tpu.memory_space<vmem>>, vector<128x128xf32>
    %dot_general3A = arith.constant dense<0.000000e+00> : vector<1024x128xf32>
    %dot_general3A_26 = tpu.matmul %max3A_22, %get3A_25, %dot_general3A {dimension_numbers = #tpu.dot_dimension_numbers<[1], [0], [0], [1], [0, 0, 1, 1], [], []>, transpose_lhs_hint = false} : vector<1024x128xf32>, vector<128x128xf32>, vector<1024x128xf32> -> vector<1024x128xf32>
    %broadcast_in_dim3A_27 = vector.shape_cast %get3A_0 : vector<1024xf32> to vector<1024x1xf32>
    %mul3A_28 = vector.broadcast %broadcast_in_dim3A_27 : vector<1024x1xf32> to vector<1024x128xf32>
    %mul3A_29 = arith.mulf %dot_general3A_26, %mul3A_28 : vector<1024x128xf32>
    %swap3A = arith.constant 0 : index
    %swap3A_30 = arith.constant 0 : index
    %swap3A_31 = vector.load %arg6[%swap3A, %swap3A_30] : memref<1024x128xf32, #tpu.memory_space<vmem>>, vector<1024x128xf32>
    tpu.vector_store %arg6[%swap3A, %swap3A_30], %mul3A_29 {strides = array<i32>} : memref<1024x128xf32, #tpu.memory_space<vmem>>, vector<1024x128xf32>,
    return
  }
  func.func @transform_0(%arg0: i32) -> (i32, i32, i32) {
    %c0_i32 = arith.constant 0 : i32
    %c0_i32_0 = arith.constant 0 : i32
    %c0_i32_1 = arith.constant 0 : i32
    return %c0_i32, %arg0, %c0_i32_0 : i32, i32, i32
  }
  func.func @transform_1(%arg0: i32) -> (i32, i32) {
    %c0_i32 = arith.constant 0 : i32
    %c0_i32_0 = arith.constant 0 : i32
    return %arg0, %c0_i32 : i32, i32
  }
  func.func @transform_2(%arg0: i32) -> i32 {
    %c0_i32 = arith.constant 0 : i32
    return %arg0 : i32
  }
  func.func @transform_3(%arg0: i32) -> i32 {
    %c0_i32 = arith.constant 0 : i32
    %c0_i32_0 = arith.constant 0 : i32
    return %c0_i32 : i32
  }
  func.func @transform_4(%arg0: i32) -> (i32, i32) {
    %c0_i32 = arith.constant 0 : i32
    %c0_i32_0 = arith.constant 0 : i32
    %c0_i32_1 = arith.constant 0 : i32
    return %c0_i32, %c0_i32_0 : i32, i32
  }
  func.func @transform_5(%arg0: i32) -> (i32, i32) {
    %c0_i32 = arith.constant 0 : i32
    %c0_i32_0 = arith.constant 0 : i32
    return %arg0, %c0_i32 : i32, i32
  }
}

module attributes {stable_mosaic.version = 14 : i64} {
  func.func @_fin_body(%arg0: i32, %arg1: memref<2x1024x128xf32, #tpu.memory_space<vmem>>, %arg2: memref<1024x128xf32, #tpu.memory_space<vmem>>, %arg3: memref<1024xf32, #tpu.memory_space<vmem>>, %arg4: memref<128xf32, #tpu.memory_space<vmem>>, %arg5: memref<1024xi32, #tpu.memory_space<vmem>>, %arg6: memref<64x128xf32, #tpu.memory_space<vmem>>) attributes {dimension_semantics = [#tpu.dimension_semantics<arbitrary>], iteration_bounds = array<i64: 10>, scalar_prefetch = 0 : i64, scratch_operands = 0 : i64, tpu.core_type = #tpu.core_type<tc>, window_params = [{transform_indices = @transform_0, window_bounds = array<i64: 2, 1024, 128>}, {transform_indices = @transform_1, window_bounds = array<i64: 1024, 128>}, {transform_indices = @transform_2, window_bounds = array<i64: 1024>}, {pipeline_mode = #tpu.pipeline_mode<synchronous>, transform_indices = @transform_3, window_bounds = array<i64: 128>}, {transform_indices = @transform_4, window_bounds = array<i64: 1024>}, {pipeline_mode = #tpu.pipeline_mode<synchronous>, transform_indices = @transform_5, window_bounds = array<i64: 64, 128>}]} {
    %eq3A = arith.constant 0 : i32
    %eq3A_0 = arith.cmpi eq, %arg0, %eq3A : i32
    %convert_element_type3A = arith.extui %eq3A_0 : i1 to i32
    %cond3A = arith.constant 0 : i32
    %cond3A_1 = arith.cmpi ne, %convert_element_type3A, %cond3A : i32
    scf.if %cond3A_1 {
      %broadcast_in_dim3A_44 = arith.constant 0xFF800000 : f32
      %broadcast_in_dim3A_45 = vector.broadcast %broadcast_in_dim3A_44 : f32 to vector<64x128xf32>
      %swap3A = arith.constant 0 : index
      %swap3A_46 = arith.constant 0 : index
      %swap3A_47 = vector.load %arg6[%swap3A, %swap3A_46] : memref<64x128xf32, #tpu.memory_space<vmem>>, vector<64x128xf32>
      tpu.vector_store %arg6[%swap3A, %swap3A_46], %broadcast_in_dim3A_45 {strides = array<i32>} : memref<64x128xf32, #tpu.memory_space<vmem>>, vector<64x128xf32>,
    } else {
    }
    %get3A = arith.constant 0 : index
    %get3A_2 = arith.constant 0 : index
    %get3A_3 = arith.constant 0 : index
    %get3A_4 = vector.load %arg1[%get3A, %get3A_2, %get3A_3] : memref<2x1024x128xf32, #tpu.memory_space<vmem>>, vector<1x1024x128xf32>
    %get3A_5 = vector.shape_cast %get3A_4 : vector<1x1024x128xf32> to vector<1024x128xf32>
    %get3A_6 = arith.constant 1 : index
    %get3A_7 = arith.constant 0 : index
    %get3A_8 = arith.constant 0 : index
    %get3A_9 = vector.load %arg1[%get3A_6, %get3A_7, %get3A_8] : memref<2x1024x128xf32, #tpu.memory_space<vmem>>, vector<1x1024x128xf32>
    %get3A_10 = vector.shape_cast %get3A_9 : vector<1x1024x128xf32> to vector<1024x128xf32>
    %add3A = arith.addf %get3A_5, %get3A_10 : vector<1024x128xf32>
    %get3A_11 = arith.constant 0 : index
    %get3A_12 = arith.constant 0 : index
    %get3A_13 = vector.load %arg2[%get3A_11, %get3A_12] : memref<1024x128xf32, #tpu.memory_space<vmem>>, vector<1024x128xf32>
    %add3A_14 = arith.addf %add3A, %get3A_13 : vector<1024x128xf32>
    %get3A_15 = arith.constant 0 : index
    %get3A_16 = vector.load %arg3[%get3A_15] : memref<1024xf32, #tpu.memory_space<vmem>>, vector<1024xf32>
    %broadcast_in_dim3A = vector.shape_cast %get3A_16 : vector<1024xf32> to vector<1024x1xf32>
    %mul3A = vector.broadcast %broadcast_in_dim3A : vector<1024x1xf32> to vector<1024x128xf32>
    %mul3A_17 = arith.mulf %add3A_14, %mul3A : vector<1024x128xf32>
    %get3A_18 = arith.constant 0 : index
    %get3A_19 = vector.load %arg4[%get3A_18] : memref<128xf32, #tpu.memory_space<vmem>>, vector<128xf32>
    %broadcast_in_dim3A_20 = vector.shape_cast %get3A_19 : vector<128xf32> to vector<1x128xf32>
    %add3A_21 = vector.broadcast %broadcast_in_dim3A_20 : vector<1x128xf32> to vector<1024x128xf32>
    %add3A_22 = arith.addf %mul3A_17, %add3A_21 : vector<1024x128xf32>
    %get3A_23 = arith.constant 0 : index
    %get3A_24 = vector.load %arg5[%get3A_23] : memref<1024xi32, #tpu.memory_space<vmem>>, vector<1024xi32>
    %reduce_min3A = vector.shape_cast %get3A_24 : vector<1024xi32> to vector<1x1024xi32>
    %reduce_min3A_25 = arith.constant dense<2147483647> : vector<1xi32>
    %reduce_min3A_26 = vector.multi_reduction <minsi>, %reduce_min3A, %reduce_min3A_25 [1] : vector<1x1024xi32> to vector<1xi32>
    %reduce_min3A_27 = vector.shape_cast %reduce_min3A_26 : vector<1xi32> to vector<1x1xi32>
    %reduce_min3A_28 = vector.extract %reduce_min3A_27[0, 0] : i32 from vector<1x1xi32>
    %reduce_max3A = vector.shape_cast %get3A_24 : vector<1024xi32> to vector<1x1024xi32>
    %reduce_max3A_29 = arith.constant dense<-2147483648> : vector<1xi32>
    %reduce_max3A_30 = vector.multi_reduction <maxsi>, %reduce_max3A, %reduce_max3A_29 [1] : vector<1x1024xi32> to vector<1xi32>
    %reduce_max3A_31 = vector.shape_cast %reduce_max3A_30 : vector<1xi32> to vector<1x1xi32>
    %reduce_max3A_32 = vector.extract %reduce_max3A_31[0, 0] : i32 from vector<1x1xi32>
    %min3A = arith.constant 63 : i32
    %min3A_33 = arith.minsi %reduce_max3A_32, %min3A : i32
    %add3A_34 = arith.constant 1 : i32
    %add3A_35 = arith.addi %min3A_33, %add3A_34 : i32
    %while3A = arith.constant 0 : i32
    %while3A_36 = arith.subi %add3A_35, %reduce_min3A_28 : i32
    %while3A_37 = arith.addi %reduce_min3A_28, %while3A_36 : i32
    %while3A_38 = arith.constant 1 : i32
    %while3A_39 = arith.divsi %while3A_36, %while3A_38 : i32
    %while3A_40 = arith.muli %while3A_39, %while3A_38 : i32
    %while3A_41 = arith.addi %reduce_min3A_28, %while3A_40 : i32
    %while3A_42 = arith.constant 1 : i32
    scf.for %while3A_44 = %reduce_min3A_28 to %while3A_41 step %while3A_42  : i32 {
      %eq3A_45 = vector.broadcast %while3A_44 : i32 to vector<1024xi32>
      %eq3A_46 = arith.cmpi eq, %get3A_24, %eq3A_45 : vector<1024xi32>
      %jit3A = arith.constant 0.000000e+00 : f32
      %jit3A_47 = arith.constant 0xFF800000 : f32
      %broadcast_in_dim3A_48 = vector.broadcast %jit3A : f32 to vector<1024xf32>
      %broadcast_in_dim3A_49 = vector.broadcast %jit3A_47 : f32 to vector<1024xf32>
      %select_n3A = arith.select %eq3A_46, %broadcast_in_dim3A_48, %broadcast_in_dim3A_49 : vector<1024xi1>, vector<1024xf32>
      %broadcast_in_dim3A_50 = vector.shape_cast %select_n3A : vector<1024xf32> to vector<1024x1xf32>
      %add3A_51 = vector.broadcast %broadcast_in_dim3A_50 : vector<1024x1xf32> to vector<1024x128xf32>
      %add3A_52 = arith.addf %add3A_22, %add3A_51 : vector<1024x128xf32>
      %reduce_max3A_53 = arith.constant dense<0xFF800000> : vector<128xf32>
      %reduce_max3A_54 = vector.multi_reduction <maximumf>, %add3A_52, %reduce_max3A_53 [0] : vector<1024x128xf32> to vector<128xf32>
      %get3A_55 = arith.index_cast %while3A_44 : i32 to index
      %get3A_56 = arith.constant 0 : index
      %get3A_57 = vector.load %arg6[%get3A_55, %get3A_56] : memref<64x128xf32, #tpu.memory_space<vmem>>, vector<1x128xf32>
      %broadcast_in_dim3A_58 = vector.shape_cast %reduce_max3A_54 : vector<128xf32> to vector<1x128xf32>
      %max3A = arith.maximumf %get3A_57, %broadcast_in_dim3A_58 : vector<1x128xf32>
      %swap3A = arith.index_cast %while3A_44 : i32 to index
      %swap3A_59 = arith.constant 0 : index
      %swap3A_60 = vector.load %arg6[%swap3A, %swap3A_59] : memref<64x128xf32, #tpu.memory_space<vmem>>, vector<1x128xf32>
      tpu.vector_store %arg6[%swap3A, %swap3A_59], %max3A {strides = array<i32>} : memref<64x128xf32, #tpu.memory_space<vmem>>, vector<1x128xf32>,
    }
    %while3A_43 = arith.constant 1 : i32
    scf.for %while3A_44 = %while3A_41 to %while3A_37 step %while3A_43  : i32 {
      %eq3A_45 = vector.broadcast %while3A_44 : i32 to vector<1024xi32>
      %eq3A_46 = arith.cmpi eq, %get3A_24, %eq3A_45 : vector<1024xi32>
      %jit3A = arith.constant 0.000000e+00 : f32
      %jit3A_47 = arith.constant 0xFF800000 : f32
      %broadcast_in_dim3A_48 = vector.broadcast %jit3A : f32 to vector<1024xf32>
      %broadcast_in_dim3A_49 = vector.broadcast %jit3A_47 : f32 to vector<1024xf32>
      %select_n3A = arith.select %eq3A_46, %broadcast_in_dim3A_48, %broadcast_in_dim3A_49 : vector<1024xi1>, vector<1024xf32>
      %broadcast_in_dim3A_50 = vector.shape_cast %select_n3A : vector<1024xf32> to vector<1024x1xf32>
      %add3A_51 = vector.broadcast %broadcast_in_dim3A_50 : vector<1024x1xf32> to vector<1024x128xf32>
      %add3A_52 = arith.addf %add3A_22, %add3A_51 : vector<1024x128xf32>
      %reduce_max3A_53 = arith.constant dense<0xFF800000> : vector<128xf32>
      %reduce_max3A_54 = vector.multi_reduction <maximumf>, %add3A_52, %reduce_max3A_53 [0] : vector<1024x128xf32> to vector<128xf32>
      %get3A_55 = arith.index_cast %while3A_44 : i32 to index
      %get3A_56 = arith.constant 0 : index
      %get3A_57 = vector.load %arg6[%get3A_55, %get3A_56] : memref<64x128xf32, #tpu.memory_space<vmem>>, vector<1x128xf32>
      %broadcast_in_dim3A_58 = vector.shape_cast %reduce_max3A_54 : vector<128xf32> to vector<1x128xf32>
      %max3A = arith.maximumf %get3A_57, %broadcast_in_dim3A_58 : vector<1x128xf32>
      %swap3A = arith.index_cast %while3A_44 : i32 to index
      %swap3A_59 = arith.constant 0 : index
      %swap3A_60 = vector.load %arg6[%swap3A, %swap3A_59] : memref<64x128xf32, #tpu.memory_space<vmem>>, vector<1x128xf32>
      tpu.vector_store %arg6[%swap3A, %swap3A_59], %max3A {strides = array<i32>} : memref<64x128xf32, #tpu.memory_space<vmem>>, vector<1x128xf32>,
    }
    return
  }
  func.func @transform_0(%arg0: i32) -> (i32, i32, i32) {
    %c0_i32 = arith.constant 0 : i32
    %c0_i32_0 = arith.constant 0 : i32
    %c0_i32_1 = arith.constant 0 : i32
    return %c0_i32, %arg0, %c0_i32_0 : i32, i32, i32
  }
  func.func @transform_1(%arg0: i32) -> (i32, i32) {
    %c0_i32 = arith.constant 0 : i32
    %c0_i32_0 = arith.constant 0 : i32
    return %arg0, %c0_i32 : i32, i32
  }
  func.func @transform_2(%arg0: i32) -> i32 {
    %c0_i32 = arith.constant 0 : i32
    return %arg0 : i32
  }
  func.func @transform_3(%arg0: i32) -> i32 {
    %c0_i32 = arith.constant 0 : i32
    %c0_i32_0 = arith.constant 0 : i32
    return %c0_i32 : i32
  }
  func.func @transform_4(%arg0: i32) -> i32 {
    %c0_i32 = arith.constant 0 : i32
    return %arg0 : i32
  }
  func.func @transform_5(%arg0: i32) -> (i32, i32) {
    %c0_i32 = arith.constant 0 : i32
    %c0_i32_0 = arith.constant 0 : i32
    %c0_i32_1 = arith.constant 0 : i32
    return %c0_i32, %c0_i32_0 : i32, i32
  }
}

</mosaic_0001>

<sc_bundles>
// kernel: kernel.11.cloned.1.call-start
scs
__scs_entry_jumppad:
0x0: {  	(pc) =	sbr.rel $0x88, $3  }
0x1: {  	(tag) =	ssettag $0x0;
	lr =	simm.s32 $0x1  }
0x2: {  	[smem:$0x3F9A] =	sst lr;
	_ =	strace $0xD0000000  }
0x3: {  	_ = 	snop  }
0x4: {  	_ = 	snop  }
0x5: {  	_ = 	snop  }
0x6: {  	_ = 	snop  }
0x7: {  	_ = 	snop  }
__scs_overlays_trampoline_lowered:
0x8: {  	[smem:$0x3FA9] =	sst s0  }
0x9: {  	[smem:$0x3FAA] =	sst s1  }
0xa: {  	[smem:$0x3FAB] =	sst s2  }
0xb: {  	[smem:$0x3FAC] =	sst s3  }
0xc: {  	[smem:$0x3FAD] =	sst s4  }
0xd: {  	[smem:$0x3FAE] =	sst s5  }
0xe: {  	[smem:$0x3FAF] =	sst s6  }
0xf: {  	[smem:$0x3FB0] =	sst s7  }
0x10: {  	[smem:$0x3FB1] =	sst s8  }
0x11: {  	[smem:$0x3FB2] =	sst s9;
	s0 =	simm.s32 @!p0 $0x0  }
0x12: {  	s1 =	sld [smem:$0x3F98];
	s0 =	simm.s32 @p0 $0x1  }
0x13: {  	[smem:$0x3FB3] =	sst s0;
	s0 =	simm.s32 @!p1 $0x0  }
0x14: {  	s2 =	sld [smem:$0x3F97];
	s0 =	simm.s32 @p1 $0x1  }
0x15: {  	[smem:$0x3FB4] =	sst s0;
	s0 =	simm.s32 @!p2 $0x0  }
0x16: {  	s3 =	sld [smem:$0x3FDB];
	s0 =	simm.s32 @p2 $0x1  }
0x17: {  	s4 =	simm.s32 $0x1BF5;
	[smem:$0x3FB6] =	sst s0  }
0x18: {  	s0 =	sld [smem:$0x3F99];
	_ =	swait.ge [sflag:s4], $0x0  }
0x19: {  	s7 =	sld [smem:$0x3F9A]  }
0x1a: {  	s8 =	sadd.s32 $0xFFFFE003, lr  }
0x1b: {  	s9 =	sadd.s32 $0xFFFFFEF7, lr;
	s5 =	simm.s32 $0xFFFFFFFF;
	p2 =	slt.u32 s8, $0xFFFFF086  }
0x1c: {  	p1 =	slt.u32 s9, $0xF7A;
	s5 =	simm.s32 @!p2 $0x0  }
0x1d: {  	s5 =	simm.s32 @p1 $0x1;
	p0 =	seq.s32 s7, s2  }
0x1e: {  	s7 =	smul.u32 @!p0 $0xF7A, s2;
	p2 =	seq.s32 @!p0 s5, $0x0  }
0x1f: {  	s9 =	smul.u32 $0xF7A, s1;
	s8 =	simm.s32 @!p0 $0x1BF5;
	p2 =	por !p2, p0  }
0x20: {  	[sflag:s8] =	ssyncset.s32 @!p0 $0xFFFFF086;
	s6 =	sadd.s32 @!p0 s3, s7;
	s7 =	simm.s32 @!p0 $0x108  }
0x21: {  	s3 =	sadd.s32 s3, s9;
	s6 =	sadd.s32 @!p0 $0x88, s6;
	s7 =	simm.s32 @p2 $0x1082  }
0x22: {  	[simem:s7], [sflag:s8] =	dma.local @!p0 [hbm:s6], $0xF7A  }
0x23: {  	s9 =	sor.u32 $0xD0000000, s2;
	s6 =	simm.s32 $0x108;
	_ =	swait.ge @!p0 [sflag:s8], $0x0  }
0x24: {  	s3 =	sadd.s32 $0x88, s3;
	s6 =	simm.s32 @!p1 $0x1082;
	[sflag:s4] =	ssyncset.s32 $0xFFFFF086  }
0x25: {  	[simem:s6], [sflag:s4] =	dma.local [hbm:s3], $0xF7A  }
0x26: {  	[smem:$0x3F9A] =	sst s1;
	(tag) =	ssettag s2;
	_ =	strace s9  }
0x27: {  	s1 =	sld [smem:$0x3FAA]  }
0x28: {  	s2 =	sld [smem:$0x3FAB]  }
0x29: {  	s4 =	sld [smem:$0x3FAD]  }
0x2a: {  	p0 =	seq.s32 s5, $0x0;
	s5 =	sld [smem:$0x3FAE]  }
0x2b: {  	s6 =	sld [smem:$0x3FAF]  }
0x2c: {  	s7 =	sld [smem:$0x3FB0]  }
0x2d: {  	s3 =	simm.s32 $0x108;
	s8 =	sld [smem:$0x3FB1]  }
0x2e: {  	s3 =	simm.s32 @!p0 $0x1082;
	s9 =	sld [smem:$0x3FB2]  }
0x2f: {  	lr =	sadd.s32 s0, s3;
	s0 =	sld [smem:$0x3FA9]  }
0x30: {  	s3 =	sld [smem:$0x3FAC]  }
0x31: {  	[smem:$0x3FB5] =	sst s10  }
0x32: {  	s10 =	sld [smem:$0x3FB3];
	_ =	sdelay $0x3  }
0x33: {  	p0 =	seq.s32 s10, $0x1;
	s10 =	sld [smem:$0x3FB5];
	_ =	sdelay $0x3  }
0x34: {  	[smem:$0x3FB5] =	sst s10  }
0x35: {  	s10 =	sld [smem:$0x3FB4];
	_ =	sdelay $0x3  }
0x36: {  	p1 =	seq.s32 s10, $0x1;
	s10 =	sld [smem:$0x3FB5];
	_ =	sdelay $0x3  }
0x37: {  	[smem:$0x3FB5] =	sst s10  }
0x38: {  	s10 =	sld [smem:$0x3FB6]  }
0x39: {  	_ = 	snop;
	(pc) =	sbr.ind lr, $3  }
0x3a: {  	_ = 	snop  }
0x3b: {  	_ = 	snop  }
0x3c: {  	p2 =	seq.s32 s10, $0x1;
	s10 =	sld [smem:$0x3FB5]  }
0x3d: {  	_ =	shalt  }
0x3e: {  	_ =	shalt  }
0x3f: {  	_ =	shalt  }
0x40: {  	_ =	shalt  }
0x41: {  	_ =	shalt  }
0x42: {  	_ =	shalt  }
0x43: {  	_ =	shalt  }
0x44: {  	_ =	shalt  }
0x45: {  	_ =	shalt  }
0x46: {  	_ =	shalt  }
0x47: {  	_ =	shalt  }
0x48: {  	_ =	shalt  }
0x49: {  	_ =	shalt  }
0x4a: {  	_ =	shalt  }
0x4b: {  	_ =	shalt  }
0x4c: {  	_ =	shalt  }
0x4d: {  	_ =	shalt  }
0x4e: {  	_ =	shalt  }
0x4f: {  	_ =	shalt  }
0x50: {  	_ =	shalt  }
0x51: {  	_ =	shalt  }
0x52: {  	_ =	shalt  }
0x53: {  	_ =	shalt  }
0x54: {  	_ =	shalt  }
0x55: {  	_ =	shalt  }
0x56: {  	_ =	shalt  }
0x57: {  	_ =	shalt  }
0x58: {  	_ =	shalt  }
0x59: {  	_ =	shalt  }
0x5a: {  	_ =	shalt  }
0x5b: {  	_ =	shalt  }
0x5c: {  	_ =	shalt  }
0x5d: {  	_ =	shalt  }
0x5e: {  	_ =	shalt  }
0x5f: {  	_ =	shalt  }
0x60: {  	_ =	shalt  }
0x61: {  	_ =	shalt  }
0x62: {  	_ =	shalt  }
0x63: {  	_ =	shalt  }
0x64: {  	_ =	shalt  }
0x65: {  	_ =	shalt  }
0x66: {  	_ =	shalt  }
0x67: {  	_ =	shalt  }
0x68: {  	_ =	shalt  }
0x69: {  	_ =	shalt  }
0x6a: {  	_ =	shalt  }
0x6b: {  	_ =	shalt  }
0x6c: {  	_ =	shalt  }
0x6d: {  	_ =	shalt  }
0x6e: {  	_ =	shalt  }
0x6f: {  	_ =	shalt  }
0x70: {  	_ =	shalt  }
0x71: {  	_ =	shalt  }
0x72: {  	_ =	shalt  }
0x73: {  	_ =	shalt  }
0x74: {  	_ =	shalt  }
0x75: {  	_ =	shalt  }
0x76: {  	_ =	shalt  }
0x77: {  	_ =	shalt  }
0x78: {  	_ =	shalt  }
0x79: {  	_ =	shalt  }
0x7a: {  	_ =	shalt  }
0x7b: {  	_ =	shalt  }
0x7c: {  	_ =	shalt  }
0x7d: {  	_ =	shalt  }
0x7e: {  	_ =	shalt  }
0x7f: {  	_ =	shalt  }
0x80: {  	_ =	shalt  }
0x81: {  	_ =	shalt  }
0x82: {  	_ =	shalt  }
0x83: {  	_ =	shalt  }
0x84: {  	_ =	shalt  }
0x85: {  	_ =	shalt  }
0x86: {  	_ =	shalt  }
0x87: {  	_ =	shalt  }
.Lfunc_end0:
.L_simem_size_0:
called_computation.1_lowered:
.L_overlay_start_0:
0x88: {  	s2 =	sld [smem:$0x3FD9]  }
0x89: {  	s3 =	sld [smem:$0x3FFE];
	_ =	sdelay $0x1  }
0x8a: {  	s1 =	srdreg.scid  }
0x8b: {  	s0 =	sand.u32 $0x1, s1  }
0x8c: {  	s16 =	sshll.u32 s0, $0xA;
	s2 =	sadd.s32 s3, s2  }
0x8d: {  	s2 =	sadd.s32 s2, s16  }
0x8e: {  	[smem:$0x3FC1] =	sst s2  }
0x8f: {  	_ = 	snop  }
0x90: {  	(tm) =	ssettm $0x1  }
0x91: {  	s17 =	sld [smem:$0x3FFB];
	_ =	sdelay $0x3  }
0x92: {  	_ =	strace s17  }
0x93: {  	s2 =	sld [smem:$0x3FFC];
	_ =	sdelay $0x3  }
0x94: {  	_ =	strace s2  }
0x95: {  	s2 =	sld [smem:$0x3FFD];
	_ =	sdelay $0x3  }
0x96: {  	_ =	strace s2  }
0x97: {  	_ =	strace $0x8FFFFFFF  }
0x98: {  	s18 =	sld [smem:$0x3FDB];
	_ =	sdelay $0x1  }
0x99: {  	s19 =	simm.s32 $_scs_section_size  }
0x9a: {  	s4 =	simm.s32 $_size__tile_overlayer_lowered;
	s5 =	simm.s32 $_tile_overlayer_lowered  }
0x9b: {  	s22 =	simm.s32 $0x1BFF;
	s21 =	sshll.u32 s5, $0x1;
	s2 =	sadd.s32 s19, s18  }
0x9c: {  	s6 =	simm.s32 $0x0;
	s20 =	sshll.u32 s4, $0x1;
	s4 =	sadd.s32 s21, s2  }
0x9d: {  	[timem:s6], [sflag:s22] =	dma.local [hbm:s4], s20  }
0x9e: {  	_ =	swait.ge [sflag:s22], s20  }
0x9f: {  	s3 =	ssub.s32 $0x0, s20;
	[sflag:s22] =	ssyncset.done $0x0  }
0xa0: {  	[sflag:s22] =	ssyncadd.s32 s3;
	_ =	sdelay $0x1  }
0xa1: {  	s23 =	simm.s32 $0x1B8B  }
0xa2: {  	_ =	swait.ge [sflag:s23], $0x1  }
0xa3: {  	[sflag:s23] =	ssyncset.done $0x0  }
0xa4: {  	s25 =	simm.s32 $0x1B8E;
	s24 =	sld [smem:$0x3FFE];
	[sflag:s23] =	ssyncadd.s32 $0xFFFFFFFF  }
0xa5: {  	s26 =	simm.s32 $execute0_lowered;
	[smem:$0x3FD2] =	sst s25  }
0xa6: {  	s4 =	sshll.u32 s26, $0x1;
	_ =	strace $0x80000049;
	[dreg:$0x1] =	wrdreg $0xFFFFFFFF  }
0xa7: {  	s28 =	simm.s32 $_size_execute0_lowered;
	s2 =	sadd.s32 s2, s4;
	[dreg:$0x0] =	wrdreg $0x0  }
0xa8: {  	s4 =	sshll.u32 s28, $0x1;
	[dreg:$0x2] =	wrdreg s2  }
0xa9: {  	[dreg:$0x3] =	wrdreg s4  }
0xaa: {  	[dreg:$0x4] =	wrdreg $0xC0  }
0xab: {  	_ =	task [dreg:s6], $0x5FFFF  }
0xac: {  	[dreg:$0x1] =	wrdreg $0xFFFFFFFF  }
0xad: {  	[dreg:$0x0] =	wrdreg $0x60  }
0xae: {  	[dreg:$0x2] =	wrdreg s24  }
0xaf: {  	[dreg:$0x3] =	wrdreg $0xA8000  }
0xb0: {  	[dreg:$0x4] =	wrdreg $0x9  }
0xb1: {  	_ =	task.clear_ibuf [dreg:s6], $0x5FFFF;
	_ =	strace $0x90000049  }
0xb2: {  	s29 =	simm.s32 $0x9;
	_ =	strace $0x8000004B  }
0xb3: {  	_ =	swait.ge [sflag:s29], $0x1  }
0xb4: {  	[sflag:s29] =	ssyncadd.s32 $0xFFFFFFFF  }
0xb5: {  	_ =	strace $0x9000004B  }
0xb6: {  	_ =	sfence  }
0xb7: {  	s30 =	sld [smem:$0x0];
	_ =	sdelay $0x2  }
0xb8: {  	s31 =	sshll.u32 s1, $0xD;
	s1 =	sshrl.u32 s1, $0x2  }
0xb9: {  	s3 =	sand.u32 $0x4000, s31;
	s1 =	sadd.s32 s1, s30  }
0xba: {  	s0 =	sor.u32 s3, s0;
	s1 =	sshll.u32 s1, $0x11  }
0xbb: {  	s0 =	sor.u32 s1, s0  }
0xbc: {  	s0 =	sadd.s32 $0x8F2B, s0  }
0xbd: {  	[sflag:s0] =	ssyncadd.remote.s32 $0x1  }
0xbe: {  	_ =	sfence.sel $0xFFFF  }
0xbf: {  	[dreg:$0x0] =	wrdreg $0xFFFFFFFF;
	(pc) =	sbr.abs _section_cstart, $3  }
0xc0: {  	[dreg:$0x1] =	wrdreg $0xFFFFFFFF  }
0xc1: {  	_ =	task.clear_ibuf [dreg:s6], $0x2FFFF;
	_ =	strace $0x9FFFFFFF  }
0xc2: {  	(tm) =	ssettm $0x7FFFFFFF  }
0xc3: {  	_ =	shalt  }
tec
execute0_lowered:
.L_overlay_start_1:
0x0: {  	(tag) =	ssettag $0x1  }
0x1: {  	s0 =	rddreg [dreg:$0x0]  }
0x2: {  	s1 =	rddreg [dreg:$0x1];
	s2 =	simm.s32 $0x0;
	s3 =	srdreg.scid  }
0x3: {  	s8 =	stileid.u32;
	s28 =	simm.s32 $0x1380;
	s29 =	simm.s32 $0x2700  }
0x4: {  	s30 =	simm.s32 $0x2780;
	s31 =	simm.s32 $0x0;
	[smem:$0x7FF] =	sst s2  }
0x5: {  	s4 =	sadd.s32 $0x20C00, s0;
	s10 =	sadd.s32 $0x16C00, s0;
	s3 =	sand.u32 $0x1, s3  }
0x6: {  	s13 =	sadd.s32 $0x2C00, s0;
	s6 =	smul.u32 $0x50000, s8;
	s0 =	sadd.s32 $0x48C00, s0  }
0x7: {  	s12 =	smul.u32 $0x14000, s8;
	_ =	strace $0x8000004A;
	s5 =	ssub.s32 $0x2, s3  }
0x8: {  	s20 =	sshll.u32 s3, $0x4;
	s3 =	smul.u32 $0x140000, s3;
	s7 =	sshrl.u32 s5, $0x1  }
0x9: {  	s6 =	sshrl.u32 s6, $0x2;
	s21 =	sor.u32 s8, s20;
	s14 =	sadd.s32 $0x4000, s12  }
0xa: {  	s16 =	sadd.s32 $0x8000, s12;
	s17 =	sadd.s32 $0xC000, s12;
	s18 =	sadd.s32 $0x10000, s12  }
0xb: {  	s19 =	ssub.s32 s5, s7;
	s5 =	sadd.s32 s6, s1;
	s9 =	smul.u32 $0x2800, s21  }
0xc: {  	s6 =	sadd.s32 s14, s1;
	s7 =	sadd.s32 s16, s1;
	s8 =	sadd.s32 s17, s1  }
0xd: {  	s20 =	sadd.s32 s12, s3;
	s14 =	sadd.s32 s3, s14;
	s25 =	sadd.s32 s3, s16  }
0xe: {  	s26 =	sadd.s32 s3, s17;
	s3 =	sadd.s32 s3, s18;
	s21 =	simm.s32 $0x3  }
0xf: {  	s23 =	sshrl.u32 s20, $0x3;
	s24 =	sshrl.u32 s14, $0x3;
	s17 =	sshrl.u32 s26, $0x3  }
0x10: {  	s3 =	sshrl.u32 s3, $0x3;
	s19 =	smax.u32 s19, $0x1;
	s20 =	simm.s32 $0x2800  }
0x11: {  	s26 =	simm.s32 $0x2;
	s15 =	sshrl.u32 s9, $0x3;
	s9 =	sadd.s32 s18, s1  }
0x12: {  	s14 =	sadd.s32 s0, s23;
	s17 =	sadd.s32 s0, s17;
	s11 =	sadd.s32 s10, s15  }
0x13: {  	s18 =	sadd.s32 s0, s3;
	s22 =	sadd.s32 s13, s15;
	[dreg:$0x3] =	wrdreg s11  }
0x14: {  	s23 =	simm.s32 $0x80;
	s15 =	sadd.s32 $0x280, s15;
	[dreg:$0x4] =	wrdreg s22  }
0x15: {  	s10 =	sadd.s32 s10, s15;
	s13 =	sadd.s32 s13, s15;
	s15 =	sadd.s32 s0, s24  }
0x16: {  	s22 =	simm.s32 $0x1400;
	[dreg:$0x5] =	wrdreg s10;
	s10 =	sshrl.u32 s25, $0x3  }
0x17: {  	v0 =	vimm.f32 $0.0e+00;
	s24 =	simm.s32 $0x6800;
	s25 =	simm.s32 $0x1;
	s16 =	sadd.s32 s0, s10  }
.LBB2_1:
0x18: {  	s0 =	sand.u32 $0xFE00, s2  }
0x19: {  	s3 =	sand.u32 $0x70, s2;
	s10 =	sshrl.u32 s0, $0x2  }
0x1a: {  	s0 =	simm.s32 $0x40;
	s10 =	sor.u32 s3, s10;
	s3 =	simm.s32 $0x0  }
.LBB2_2:
0x1b: {  	p0 =	sne.s32 s0, $0xFFC0  }
0x1c: {  	[tilespmem:s10+$0x2800] =	vst v0;
	s3 =	sadd.s32 $0x10, s3;
	s10 =	smov.u32 s0;
	s0 =	sadd.s32 $0x40, s0  }
.Ltmp0:
0x1d: {  	(pc) =	sbr.rel @p0 .LBB2_2-.Ltmp0, $4  }
0x1e: {  	_ = 	snop  }
0x1f: {  	s10 =	sand.u32 $0xFE00, s10  }
0x20: {  	s11 =	sand.u32 $0x70, s3;
	s10 =	sshrl.u32 s10, $0x2  }
0x21: {  	s10 =	sor.u32 s11, s10  }
0x22: {  	[tilespmem:s10+$0x2800] =	vst v0  }
0x23: {  	[spmem:s5] =	stream.linear.scatter [tilespmem:s20], [sflag:$0x3], $0x4000, $0x38;
	[tilespmem:$0x1E800] =	vst v63  }
0x24: {  	_ =	swait.ge [sflag:s21], $0x4000  }
0x25: {  	[sflag:s21] =	ssyncset.done $0x0  }
0x26: {  	[sflag:s21] =	ssyncadd.s32 $0xFFFFC000  }
0x27: {  	[spmem:s6] =	stream.linear.scatter [tilespmem:s20], [sflag:$0x3], $0x4000, $0x38;
	[tilespmem:$0x1E800] =	vst v63  }
0x28: {  	_ =	swait.ge [sflag:s21], $0x4000  }
0x29: {  	[sflag:s21] =	ssyncset.done $0x0  }
0x2a: {  	[sflag:s21] =	ssyncadd.s32 $0xFFFFC000  }
0x2b: {  	[spmem:s7] =	stream.linear.scatter [tilespmem:s20], [sflag:$0x3], $0x4000, $0x38;
	[tilespmem:$0x1E800] =	vst v63  }
0x2c: {  	_ =	swait.ge [sflag:s21], $0x4000  }
0x2d: {  	[sflag:s21] =	ssyncset.done $0x0  }
0x2e: {  	[sflag:s21] =	ssyncadd.s32 $0xFFFFC000  }
0x2f: {  	[spmem:s8] =	stream.linear.scatter [tilespmem:s20], [sflag:$0x3], $0x4000, $0x38;
	[tilespmem:$0x1E800] =	vst v63  }
0x30: {  	_ =	swait.ge [sflag:s21], $0x4000  }
0x31: {  	[sflag:s21] =	ssyncset.done $0x0  }
0x32: {  	[sflag:s21] =	ssyncadd.s32 $0xFFFFC000  }
0x33: {  	[spmem:s9] =	stream.linear.scatter [tilespmem:s20], [sflag:$0x3], $0x4000, $0x38;
	[tilespmem:$0x1E800] =	vst v63  }
0x34: {  	_ =	swait.ge [sflag:s21], $0x4000  }
0x35: {  	[sflag:s21] =	ssyncset.done $0x0  }
0x36: {  	[sflag:s21] =	ssyncadd.s32 $0xFFFFC000  }
0x37: {  	[bflag:$0x0] =	sbarrier.arrive $0xFFFF  }
0x38: {  	s0 =	simm.s32 $0x0;
	s3 =	rddreg [dreg:$0x3]  }
0x39: {  	[tilespmem:s0], [sflag:$0x3] =	stream.linear.gather [hbm4b:s3+s0], $0x1400, $0x38;
	[tilespmem:$0x1E800] =	vst v63  }
0x3a: {  	_ =	swait.ge [sflag:s21], $0x1400  }
0x3b: {  	[sflag:s21] =	ssyncset.done $0x0  }
0x3c: {  	s12 =	rddreg [dreg:$0x4];
	[sflag:s21] =	ssyncadd.s32 $0xFFFFEC00  }
0x3d: {  	[tilespmem:s22], [sflag:$0x3] =	stream.linear.gather [hbm4b:s12+s0], $0x1400, $0x38;
	[tilespmem:$0x1E800] =	vst v63  }
0x3e: {  	_ =	swait.ge [sflag:s21], $0x1400  }
0x3f: {  	[sflag:s21] =	ssyncset.done $0x0  }
0x40: {  	[sflag:s21] =	ssyncadd.s32 $0xFFFFEC00  }
0x41: {  	[tilespmem:s20], [sflag:$0x1] =	stream.indirect.gather [hbm4b:s4+s23], $0x80, s0, s23, $0xb8;
	[tilespmem:$0x1E800] =	vst v63  }
0x42: {  	s3 =	simm.s32 $0x80  }
0x43: {  	[tilespmem:s24], [sflag:$0x2] =	stream.indirect.gather [hbm4b:s4+s23], $0x80, s3, s23, $0xb8;
	[tilespmem:$0x1E800] =	vst v63  }
0x44: {  	_ =	swait.ge [sflag:s25], $0x4000  }
0x45: {  	[sflag:s25] =	ssyncset.done $0x0  }
0x46: {  	s10 =	simm.s32 $0x1400;
	[sflag:s25] =	ssyncadd.s32 $0xFFFFC000  }
0x47: {  	[spmem:s1] =	stream.indirect.scatter.add.f32 [tilespmem:s20], [sflag:$0x3], $0x80, s10, s23, $0xb8;
	[tilespmem:$0x1E800] =	vst v63  }
0x48: {  	_ =	swait.ge [sflag:s21], $0x4000  }
0x49: {  	[sflag:s21] =	ssyncset.done $0x0  }
0x4a: {  	s11 =	simm.s32 $0x100;
	[sflag:s21] =	ssyncadd.s32 $0xFFFFC000  }
0x4b: {  	[tilespmem:s20], [sflag:$0x1] =	stream.indirect.gather [hbm4b:s4+s23], $0x80, s11, s23, $0xb8;
	[tilespmem:$0x1E800] =	vst v63  }
0x4c: {  	_ =	swait.ge [sflag:s26], $0x4000  }
0x4d: {  	[sflag:s26] =	ssyncset.done $0x0  }
0x4e: {  	s12 =	simm.s32 $0x1480;
	[sflag:s26] =	ssyncadd.s32 $0xFFFFC000  }
0x4f: {  	[spmem:s1] =	stream.indirect.scatter.add.f32 [tilespmem:s24], [sflag:$0x3], $0x80, s12, s23, $0xb8;
	[tilespmem:$0x1E800] =	vst v63  }
0x50: {  	_ =	swait.ge [sflag:s21], $0x4000  }
0x51: {  	s0 =	simm.s32 $0x100;
	s3 =	simm.s32 $0x800;
	[sflag:s21] =	ssyncset.done $0x0  }
.LBB2_4:
0x52: {  	s10 =	sadd.s32 $0x80, s0  }
0x53: {  	[sflag:s21] =	ssyncadd.s32 $0xFFFFC000;
	s11 =	smov.u32 s3;
	s12 =	sadd.s32 $0x400, s3  }
0x54: {  	[tilespmem:s24], [sflag:$0x2] =	stream.indirect.gather [hbm4b:s4+s23], $0x80, s10, s23, $0xb8;
	[tilespmem:$0x1E800] =	vst v63  }
0x55: {  	p0 =	sne.s32 s3, $0x4800;
	_ =	swait.ge [sflag:s25], $0x4000  }
0x56: {  	[sflag:s25] =	ssyncset.done $0x0  }
0x57: {  	s3 =	sadd.s32 $0x1400, s0;
	[sflag:s25] =	ssyncadd.s32 $0xFFFFC000  }
0x58: {  	[spmem:s1] =	stream.indirect.scatter.add.f32 [tilespmem:s20], [sflag:$0x3], $0x80, s3, s23, $0xb8;
	[tilespmem:$0x1E800] =	vst v63  }
0x59: {  	_ =	swait.ge [sflag:s21], $0x4000  }
0x5a: {  	[sflag:s21] =	ssyncset.done $0x0  }
0x5b: {  	s3 =	sadd.s32 $0x100, s0;
	[sflag:s21] =	ssyncadd.s32 $0xFFFFC000  }
0x5c: {  	[tilespmem:s20], [sflag:$0x1] =	stream.indirect.gather [hbm4b:s4+s23], $0x80, s3, s23, $0xb8;
	[tilespmem:$0x1E800] =	vst v63  }
0x5d: {  	_ =	swait.ge [sflag:s26], $0x4000  }
.Ltmp1:
0x5e: {  	[sflag:s26] =	ssyncset.done $0x0;
	(pc) =	sbr.rel @p0 .LBB2_4-.Ltmp1, $4  }
0x5f: {  	s0 =	sadd.s32 $0x1480, s0;
	[sflag:s26] =	ssyncadd.s32 $0xFFFFC000  }
0x60: {  	[spmem:s1] =	stream.indirect.scatter.add.f32 [tilespmem:s24], [sflag:$0x3], $0x80, s0, s23, $0xb8;
	[tilespmem:$0x1E800] =	vst v63  }
0x61: {  	_ =	swait.ge [sflag:s21], $0x4000  }
0x62: {  	s3 =	smov.u32 s12;
	s0 =	sshra.s32 s11, $0x2;
	[sflag:s21] =	ssyncset.done $0x0  }
0x63: {  	s3 =	sadd.s32 $0x80, s0;
	[sflag:s21] =	ssyncadd.s32 $0xFFFFC000  }
0x64: {  	[tilespmem:s24], [sflag:$0x2] =	stream.indirect.gather [hbm4b:s4+s23], $0x80, s3, s23, $0xb8;
	[tilespmem:$0x1E800] =	vst v63  }
0x65: {  	_ =	swait.ge [sflag:s25], $0x4000  }
0x66: {  	[sflag:s25] =	ssyncset.done $0x0  }
0x67: {  	s11 =	sadd.s32 $0x1400, s0;
	[sflag:s25] =	ssyncadd.s32 $0xFFFFC000  }
0x68: {  	[spmem:s1] =	stream.indirect.scatter.add.f32 [tilespmem:s20], [sflag:$0x3], $0x80, s11, s23, $0xb8;
	[tilespmem:$0x1E800] =	vst v63  }
0x69: {  	_ =	swait.ge [sflag:s21], $0x4000  }
0x6a: {  	[sflag:s21] =	ssyncset.done $0x0  }
0x6b: {  	s12 =	sadd.s32 $0x100, s0;
	[sflag:s21] =	ssyncadd.s32 $0xFFFFC000  }
0x6c: {  	[tilespmem:s20], [sflag:$0x1] =	stream.indirect.gather [hbm4b:s4+s23], $0x80, s12, s23, $0xb8;
	[tilespmem:$0x1E800] =	vst v63  }
0x6d: {  	_ =	swait.ge [sflag:s26], $0x4000  }
0x6e: {  	[sflag:s26] =	ssyncset.done $0x0  }
0x6f: {  	s10 =	sadd.s32 $0x1480, s0;
	[sflag:s26] =	ssyncadd.s32 $0xFFFFC000  }
0x70: {  	[spmem:s1] =	stream.indirect.scatter.add.f32 [tilespmem:s24], [sflag:$0x3], $0x80, s10, s23, $0xb8;
	[tilespmem:$0x1E800] =	vst v63  }
0x71: {  	_ =	swait.ge [sflag:s21], $0x4000  }
0x72: {  	[sflag:s21] =	ssyncset.done $0x0  }
0x73: {  	[sflag:s21] =	ssyncadd.s32 $0xFFFFC000  }
0x74: {  	[tilespmem:s24], [sflag:$0x2] =	stream.indirect.gather [hbm4b:s4+s23], $0x80, s28, s23, $0xb8;
	[tilespmem:$0x1E800] =	vst v63  }
0x75: {  	_ =	swait.ge [sflag:s25], $0x4000  }
0x76: {  	[sflag:s25] =	ssyncset.done $0x0  }
0x77: {  	[sflag:s25] =	ssyncadd.s32 $0xFFFFC000  }
0x78: {  	[spmem:s1] =	stream.indirect.scatter.add.f32 [tilespmem:s20], [sflag:$0x3], $0x80, s29, s23, $0xb8;
	[tilespmem:$0x1E800] =	vst v63  }
0x79: {  	_ =	swait.ge [sflag:s21], $0x4000  }
0x7a: {  	[sflag:s21] =	ssyncset.done $0x0  }
0x7b: {  	[sflag:s21] =	ssyncadd.s32 $0xFFFFC000  }
0x7c: {  	_ =	swait.ge [sflag:s26], $0x4000  }
0x7d: {  	[sflag:s26] =	ssyncset.done $0x0  }
0x7e: {  	[sflag:s26] =	ssyncadd.s32 $0xFFFFC000  }
0x7f: {  	[spmem:s1] =	stream.indirect.scatter.add.f32 [tilespmem:s24], [sflag:$0x3], $0x80, s30, s23, $0xb8;
	[tilespmem:$0x1E800] =	vst v63  }
0x80: {  	_ =	swait.ge [sflag:s21], $0x4000  }
0x81: {  	[sflag:s21] =	ssyncset.done $0x0  }
0x82: {  	s11 =	simm.s32 $0x0;
	s12 =	rddreg [dreg:$0x5];
	[sflag:s21] =	ssyncadd.s32 $0xFFFFC000  }
0x83: {  	[tilespmem:s11], [sflag:$0x3] =	stream.linear.gather [hbm4b:s12+s11], $0x1400, $0x38;
	[tilespmem:$0x1E800] =	vst v63  }
0x84: {  	_ =	swait.ge [sflag:s21], $0x1400  }
0x85: {  	[sflag:s21] =	ssyncset.done $0x0  }
0x86: {  	[sflag:s21] =	ssyncadd.s32 $0xFFFFEC00  }
0x87: {  	[tilespmem:s22], [sflag:$0x3] =	stream.linear.gather [hbm4b:s13+s11], $0x1400, $0x38;
	[tilespmem:$0x1E800] =	vst v63  }
0x88: {  	_ =	swait.ge [sflag:s21], $0x1400  }
0x89: {  	[sflag:s21] =	ssyncset.done $0x0  }
0x8a: {  	[sflag:s21] =	ssyncadd.s32 $0xFFFFEC00  }
0x8b: {  	[tilespmem:s20], [sflag:$0x1] =	stream.indirect.gather [hbm4b:s4+s23], $0x80, s11, s23, $0xb8;
	[tilespmem:$0x1E800] =	vst v63  }
0x8c: {  	s3 =	simm.s32 $0x80  }
0x8d: {  	[tilespmem:s24], [sflag:$0x2] =	stream.indirect.gather [hbm4b:s4+s23], $0x80, s3, s23, $0xb8;
	[tilespmem:$0x1E800] =	vst v63  }
0x8e: {  	_ =	swait.ge [sflag:s25], $0x4000  }
0x8f: {  	[sflag:s25] =	ssyncset.done $0x0  }
0x90: {  	s10 =	simm.s32 $0x1400;
	[sflag:s25] =	ssyncadd.s32 $0xFFFFC000  }
0x91: {  	[spmem:s1] =	stream.indirect.scatter.add.f32 [tilespmem:s20], [sflag:$0x3], $0x80, s10, s23, $0xb8;
	[tilespmem:$0x1E800] =	vst v63  }
0x92: {  	_ =	swait.ge [sflag:s21], $0x4000  }
0x93: {  	[sflag:s21] =	ssyncset.done $0x0  }
0x94: {  	s11 =	simm.s32 $0x100;
	[sflag:s21] =	ssyncadd.s32 $0xFFFFC000  }
0x95: {  	[tilespmem:s20], [sflag:$0x1] =	stream.indirect.gather [hbm4b:s4+s23], $0x80, s11, s23, $0xb8;
	[tilespmem:$0x1E800] =	vst v63  }
0x96: {  	_ =	swait.ge [sflag:s26], $0x4000  }
0x97: {  	[sflag:s26] =	ssyncset.done $0x0  }
0x98: {  	s12 =	simm.s32 $0x1480;
	[sflag:s26] =	ssyncadd.s32 $0xFFFFC000  }
0x99: {  	[spmem:s1] =	stream.indirect.scatter.add.f32 [tilespmem:s24], [sflag:$0x3], $0x80, s12, s23, $0xb8;
	[tilespmem:$0x1E800] =	vst v63  }
0x9a: {  	_ =	swait.ge [sflag:s21], $0x4000  }
0x9b: {  	s0 =	simm.s32 $0x100;
	s3 =	simm.s32 $0x800;
	[sflag:s21] =	ssyncset.done $0x0  }
.LBB2_6:
0x9c: {  	s10 =	sadd.s32 $0x80, s0  }
0x9d: {  	[sflag:s21] =	ssyncadd.s32 $0xFFFFC000;
	s11 =	smov.u32 s3;
	s12 =	sadd.s32 $0x400, s3  }
0x9e: {  	[tilespmem:s24], [sflag:$0x2] =	stream.indirect.gather [hbm4b:s4+s23], $0x80, s10, s23, $0xb8;
	[tilespmem:$0x1E800] =	vst v63  }
0x9f: {  	p0 =	sne.s32 s3, $0x4800;
	_ =	swait.ge [sflag:s25], $0x4000  }
0xa0: {  	[sflag:s25] =	ssyncset.done $0x0  }
0xa1: {  	s3 =	sadd.s32 $0x1400, s0;
	[sflag:s25] =	ssyncadd.s32 $0xFFFFC000  }
0xa2: {  	[spmem:s1] =	stream.indirect.scatter.add.f32 [tilespmem:s20], [sflag:$0x3], $0x80, s3, s23, $0xb8;
	[tilespmem:$0x1E800] =	vst v63  }
0xa3: {  	_ =	swait.ge [sflag:s21], $0x4000  }
0xa4: {  	[sflag:s21] =	ssyncset.done $0x0  }
0xa5: {  	s3 =	sadd.s32 $0x100, s0;
	[sflag:s21] =	ssyncadd.s32 $0xFFFFC000  }
0xa6: {  	[tilespmem:s20], [sflag:$0x1] =	stream.indirect.gather [hbm4b:s4+s23], $0x80, s3, s23, $0xb8;
	[tilespmem:$0x1E800] =	vst v63  }
0xa7: {  	_ =	swait.ge [sflag:s26], $0x4000  }
.Ltmp2:
0xa8: {  	[sflag:s26] =	ssyncset.done $0x0;
	(pc) =	sbr.rel @p0 .LBB2_6-.Ltmp2, $4  }
0xa9: {  	s0 =	sadd.s32 $0x1480, s0;
	[sflag:s26] =	ssyncadd.s32 $0xFFFFC000  }
0xaa: {  	[spmem:s1] =	stream.indirect.scatter.add.f32 [tilespmem:s24], [sflag:$0x3], $0x80, s0, s23, $0xb8;
	[tilespmem:$0x1E800] =	vst v63  }
0xab: {  	_ =	swait.ge [sflag:s21], $0x4000  }
0xac: {  	s3 =	smov.u32 s12;
	s0 =	sshra.s32 s11, $0x2;
	[sflag:s21] =	ssyncset.done $0x0  }
0xad: {  	s3 =	sadd.s32 $0x80, s0;
	[sflag:s21] =	ssyncadd.s32 $0xFFFFC000  }
0xae: {  	[tilespmem:s24], [sflag:$0x2] =	stream.indirect.gather [hbm4b:s4+s23], $0x80, s3, s23, $0xb8;
	[tilespmem:$0x1E800] =	vst v63  }
0xaf: {  	_ =	swait.ge [sflag:s25], $0x4000  }
0xb0: {  	[sflag:s25] =	ssyncset.done $0x0  }
0xb1: {  	s10 =	sadd.s32 $0x1400, s0;
	[sflag:s25] =	ssyncadd.s32 $0xFFFFC000  }
0xb2: {  	[spmem:s1] =	stream.indirect.scatter.add.f32 [tilespmem:s20], [sflag:$0x3], $0x80, s10, s23, $0xb8;
	[tilespmem:$0x1E800] =	vst v63  }
0xb3: {  	_ =	swait.ge [sflag:s21], $0x4000  }
0xb4: {  	[sflag:s21] =	ssyncset.done $0x0  }
0xb5: {  	s11 =	sadd.s32 $0x100, s0;
	[sflag:s21] =	ssyncadd.s32 $0xFFFFC000  }
0xb6: {  	[tilespmem:s20], [sflag:$0x1] =	stream.indirect.gather [hbm4b:s4+s23], $0x80, s11, s23, $0xb8;
	[tilespmem:$0x1E800] =	vst v63  }
0xb7: {  	_ =	swait.ge [sflag:s26], $0x4000  }
0xb8: {  	[sflag:s26] =	ssyncset.done $0x0  }
0xb9: {  	s12 =	sadd.s32 $0x1480, s0;
	[sflag:s26] =	ssyncadd.s32 $0xFFFFC000  }
0xba: {  	[spmem:s1] =	stream.indirect.scatter.add.f32 [tilespmem:s24], [sflag:$0x3], $0x80, s12, s23, $0xb8;
	[tilespmem:$0x1E800] =	vst v63  }
0xbb: {  	_ =	swait.ge [sflag:s21], $0x4000  }
0xbc: {  	[sflag:s21] =	ssyncset.done $0x0  }
0xbd: {  	[sflag:s21] =	ssyncadd.s32 $0xFFFFC000  }
0xbe: {  	[tilespmem:s24], [sflag:$0x2] =	stream.indirect.gather [hbm4b:s4+s23], $0x80, s28, s23, $0xb8;
	[tilespmem:$0x1E800] =	vst v63  }
0xbf: {  	_ =	swait.ge [sflag:s25], $0x4000  }
0xc0: {  	[sflag:s25] =	ssyncset.done $0x0  }
0xc1: {  	[sflag:s25] =	ssyncadd.s32 $0xFFFFC000  }
0xc2: {  	[spmem:s1] =	stream.indirect.scatter.add.f32 [tilespmem:s20], [sflag:$0x3], $0x80, s29, s23, $0xb8;
	[tilespmem:$0x1E800] =	vst v63  }
0xc3: {  	_ =	swait.ge [sflag:s21], $0x4000  }
0xc4: {  	[sflag:s21] =	ssyncset.done $0x0  }
0xc5: {  	[sflag:s21] =	ssyncadd.s32 $0xFFFFC000  }
0xc6: {  	_ =	swait.ge [sflag:s26], $0x4000  }
0xc7: {  	[sflag:s26] =	ssyncset.done $0x0  }
0xc8: {  	[sflag:s26] =	ssyncadd.s32 $0xFFFFC000  }
0xc9: {  	[spmem:s1] =	stream.indirect.scatter.add.f32 [tilespmem:s24], [sflag:$0x3], $0x80, s30, s23, $0xb8;
	[tilespmem:$0x1E800] =	vst v63  }
0xca: {  	_ =	swait.ge [sflag:s21], $0x4000  }
0xcb: {  	[sflag:s21] =	ssyncset.done $0x0  }
0xcc: {  	[sflag:s21] =	ssyncadd.s32 $0xFFFFC000  }
0xcd: {  	[bflag:$0x0] =	sbarrier.arrive $0xFFFF  }
0xce: {  	[tilespmem:s20], [sflag:$0x3] =	stream.linear.gather [spmem:s5], $0x4000, $0x38;
	[tilespmem:$0x1E800] =	vst v63  }
0xcf: {  	_ =	swait.ge [sflag:s21], $0x4000  }
0xd0: {  	[sflag:s21] =	ssyncset.done $0x0  }
0xd1: {  	[sflag:s21] =	ssyncadd.s32 $0xFFFFC000  }
0xd2: {  	[hbm4b:s14+s2] =	stream.linear.scatter [tilespmem:s20], [sflag:$0x3], $0x4000, $0x38;
	[tilespmem:$0x1E800] =	vst v63  }
0xd3: {  	_ =	swait.ge [sflag:s21], $0x4000  }
0xd4: {  	[sflag:s21] =	ssyncset.done $0x0  }
0xd5: {  	[sflag:s21] =	ssyncadd.s32 $0xFFFFC000  }
0xd6: {  	[tilespmem:s20], [sflag:$0x3] =	stream.linear.gather [spmem:s6], $0x4000, $0x38;
	[tilespmem:$0x1E800] =	vst v63  }
0xd7: {  	_ =	swait.ge [sflag:s21], $0x4000  }
0xd8: {  	[sflag:s21] =	ssyncset.done $0x0  }
0xd9: {  	[sflag:s21] =	ssyncadd.s32 $0xFFFFC000  }
0xda: {  	[hbm4b:s15+s2] =	stream.linear.scatter [tilespmem:s20], [sflag:$0x3], $0x4000, $0x38;
	[tilespmem:$0x1E800] =	vst v63  }
0xdb: {  	_ =	swait.ge [sflag:s21], $0x4000  }
0xdc: {  	[sflag:s21] =	ssyncset.done $0x0  }
0xdd: {  	[sflag:s21] =	ssyncadd.s32 $0xFFFFC000  }
0xde: {  	[tilespmem:s20], [sflag:$0x3] =	stream.linear.gather [spmem:s7], $0x4000, $0x38;
	[tilespmem:$0x1E800] =	vst v63  }
0xdf: {  	_ =	swait.ge [sflag:s21], $0x4000  }
0xe0: {  	[sflag:s21] =	ssyncset.done $0x0  }
0xe1: {  	[sflag:s21] =	ssyncadd.s32 $0xFFFFC000  }
0xe2: {  	[hbm4b:s16+s2] =	stream.linear.scatter [tilespmem:s20], [sflag:$0x3], $0x4000, $0x38;
	[tilespmem:$0x1E800] =	vst v63  }
0xe3: {  	_ =	swait.ge [sflag:s21], $0x4000  }
0xe4: {  	[sflag:s21] =	ssyncset.done $0x0  }
0xe5: {  	[sflag:s21] =	ssyncadd.s32 $0xFFFFC000  }
0xe6: {  	[tilespmem:s20], [sflag:$0x3] =	stream.linear.gather [spmem:s8], $0x4000, $0x38;
	[tilespmem:$0x1E800] =	vst v63  }
0xe7: {  	_ =	swait.ge [sflag:s21], $0x4000  }
0xe8: {  	[sflag:s21] =	ssyncset.done $0x0  }
0xe9: {  	[sflag:s21] =	ssyncadd.s32 $0xFFFFC000  }
0xea: {  	[hbm4b:s17+s2] =	stream.linear.scatter [tilespmem:s20], [sflag:$0x3], $0x4000, $0x38;
	[tilespmem:$0x1E800] =	vst v63  }
0xeb: {  	_ =	swait.ge [sflag:s21], $0x4000  }
0xec: {  	[sflag:s21] =	ssyncset.done $0x0  }
0xed: {  	[sflag:s21] =	ssyncadd.s32 $0xFFFFC000  }
0xee: {  	[tilespmem:s20], [sflag:$0x3] =	stream.linear.gather [spmem:s9], $0x4000, $0x38;
	[tilespmem:$0x1E800] =	vst v63  }
0xef: {  	s31 =	sadd.s32 $0x1, s31;
	_ =	swait.ge [sflag:s21], $0x4000  }
0xf0: {  	p0 =	sne.s32 s31, s19;
	[sflag:s21] =	ssyncset.done $0x0  }
.Ltmp3:
0xf1: {  	[sflag:s21] =	ssyncadd.s32 $0xFFFFC000;
	(pc) =	sbr.rel @p0 .LBB2_1-.Ltmp3, $4  }
0xf2: {  	[hbm4b:s18+s2] =	stream.linear.scatter [tilespmem:s20], [sflag:$0x3], $0x4000, $0x38;
	[tilespmem:$0x1E800] =	vst v63  }
0xf3: {  	_ =	swait.ge [sflag:s21], $0x4000  }
0xf4: {  	[sflag:s21] =	ssyncset.done $0x0  }
0xf5: {  	[sflag:s21] =	ssyncadd.s32 $0xFFFFC000  }
0xf6: {  	_ =	sfence.sel $0x180000  }
0xf7: {  	[bflag:$0x0] =	sbarrier.arrive $0xFFFF  }
0xf8: {  	_ =	strace $0x9000004A  }
0xf9: {  	s0 =	stileid.u32;
	[bflag:$0x2] =	sbarrier.arrive $0xFFFF  }
0xfa: {  	p0 =	sne.s32 s0, $0x0;
	s0 =	rddreg [dreg:$0x2]  }
0xfb: {  	s0 =	sadd.s32 @!p0 $0x100000, s0  }
0xfc: {  	[sflag:s0] =	ssyncadd.tile.s32 @!p0 $0x1;
	_ =	shalt  }
.Lfunc_end2:
_tile_overlayer_lowered:
.L_overlay_start_2:
0xfd: {  	(tag) =	ssettag $0x2  }
0xfe: {  	s0 =	rddreg [dreg:$0x0];
	s2 =	stileid.u32  }
0xff: {  	s1 =	rddreg [dreg:$0x1];
	p0 =	sne.s32 s2, $0x0  }
0x100: {  	s3 =	rddreg [dreg:$0x2];
	[bflag:$0x3] =	sbarrier.arrive $0xFFFF;
	s2 =	simm.s32 @!p0 $0x1C03  }
0x101: {  	[timem:s3], [sflag:s2] =	dma.local @!p0 [hbm:s0], s1  }
0x102: {  	s0 =	simm.s32 @!p0 $0x3  }
0x103: {  	_ =	swait.ge @!p0 [sflag:s0], s1  }
0x104: {  	s1 =	ssub.s32 @!p0 $0x0, s1;
	[sflag:s0] =	ssyncset.done @!p0 $0x0  }
0x105: {  	[sflag:s0] =	ssyncadd.s32 @!p0 s1  }
0x106: {  	[bflag:$0x3] =	sbarrier.arrive $0xFFFF  }
0x107: {  	_ =	shalt  }

// kernel: kernel.14.cloned.1.call-start
scs
__scs_entry_jumppad:
0x0: {  	(pc) =	sbr.rel $0x88, $3  }
0x1: {  	(tag) =	ssettag $0x0;
	lr =	simm.s32 $0x1  }
0x2: {  	[smem:$0x3F9A] =	sst lr;
	_ =	strace $0xD0000000  }
0x3: {  	_ = 	snop  }
0x4: {  	_ = 	snop  }
0x5: {  	_ = 	snop  }
0x6: {  	_ = 	snop  }
0x7: {  	_ = 	snop  }
__scs_overlays_trampoline_lowered:
0x8: {  	[smem:$0x3FA9] =	sst s0  }
0x9: {  	[smem:$0x3FAA] =	sst s1  }
0xa: {  	[smem:$0x3FAB] =	sst s2  }
0xb: {  	[smem:$0x3FAC] =	sst s3  }
0xc: {  	[smem:$0x3FAD] =	sst s4  }
0xd: {  	[smem:$0x3FAE] =	sst s5  }
0xe: {  	[smem:$0x3FAF] =	sst s6  }
0xf: {  	[smem:$0x3FB0] =	sst s7  }
0x10: {  	[smem:$0x3FB1] =	sst s8  }
0x11: {  	[smem:$0x3FB2] =	sst s9;
	s0 =	simm.s32 @!p0 $0x0  }
0x12: {  	s1 =	sld [smem:$0x3F98];
	s0 =	simm.s32 @p0 $0x1  }
0x13: {  	[smem:$0x3FB3] =	sst s0;
	s0 =	simm.s32 @!p1 $0x0  }
0x14: {  	s2 =	sld [smem:$0x3F97];
	s0 =	simm.s32 @p1 $0x1  }
0x15: {  	[smem:$0x3FB4] =	sst s0;
	s0 =	simm.s32 @!p2 $0x0  }
0x16: {  	s3 =	sld [smem:$0x3FDB];
	s0 =	simm.s32 @p2 $0x1  }
0x17: {  	s4 =	simm.s32 $0x1BF5;
	[smem:$0x3FB6] =	sst s0  }
0x18: {  	s0 =	sld [smem:$0x3F99];
	_ =	swait.ge [sflag:s4], $0x0  }
0x19: {  	s7 =	sld [smem:$0x3F9A]  }
0x1a: {  	s8 =	sadd.s32 $0xFFFFE003, lr  }
0x1b: {  	s9 =	sadd.s32 $0xFFFFFEF7, lr;
	s5 =	simm.s32 $0xFFFFFFFF;
	p2 =	slt.u32 s8, $0xFFFFF086  }
0x1c: {  	p1 =	slt.u32 s9, $0xF7A;
	s5 =	simm.s32 @!p2 $0x0  }
0x1d: {  	s5 =	simm.s32 @p1 $0x1;
	p0 =	seq.s32 s7, s2  }
0x1e: {  	s7 =	smul.u32 @!p0 $0xF7A, s2;
	p2 =	seq.s32 @!p0 s5, $0x0  }
0x1f: {  	s9 =	smul.u32 $0xF7A, s1;
	s8 =	simm.s32 @!p0 $0x1BF5;
	p2 =	por !p2, p0  }
0x20: {  	[sflag:s8] =	ssyncset.s32 @!p0 $0xFFFFF086;
	s6 =	sadd.s32 @!p0 s3, s7;
	s7 =	simm.s32 @!p0 $0x108  }
0x21: {  	s3 =	sadd.s32 s3, s9;
	s6 =	sadd.s32 @!p0 $0x88, s6;
	s7 =	simm.s32 @p2 $0x1082  }
0x22: {  	[simem:s7], [sflag:s8] =	dma.local @!p0 [hbm:s6], $0xF7A  }
0x23: {  	s9 =	sor.u32 $0xD0000000, s2;
	s6 =	simm.s32 $0x108;
	_ =	swait.ge @!p0 [sflag:s8], $0x0  }
0x24: {  	s3 =	sadd.s32 $0x88, s3;
	s6 =	simm.s32 @!p1 $0x1082;
	[sflag:s4] =	ssyncset.s32 $0xFFFFF086  }
0x25: {  	[simem:s6], [sflag:s4] =	dma.local [hbm:s3], $0xF7A  }
0x26: {  	[smem:$0x3F9A] =	sst s1;
	(tag) =	ssettag s2;
	_ =	strace s9  }
0x27: {  	s1 =	sld [smem:$0x3FAA]  }
0x28: {  	s2 =	sld [smem:$0x3FAB]  }
0x29: {  	s4 =	sld [smem:$0x3FAD]  }
0x2a: {  	p0 =	seq.s32 s5, $0x0;
	s5 =	sld [smem:$0x3FAE]  }
0x2b: {  	s6 =	sld [smem:$0x3FAF]  }
0x2c: {  	s7 =	sld [smem:$0x3FB0]  }
0x2d: {  	s3 =	simm.s32 $0x108;
	s8 =	sld [smem:$0x3FB1]  }
0x2e: {  	s3 =	simm.s32 @!p0 $0x1082;
	s9 =	sld [smem:$0x3FB2]  }
0x2f: {  	lr =	sadd.s32 s0, s3;
	s0 =	sld [smem:$0x3FA9]  }
0x30: {  	s3 =	sld [smem:$0x3FAC]  }
0x31: {  	[smem:$0x3FB5] =	sst s10  }
0x32: {  	s10 =	sld [smem:$0x3FB3];
	_ =	sdelay $0x3  }
0x33: {  	p0 =	seq.s32 s10, $0x1;
	s10 =	sld [smem:$0x3FB5];
	_ =	sdelay $0x3  }
0x34: {  	[smem:$0x3FB5] =	sst s10  }
0x35: {  	s10 =	sld [smem:$0x3FB4];
	_ =	sdelay $0x3  }
0x36: {  	p1 =	seq.s32 s10, $0x1;
	s10 =	sld [smem:$0x3FB5];
	_ =	sdelay $0x3  }
0x37: {  	[smem:$0x3FB5] =	sst s10  }
0x38: {  	s10 =	sld [smem:$0x3FB6]  }
0x39: {  	_ = 	snop;
	(pc) =	sbr.ind lr, $3  }
0x3a: {  	_ = 	snop  }
0x3b: {  	_ = 	snop  }
0x3c: {  	p2 =	seq.s32 s10, $0x1;
	s10 =	sld [smem:$0x3FB5]  }
0x3d: {  	_ =	shalt  }
0x3e: {  	_ =	shalt  }
0x3f: {  	_ =	shalt  }
0x40: {  	_ =	shalt  }
0x41: {  	_ =	shalt  }
0x42: {  	_ =	shalt  }
0x43: {  	_ =	shalt  }
0x44: {  	_ =	shalt  }
0x45: {  	_ =	shalt  }
0x46: {  	_ =	shalt  }
0x47: {  	_ =	shalt  }
0x48: {  	_ =	shalt  }
0x49: {  	_ =	shalt  }
0x4a: {  	_ =	shalt  }
0x4b: {  	_ =	shalt  }
0x4c: {  	_ =	shalt  }
0x4d: {  	_ =	shalt  }
0x4e: {  	_ =	shalt  }
0x4f: {  	_ =	shalt  }
0x50: {  	_ =	shalt  }
0x51: {  	_ =	shalt  }
0x52: {  	_ =	shalt  }
0x53: {  	_ =	shalt  }
0x54: {  	_ =	shalt  }
0x55: {  	_ =	shalt  }
0x56: {  	_ =	shalt  }
0x57: {  	_ =	shalt  }
0x58: {  	_ =	shalt  }
0x59: {  	_ =	shalt  }
0x5a: {  	_ =	shalt  }
0x5b: {  	_ =	shalt  }
0x5c: {  	_ =	shalt  }
0x5d: {  	_ =	shalt  }
0x5e: {  	_ =	shalt  }
0x5f: {  	_ =	shalt  }
0x60: {  	_ =	shalt  }
0x61: {  	_ =	shalt  }
0x62: {  	_ =	shalt  }
0x63: {  	_ =	shalt  }
0x64: {  	_ =	shalt  }
0x65: {  	_ =	shalt  }
0x66: {  	_ =	shalt  }
0x67: {  	_ =	shalt  }
0x68: {  	_ =	shalt  }
0x69: {  	_ =	shalt  }
0x6a: {  	_ =	shalt  }
0x6b: {  	_ =	shalt  }
0x6c: {  	_ =	shalt  }
0x6d: {  	_ =	shalt  }
0x6e: {  	_ =	shalt  }
0x6f: {  	_ =	shalt  }
0x70: {  	_ =	shalt  }
0x71: {  	_ =	shalt  }
0x72: {  	_ =	shalt  }
0x73: {  	_ =	shalt  }
0x74: {  	_ =	shalt  }
0x75: {  	_ =	shalt  }
0x76: {  	_ =	shalt  }
0x77: {  	_ =	shalt  }
0x78: {  	_ =	shalt  }
0x79: {  	_ =	shalt  }
0x7a: {  	_ =	shalt  }
0x7b: {  	_ =	shalt  }
0x7c: {  	_ =	shalt  }
0x7d: {  	_ =	shalt  }
0x7e: {  	_ =	shalt  }
0x7f: {  	_ =	shalt  }
0x80: {  	_ =	shalt  }
0x81: {  	_ =	shalt  }
0x82: {  	_ =	shalt  }
0x83: {  	_ =	shalt  }
0x84: {  	_ =	shalt  }
0x85: {  	_ =	shalt  }
0x86: {  	_ =	shalt  }
0x87: {  	_ =	shalt  }
.Lfunc_end0:
.L_simem_size_0:
called_computation.2_lowered:
.L_overlay_start_0:
0x88: {  	s2 =	sld [smem:$0x3FD9]  }
0x89: {  	s3 =	sld [smem:$0x3FFE];
	_ =	sdelay $0x1  }
0x8a: {  	s1 =	srdreg.scid  }
0x8b: {  	s0 =	sand.u32 $0x1, s1  }
0x8c: {  	s16 =	sshll.u32 s0, $0xA;
	s2 =	sadd.s32 s3, s2  }
0x8d: {  	s2 =	sadd.s32 s2, s16  }
0x8e: {  	[smem:$0x3FC1] =	sst s2  }
0x8f: {  	_ = 	snop  }
0x90: {  	(tm) =	ssettm $0x1  }
0x91: {  	s17 =	sld [smem:$0x3FFB];
	_ =	sdelay $0x3  }
0x92: {  	_ =	strace s17  }
0x93: {  	s2 =	sld [smem:$0x3FFC];
	_ =	sdelay $0x3  }
0x94: {  	_ =	strace s2  }
0x95: {  	s2 =	sld [smem:$0x3FFD];
	_ =	sdelay $0x3  }
0x96: {  	_ =	strace s2  }
0x97: {  	_ =	strace $0x8FFFFFFF  }
0x98: {  	s18 =	sld [smem:$0x3FDB];
	_ =	sdelay $0x1  }
0x99: {  	s19 =	simm.s32 $_scs_section_size  }
0x9a: {  	s4 =	simm.s32 $_size__tile_overlayer_lowered;
	s5 =	simm.s32 $_tile_overlayer_lowered  }
0x9b: {  	s22 =	simm.s32 $0x1BFF;
	s21 =	sshll.u32 s5, $0x1;
	s2 =	sadd.s32 s19, s18  }
0x9c: {  	s6 =	simm.s32 $0x0;
	s20 =	sshll.u32 s4, $0x1;
	s4 =	sadd.s32 s21, s2  }
0x9d: {  	[timem:s6], [sflag:s22] =	dma.local [hbm:s4], s20  }
0x9e: {  	_ =	swait.ge [sflag:s22], s20  }
0x9f: {  	s3 =	ssub.s32 $0x0, s20;
	[sflag:s22] =	ssyncset.done $0x0  }
0xa0: {  	[sflag:s22] =	ssyncadd.s32 s3;
	_ =	sdelay $0x1  }
0xa1: {  	s23 =	simm.s32 $0x1B8B  }
0xa2: {  	_ =	swait.ge [sflag:s23], $0x1  }
0xa3: {  	[sflag:s23] =	ssyncset.done $0x0  }
0xa4: {  	s25 =	simm.s32 $0x1B8E;
	s24 =	sld [smem:$0x3FFE];
	[sflag:s23] =	ssyncadd.s32 $0xFFFFFFFF  }
0xa5: {  	s26 =	simm.s32 $execute0_lowered;
	[smem:$0x3FD2] =	sst s25  }
0xa6: {  	s4 =	sshll.u32 s26, $0x1;
	_ =	strace $0x8000004C;
	[dreg:$0x1] =	wrdreg $0xFFFFFFFF  }
0xa7: {  	s28 =	simm.s32 $_size_execute0_lowered;
	s2 =	sadd.s32 s2, s4;
	[dreg:$0x0] =	wrdreg $0x0  }
0xa8: {  	s4 =	sshll.u32 s28, $0x1;
	[dreg:$0x2] =	wrdreg s2  }
0xa9: {  	[dreg:$0x3] =	wrdreg s4  }
0xaa: {  	[dreg:$0x4] =	wrdreg $0xC0  }
0xab: {  	_ =	task [dreg:s6], $0x5FFFF  }
0xac: {  	[dreg:$0x1] =	wrdreg $0xFFFFFFFF  }
0xad: {  	[dreg:$0x0] =	wrdreg $0x60  }
0xae: {  	[dreg:$0x2] =	wrdreg s24  }
0xaf: {  	[dreg:$0x3] =	wrdreg $0xA8000  }
0xb0: {  	[dreg:$0x4] =	wrdreg $0x9  }
0xb1: {  	_ =	task.clear_ibuf [dreg:s6], $0x5FFFF;
	_ =	strace $0x9000004C  }
0xb2: {  	s29 =	simm.s32 $0x9;
	_ =	strace $0x8000004E  }
0xb3: {  	_ =	swait.ge [sflag:s29], $0x1  }
0xb4: {  	[sflag:s29] =	ssyncadd.s32 $0xFFFFFFFF  }
0xb5: {  	_ =	strace $0x9000004E  }
0xb6: {  	_ =	sfence  }
0xb7: {  	s30 =	sld [smem:$0x0];
	_ =	sdelay $0x2  }
0xb8: {  	s31 =	sshll.u32 s1, $0xD;
	s1 =	sshrl.u32 s1, $0x2  }
0xb9: {  	s3 =	sand.u32 $0x4000, s31;
	s1 =	sadd.s32 s1, s30  }
0xba: {  	s0 =	sor.u32 s3, s0;
	s1 =	sshll.u32 s1, $0x11  }
0xbb: {  	s0 =	sor.u32 s1, s0  }
0xbc: {  	s0 =	sadd.s32 $0x8F2B, s0  }
0xbd: {  	[sflag:s0] =	ssyncadd.remote.s32 $0x1  }
0xbe: {  	_ =	sfence.sel $0xFFFF  }
0xbf: {  	[dreg:$0x0] =	wrdreg $0xFFFFFFFF;
	(pc) =	sbr.abs _section_cstart, $3  }
0xc0: {  	[dreg:$0x1] =	wrdreg $0xFFFFFFFF  }
0xc1: {  	_ =	task.clear_ibuf [dreg:s6], $0x2FFFF;
	_ =	strace $0x9FFFFFFF  }
0xc2: {  	(tm) =	ssettm $0x7FFFFFFF  }
0xc3: {  	_ =	shalt  }
tec
execute0_lowered:
.L_overlay_start_1:
0x0: {  	(tag) =	ssettag $0x1  }
0x1: {  	s0 =	rddreg [dreg:$0x0]  }
0x2: {  	s1 =	rddreg [dreg:$0x1];
	s2 =	simm.s32 $0x0;
	s3 =	srdreg.scid  }
0x3: {  	s8 =	stileid.u32;
	s28 =	simm.s32 $0x1380;
	s29 =	simm.s32 $0x2700  }
0x4: {  	s30 =	simm.s32 $0x2780;
	s31 =	simm.s32 $0x0;
	[smem:$0x7FF] =	sst s2  }
0x5: {  	s4 =	sadd.s32 $0x20C00, s0;
	s10 =	sadd.s32 $0x16C00, s0;
	s3 =	sand.u32 $0x1, s3  }
0x6: {  	s13 =	sadd.s32 $0x2C00, s0;
	s6 =	smul.u32 $0x50000, s8;
	s0 =	sadd.s32 $0x48C00, s0  }
0x7: {  	s12 =	smul.u32 $0x14000, s8;
	_ =	strace $0x8000004D;
	s5 =	ssub.s32 $0x2, s3  }
0x8: {  	s20 =	sshll.u32 s3, $0x4;
	s3 =	smul.u32 $0x140000, s3;
	s7 =	sshrl.u32 s5, $0x1  }
0x9: {  	s6 =	sshrl.u32 s6, $0x2;
	s21 =	sor.u32 s8, s20;
	s14 =	sadd.s32 $0x4000, s12  }
0xa: {  	s16 =	sadd.s32 $0x8000, s12;
	s17 =	sadd.s32 $0xC000, s12;
	s18 =	sadd.s32 $0x10000, s12  }
0xb: {  	s19 =	ssub.s32 s5, s7;
	s5 =	sadd.s32 s6, s1;
	s9 =	smul.u32 $0x2800, s21  }
0xc: {  	s6 =	sadd.s32 s14, s1;
	s7 =	sadd.s32 s16, s1;
	s8 =	sadd.s32 s17, s1  }
0xd: {  	s20 =	sadd.s32 s12, s3;
	s14 =	sadd.s32 s3, s14;
	s25 =	sadd.s32 s3, s16  }
0xe: {  	s26 =	sadd.s32 s3, s17;
	s3 =	sadd.s32 s3, s18;
	s21 =	simm.s32 $0x3  }
0xf: {  	s23 =	sshrl.u32 s20, $0x3;
	s24 =	sshrl.u32 s14, $0x3;
	s17 =	sshrl.u32 s26, $0x3  }
0x10: {  	s3 =	sshrl.u32 s3, $0x3;
	s19 =	smax.u32 s19, $0x1;
	s20 =	simm.s32 $0x2800  }
0x11: {  	s26 =	simm.s32 $0x2;
	s15 =	sshrl.u32 s9, $0x3;
	s9 =	sadd.s32 s18, s1  }
0x12: {  	s14 =	sadd.s32 s0, s23;
	s17 =	sadd.s32 s0, s17;
	s11 =	sadd.s32 s10, s15  }
0x13: {  	s18 =	sadd.s32 s0, s3;
	s22 =	sadd.s32 s13, s15;
	[dreg:$0x3] =	wrdreg s11  }
0x14: {  	s23 =	simm.s32 $0x80;
	s15 =	sadd.s32 $0x280, s15;
	[dreg:$0x4] =	wrdreg s22  }
0x15: {  	s10 =	sadd.s32 s10, s15;
	s13 =	sadd.s32 s13, s15;
	s15 =	sadd.s32 s0, s24  }
0x16: {  	s22 =	simm.s32 $0x1400;
	[dreg:$0x5] =	wrdreg s10;
	s10 =	sshrl.u32 s25, $0x3  }
0x17: {  	v0 =	vimm.f32 $0.0e+00;
	s24 =	simm.s32 $0x6800;
	s25 =	simm.s32 $0x1;
	s16 =	sadd.s32 s0, s10  }
.LBB2_1:
0x18: {  	s0 =	sand.u32 $0xFE00, s2  }
0x19: {  	s3 =	sand.u32 $0x70, s2;
	s10 =	sshrl.u32 s0, $0x2  }
0x1a: {  	s0 =	simm.s32 $0x40;
	s10 =	sor.u32 s3, s10;
	s3 =	simm.s32 $0x0  }
.LBB2_2:
0x1b: {  	p0 =	sne.s32 s0, $0xFFC0  }
0x1c: {  	[tilespmem:s10+$0x2800] =	vst v0;
	s3 =	sadd.s32 $0x10, s3;
	s10 =	smov.u32 s0;
	s0 =	sadd.s32 $0x40, s0  }
.Ltmp0:
0x1d: {  	(pc) =	sbr.rel @p0 .LBB2_2-.Ltmp0, $4  }
0x1e: {  	_ = 	snop  }
0x1f: {  	s10 =	sand.u32 $0xFE00, s10  }
0x20: {  	s11 =	sand.u32 $0x70, s3;
	s10 =	sshrl.u32 s10, $0x2  }
0x21: {  	s10 =	sor.u32 s11, s10  }
0x22: {  	[tilespmem:s10+$0x2800] =	vst v0  }
0x23: {  	[spmem:s5] =	stream.linear.scatter [tilespmem:s20], [sflag:$0x3], $0x4000, $0x38;
	[tilespmem:$0x1E800] =	vst v63  }
0x24: {  	_ =	swait.ge [sflag:s21], $0x4000  }
0x25: {  	[sflag:s21] =	ssyncset.done $0x0  }
0x26: {  	[sflag:s21] =	ssyncadd.s32 $0xFFFFC000  }
0x27: {  	[spmem:s6] =	stream.linear.scatter [tilespmem:s20], [sflag:$0x3], $0x4000, $0x38;
	[tilespmem:$0x1E800] =	vst v63  }
0x28: {  	_ =	swait.ge [sflag:s21], $0x4000  }
0x29: {  	[sflag:s21] =	ssyncset.done $0x0  }
0x2a: {  	[sflag:s21] =	ssyncadd.s32 $0xFFFFC000  }
0x2b: {  	[spmem:s7] =	stream.linear.scatter [tilespmem:s20], [sflag:$0x3], $0x4000, $0x38;
	[tilespmem:$0x1E800] =	vst v63  }
0x2c: {  	_ =	swait.ge [sflag:s21], $0x4000  }
0x2d: {  	[sflag:s21] =	ssyncset.done $0x0  }
0x2e: {  	[sflag:s21] =	ssyncadd.s32 $0xFFFFC000  }
0x2f: {  	[spmem:s8] =	stream.linear.scatter [tilespmem:s20], [sflag:$0x3], $0x4000, $0x38;
	[tilespmem:$0x1E800] =	vst v63  }
0x30: {  	_ =	swait.ge [sflag:s21], $0x4000  }
0x31: {  	[sflag:s21] =	ssyncset.done $0x0  }
0x32: {  	[sflag:s21] =	ssyncadd.s32 $0xFFFFC000  }
0x33: {  	[spmem:s9] =	stream.linear.scatter [tilespmem:s20], [sflag:$0x3], $0x4000, $0x38;
	[tilespmem:$0x1E800] =	vst v63  }
0x34: {  	_ =	swait.ge [sflag:s21], $0x4000  }
0x35: {  	[sflag:s21] =	ssyncset.done $0x0  }
0x36: {  	[sflag:s21] =	ssyncadd.s32 $0xFFFFC000  }
0x37: {  	[bflag:$0x0] =	sbarrier.arrive $0xFFFF  }
0x38: {  	s0 =	simm.s32 $0x0;
	s3 =	rddreg [dreg:$0x3]  }
0x39: {  	[tilespmem:s0], [sflag:$0x3] =	stream.linear.gather [hbm4b:s3+s0], $0x1400, $0x38;
	[tilespmem:$0x1E800] =	vst v63  }
0x3a: {  	_ =	swait.ge [sflag:s21], $0x1400  }
0x3b: {  	[sflag:s21] =	ssyncset.done $0x0  }
0x3c: {  	s12 =	rddreg [dreg:$0x4];
	[sflag:s21] =	ssyncadd.s32 $0xFFFFEC00  }
0x3d: {  	[tilespmem:s22], [sflag:$0x3] =	stream.linear.gather [hbm4b:s12+s0], $0x1400, $0x38;
	[tilespmem:$0x1E800] =	vst v63  }
0x3e: {  	_ =	swait.ge [sflag:s21], $0x1400  }
0x3f: {  	[sflag:s21] =	ssyncset.done $0x0  }
0x40: {  	[sflag:s21] =	ssyncadd.s32 $0xFFFFEC00  }
0x41: {  	[tilespmem:s20], [sflag:$0x1] =	stream.indirect.gather [hbm4b:s4+s23], $0x80, s0, s23, $0xb8;
	[tilespmem:$0x1E800] =	vst v63  }
0x42: {  	s3 =	simm.s32 $0x80  }
0x43: {  	[tilespmem:s24], [sflag:$0x2] =	stream.indirect.gather [hbm4b:s4+s23], $0x80, s3, s23, $0xb8;
	[tilespmem:$0x1E800] =	vst v63  }
0x44: {  	_ =	swait.ge [sflag:s25], $0x4000  }
0x45: {  	[sflag:s25] =	ssyncset.done $0x0  }
0x46: {  	s10 =	simm.s32 $0x1400;
	[sflag:s25] =	ssyncadd.s32 $0xFFFFC000  }
0x47: {  	[spmem:s1] =	stream.indirect.scatter.add.f32 [tilespmem:s20], [sflag:$0x3], $0x80, s10, s23, $0xb8;
	[tilespmem:$0x1E800] =	vst v63  }
0x48: {  	_ =	swait.ge [sflag:s21], $0x4000  }
0x49: {  	[sflag:s21] =	ssyncset.done $0x0  }
0x4a: {  	s11 =	simm.s32 $0x100;
	[sflag:s21] =	ssyncadd.s32 $0xFFFFC000  }
0x4b: {  	[tilespmem:s20], [sflag:$0x1] =	stream.indirect.gather [hbm4b:s4+s23], $0x80, s11, s23, $0xb8;
	[tilespmem:$0x1E800] =	vst v63  }
0x4c: {  	_ =	swait.ge [sflag:s26], $0x4000  }
0x4d: {  	[sflag:s26] =	ssyncset.done $0x0  }
0x4e: {  	s12 =	simm.s32 $0x1480;
	[sflag:s26] =	ssyncadd.s32 $0xFFFFC000  }
0x4f: {  	[spmem:s1] =	stream.indirect.scatter.add.f32 [tilespmem:s24], [sflag:$0x3], $0x80, s12, s23, $0xb8;
	[tilespmem:$0x1E800] =	vst v63  }
0x50: {  	_ =	swait.ge [sflag:s21], $0x4000  }
0x51: {  	s0 =	simm.s32 $0x100;
	s3 =	simm.s32 $0x800;
	[sflag:s21] =	ssyncset.done $0x0  }
.LBB2_4:
0x52: {  	s10 =	sadd.s32 $0x80, s0  }
0x53: {  	[sflag:s21] =	ssyncadd.s32 $0xFFFFC000;
	s11 =	smov.u32 s3;
	s12 =	sadd.s32 $0x400, s3  }
0x54: {  	[tilespmem:s24], [sflag:$0x2] =	stream.indirect.gather [hbm4b:s4+s23], $0x80, s10, s23, $0xb8;
	[tilespmem:$0x1E800] =	vst v63  }
0x55: {  	p0 =	sne.s32 s3, $0x4800;
	_ =	swait.ge [sflag:s25], $0x4000  }
0x56: {  	[sflag:s25] =	ssyncset.done $0x0  }
0x57: {  	s3 =	sadd.s32 $0x1400, s0;
	[sflag:s25] =	ssyncadd.s32 $0xFFFFC000  }
0x58: {  	[spmem:s1] =	stream.indirect.scatter.add.f32 [tilespmem:s20], [sflag:$0x3], $0x80, s3, s23, $0xb8;
	[tilespmem:$0x1E800] =	vst v63  }
0x59: {  	_ =	swait.ge [sflag:s21], $0x4000  }
0x5a: {  	[sflag:s21] =	ssyncset.done $0x0  }
0x5b: {  	s3 =	sadd.s32 $0x100, s0;
	[sflag:s21] =	ssyncadd.s32 $0xFFFFC000  }
0x5c: {  	[tilespmem:s20], [sflag:$0x1] =	stream.indirect.gather [hbm4b:s4+s23], $0x80, s3, s23, $0xb8;
	[tilespmem:$0x1E800] =	vst v63  }
0x5d: {  	_ =	swait.ge [sflag:s26], $0x4000  }
.Ltmp1:
0x5e: {  	[sflag:s26] =	ssyncset.done $0x0;
	(pc) =	sbr.rel @p0 .LBB2_4-.Ltmp1, $4  }
0x5f: {  	s0 =	sadd.s32 $0x1480, s0;
	[sflag:s26] =	ssyncadd.s32 $0xFFFFC000  }
0x60: {  	[spmem:s1] =	stream.indirect.scatter.add.f32 [tilespmem:s24], [sflag:$0x3], $0x80, s0, s23, $0xb8;
	[tilespmem:$0x1E800] =	vst v63  }
0x61: {  	_ =	swait.ge [sflag:s21], $0x4000  }
0x62: {  	s3 =	smov.u32 s12;
	s0 =	sshra.s32 s11, $0x2;
	[sflag:s21] =	ssyncset.done $0x0  }
0x63: {  	s3 =	sadd.s32 $0x80, s0;
	[sflag:s21] =	ssyncadd.s32 $0xFFFFC000  }
0x64: {  	[tilespmem:s24], [sflag:$0x2] =	stream.indirect.gather [hbm4b:s4+s23], $0x80, s3, s23, $0xb8;
	[tilespmem:$0x1E800] =	vst v63  }
0x65: {  	_ =	swait.ge [sflag:s25], $0x4000  }
0x66: {  	[sflag:s25] =	ssyncset.done $0x0  }
0x67: {  	s11 =	sadd.s32 $0x1400, s0;
	[sflag:s25] =	ssyncadd.s32 $0xFFFFC000  }
0x68: {  	[spmem:s1] =	stream.indirect.scatter.add.f32 [tilespmem:s20], [sflag:$0x3], $0x80, s11, s23, $0xb8;
	[tilespmem:$0x1E800] =	vst v63  }
0x69: {  	_ =	swait.ge [sflag:s21], $0x4000  }
0x6a: {  	[sflag:s21] =	ssyncset.done $0x0  }
0x6b: {  	s12 =	sadd.s32 $0x100, s0;
	[sflag:s21] =	ssyncadd.s32 $0xFFFFC000  }
0x6c: {  	[tilespmem:s20], [sflag:$0x1] =	stream.indirect.gather [hbm4b:s4+s23], $0x80, s12, s23, $0xb8;
	[tilespmem:$0x1E800] =	vst v63  }
0x6d: {  	_ =	swait.ge [sflag:s26], $0x4000  }
0x6e: {  	[sflag:s26] =	ssyncset.done $0x0  }
0x6f: {  	s10 =	sadd.s32 $0x1480, s0;
	[sflag:s26] =	ssyncadd.s32 $0xFFFFC000  }
0x70: {  	[spmem:s1] =	stream.indirect.scatter.add.f32 [tilespmem:s24], [sflag:$0x3], $0x80, s10, s23, $0xb8;
	[tilespmem:$0x1E800] =	vst v63  }
0x71: {  	_ =	swait.ge [sflag:s21], $0x4000  }
0x72: {  	[sflag:s21] =	ssyncset.done $0x0  }
0x73: {  	[sflag:s21] =	ssyncadd.s32 $0xFFFFC000  }
0x74: {  	[tilespmem:s24], [sflag:$0x2] =	stream.indirect.gather [hbm4b:s4+s23], $0x80, s28, s23, $0xb8;
	[tilespmem:$0x1E800] =	vst v63  }
0x75: {  	_ =	swait.ge [sflag:s25], $0x4000  }
0x76: {  	[sflag:s25] =	ssyncset.done $0x0  }
0x77: {  	[sflag:s25] =	ssyncadd.s32 $0xFFFFC000  }
0x78: {  	[spmem:s1] =	stream.indirect.scatter.add.f32 [tilespmem:s20], [sflag:$0x3], $0x80, s29, s23, $0xb8;
	[tilespmem:$0x1E800] =	vst v63  }
0x79: {  	_ =	swait.ge [sflag:s21], $0x4000  }
0x7a: {  	[sflag:s21] =	ssyncset.done $0x0  }
0x7b: {  	[sflag:s21] =	ssyncadd.s32 $0xFFFFC000  }
0x7c: {  	_ =	swait.ge [sflag:s26], $0x4000  }
0x7d: {  	[sflag:s26] =	ssyncset.done $0x0  }
0x7e: {  	[sflag:s26] =	ssyncadd.s32 $0xFFFFC000  }
0x7f: {  	[spmem:s1] =	stream.indirect.scatter.add.f32 [tilespmem:s24], [sflag:$0x3], $0x80, s30, s23, $0xb8;
	[tilespmem:$0x1E800] =	vst v63  }
0x80: {  	_ =	swait.ge [sflag:s21], $0x4000  }
0x81: {  	[sflag:s21] =	ssyncset.done $0x0  }
0x82: {  	s11 =	simm.s32 $0x0;
	s12 =	rddreg [dreg:$0x5];
	[sflag:s21] =	ssyncadd.s32 $0xFFFFC000  }
0x83: {  	[tilespmem:s11], [sflag:$0x3] =	stream.linear.gather [hbm4b:s12+s11], $0x1400, $0x38;
	[tilespmem:$0x1E800] =	vst v63  }
0x84: {  	_ =	swait.ge [sflag:s21], $0x1400  }
0x85: {  	[sflag:s21] =	ssyncset.done $0x0  }
0x86: {  	[sflag:s21] =	ssyncadd.s32 $0xFFFFEC00  }
0x87: {  	[tilespmem:s22], [sflag:$0x3] =	stream.linear.gather [hbm4b:s13+s11], $0x1400, $0x38;
	[tilespmem:$0x1E800] =	vst v63  }
0x88: {  	_ =	swait.ge [sflag:s21], $0x1400  }
0x89: {  	[sflag:s21] =	ssyncset.done $0x0  }
0x8a: {  	[sflag:s21] =	ssyncadd.s32 $0xFFFFEC00  }
0x8b: {  	[tilespmem:s20], [sflag:$0x1] =	stream.indirect.gather [hbm4b:s4+s23], $0x80, s11, s23, $0xb8;
	[tilespmem:$0x1E800] =	vst v63  }
0x8c: {  	s3 =	simm.s32 $0x80  }
0x8d: {  	[tilespmem:s24], [sflag:$0x2] =	stream.indirect.gather [hbm4b:s4+s23], $0x80, s3, s23, $0xb8;
	[tilespmem:$0x1E800] =	vst v63  }
0x8e: {  	_ =	swait.ge [sflag:s25], $0x4000  }
0x8f: {  	[sflag:s25] =	ssyncset.done $0x0  }
0x90: {  	s10 =	simm.s32 $0x1400;
	[sflag:s25] =	ssyncadd.s32 $0xFFFFC000  }
0x91: {  	[spmem:s1] =	stream.indirect.scatter.add.f32 [tilespmem:s20], [sflag:$0x3], $0x80, s10, s23, $0xb8;
	[tilespmem:$0x1E800] =	vst v63  }
0x92: {  	_ =	swait.ge [sflag:s21], $0x4000  }
0x93: {  	[sflag:s21] =	ssyncset.done $0x0  }
0x94: {  	s11 =	simm.s32 $0x100;
	[sflag:s21] =	ssyncadd.s32 $0xFFFFC000  }
0x95: {  	[tilespmem:s20], [sflag:$0x1] =	stream.indirect.gather [hbm4b:s4+s23], $0x80, s11, s23, $0xb8;
	[tilespmem:$0x1E800] =	vst v63  }
0x96: {  	_ =	swait.ge [sflag:s26], $0x4000  }
0x97: {  	[sflag:s26] =	ssyncset.done $0x0  }
0x98: {  	s12 =	simm.s32 $0x1480;
	[sflag:s26] =	ssyncadd.s32 $0xFFFFC000  }
0x99: {  	[spmem:s1] =	stream.indirect.scatter.add.f32 [tilespmem:s24], [sflag:$0x3], $0x80, s12, s23, $0xb8;
	[tilespmem:$0x1E800] =	vst v63  }
0x9a: {  	_ =	swait.ge [sflag:s21], $0x4000  }
0x9b: {  	s0 =	simm.s32 $0x100;
	s3 =	simm.s32 $0x800;
	[sflag:s21] =	ssyncset.done $0x0  }
.LBB2_6:
0x9c: {  	s10 =	sadd.s32 $0x80, s0  }
0x9d: {  	[sflag:s21] =	ssyncadd.s32 $0xFFFFC000;
	s11 =	smov.u32 s3;
	s12 =	sadd.s32 $0x400, s3  }
0x9e: {  	[tilespmem:s24], [sflag:$0x2] =	stream.indirect.gather [hbm4b:s4+s23], $0x80, s10, s23, $0xb8;
	[tilespmem:$0x1E800] =	vst v63  }
0x9f: {  	p0 =	sne.s32 s3, $0x4800;
	_ =	swait.ge [sflag:s25], $0x4000  }
0xa0: {  	[sflag:s25] =	ssyncset.done $0x0  }
0xa1: {  	s3 =	sadd.s32 $0x1400, s0;
	[sflag:s25] =	ssyncadd.s32 $0xFFFFC000  }
0xa2: {  	[spmem:s1] =	stream.indirect.scatter.add.f32 [tilespmem:s20], [sflag:$0x3], $0x80, s3, s23, $0xb8;
	[tilespmem:$0x1E800] =	vst v63  }
0xa3: {  	_ =	swait.ge [sflag:s21], $0x4000  }
0xa4: {  	[sflag:s21] =	ssyncset.done $0x0  }
0xa5: {  	s3 =	sadd.s32 $0x100, s0;
	[sflag:s21] =	ssyncadd.s32 $0xFFFFC000  }
0xa6: {  	[tilespmem:s20], [sflag:$0x1] =	stream.indirect.gather [hbm4b:s4+s23], $0x80, s3, s23, $0xb8;
	[tilespmem:$0x1E800] =	vst v63  }
0xa7: {  	_ =	swait.ge [sflag:s26], $0x4000  }
.Ltmp2:
0xa8: {  	[sflag:s26] =	ssyncset.done $0x0;
	(pc) =	sbr.rel @p0 .LBB2_6-.Ltmp2, $4  }
0xa9: {  	s0 =	sadd.s32 $0x1480, s0;
	[sflag:s26] =	ssyncadd.s32 $0xFFFFC000  }
0xaa: {  	[spmem:s1] =	stream.indirect.scatter.add.f32 [tilespmem:s24], [sflag:$0x3], $0x80, s0, s23, $0xb8;
	[tilespmem:$0x1E800] =	vst v63  }
0xab: {  	_ =	swait.ge [sflag:s21], $0x4000  }
0xac: {  	s3 =	smov.u32 s12;
	s0 =	sshra.s32 s11, $0x2;
	[sflag:s21] =	ssyncset.done $0x0  }
0xad: {  	s3 =	sadd.s32 $0x80, s0;
	[sflag:s21] =	ssyncadd.s32 $0xFFFFC000  }
0xae: {  	[tilespmem:s24], [sflag:$0x2] =	stream.indirect.gather [hbm4b:s4+s23], $0x80, s3, s23, $0xb8;
	[tilespmem:$0x1E800] =	vst v63  }
0xaf: {  	_ =	swait.ge [sflag:s25], $0x4000  }
0xb0: {  	[sflag:s25] =	ssyncset.done $0x0  }
0xb1: {  	s10 =	sadd.s32 $0x1400, s0;
	[sflag:s25] =	ssyncadd.s32 $0xFFFFC000  }
0xb2: {  	[spmem:s1] =	stream.indirect.scatter.add.f32 [tilespmem:s20], [sflag:$0x3], $0x80, s10, s23, $0xb8;
	[tilespmem:$0x1E800] =	vst v63  }
0xb3: {  	_ =	swait.ge [sflag:s21], $0x4000  }
0xb4: {  	[sflag:s21] =	ssyncset.done $0x0  }
0xb5: {  	s11 =	sadd.s32 $0x100, s0;
	[sflag:s21] =	ssyncadd.s32 $0xFFFFC000  }
0xb6: {  	[tilespmem:s20], [sflag:$0x1] =	stream.indirect.gather [hbm4b:s4+s23], $0x80, s11, s23, $0xb8;
	[tilespmem:$0x1E800] =	vst v63  }
0xb7: {  	_ =	swait.ge [sflag:s26], $0x4000  }
0xb8: {  	[sflag:s26] =	ssyncset.done $0x0  }
0xb9: {  	s12 =	sadd.s32 $0x1480, s0;
	[sflag:s26] =	ssyncadd.s32 $0xFFFFC000  }
0xba: {  	[spmem:s1] =	stream.indirect.scatter.add.f32 [tilespmem:s24], [sflag:$0x3], $0x80, s12, s23, $0xb8;
	[tilespmem:$0x1E800] =	vst v63  }
0xbb: {  	_ =	swait.ge [sflag:s21], $0x4000  }
0xbc: {  	[sflag:s21] =	ssyncset.done $0x0  }
0xbd: {  	[sflag:s21] =	ssyncadd.s32 $0xFFFFC000  }
0xbe: {  	[tilespmem:s24], [sflag:$0x2] =	stream.indirect.gather [hbm4b:s4+s23], $0x80, s28, s23, $0xb8;
	[tilespmem:$0x1E800] =	vst v63  }
0xbf: {  	_ =	swait.ge [sflag:s25], $0x4000  }
0xc0: {  	[sflag:s25] =	ssyncset.done $0x0  }
0xc1: {  	[sflag:s25] =	ssyncadd.s32 $0xFFFFC000  }
0xc2: {  	[spmem:s1] =	stream.indirect.scatter.add.f32 [tilespmem:s20], [sflag:$0x3], $0x80, s29, s23, $0xb8;
	[tilespmem:$0x1E800] =	vst v63  }
0xc3: {  	_ =	swait.ge [sflag:s21], $0x4000  }
0xc4: {  	[sflag:s21] =	ssyncset.done $0x0  }
0xc5: {  	[sflag:s21] =	ssyncadd.s32 $0xFFFFC000  }
0xc6: {  	_ =	swait.ge [sflag:s26], $0x4000  }
0xc7: {  	[sflag:s26] =	ssyncset.done $0x0  }
0xc8: {  	[sflag:s26] =	ssyncadd.s32 $0xFFFFC000  }
0xc9: {  	[spmem:s1] =	stream.indirect.scatter.add.f32 [tilespmem:s24], [sflag:$0x3], $0x80, s30, s23, $0xb8;
	[tilespmem:$0x1E800] =	vst v63  }
0xca: {  	_ =	swait.ge [sflag:s21], $0x4000  }
0xcb: {  	[sflag:s21] =	ssyncset.done $0x0  }
0xcc: {  	[sflag:s21] =	ssyncadd.s32 $0xFFFFC000  }
0xcd: {  	[bflag:$0x0] =	sbarrier.arrive $0xFFFF  }
0xce: {  	[tilespmem:s20], [sflag:$0x3] =	stream.linear.gather [spmem:s5], $0x4000, $0x38;
	[tilespmem:$0x1E800] =	vst v63  }
0xcf: {  	_ =	swait.ge [sflag:s21], $0x4000  }
0xd0: {  	[sflag:s21] =	ssyncset.done $0x0  }
0xd1: {  	[sflag:s21] =	ssyncadd.s32 $0xFFFFC000  }
0xd2: {  	[hbm4b:s14+s2] =	stream.linear.scatter [tilespmem:s20], [sflag:$0x3], $0x4000, $0x38;
	[tilespmem:$0x1E800] =	vst v63  }
0xd3: {  	_ =	swait.ge [sflag:s21], $0x4000  }
0xd4: {  	[sflag:s21] =	ssyncset.done $0x0  }
0xd5: {  	[sflag:s21] =	ssyncadd.s32 $0xFFFFC000  }
0xd6: {  	[tilespmem:s20], [sflag:$0x3] =	stream.linear.gather [spmem:s6], $0x4000, $0x38;
	[tilespmem:$0x1E800] =	vst v63  }
0xd7: {  	_ =	swait.ge [sflag:s21], $0x4000  }
0xd8: {  	[sflag:s21] =	ssyncset.done $0x0  }
0xd9: {  	[sflag:s21] =	ssyncadd.s32 $0xFFFFC000  }
0xda: {  	[hbm4b:s15+s2] =	stream.linear.scatter [tilespmem:s20], [sflag:$0x3], $0x4000, $0x38;
	[tilespmem:$0x1E800] =	vst v63  }
0xdb: {  	_ =	swait.ge [sflag:s21], $0x4000  }
0xdc: {  	[sflag:s21] =	ssyncset.done $0x0  }
0xdd: {  	[sflag:s21] =	ssyncadd.s32 $0xFFFFC000  }
0xde: {  	[tilespmem:s20], [sflag:$0x3] =	stream.linear.gather [spmem:s7], $0x4000, $0x38;
	[tilespmem:$0x1E800] =	vst v63  }
0xdf: {  	_ =	swait.ge [sflag:s21], $0x4000  }
0xe0: {  	[sflag:s21] =	ssyncset.done $0x0  }
0xe1: {  	[sflag:s21] =	ssyncadd.s32 $0xFFFFC000  }
0xe2: {  	[hbm4b:s16+s2] =	stream.linear.scatter [tilespmem:s20], [sflag:$0x3], $0x4000, $0x38;
	[tilespmem:$0x1E800] =	vst v63  }
0xe3: {  	_ =	swait.ge [sflag:s21], $0x4000  }
0xe4: {  	[sflag:s21] =	ssyncset.done $0x0  }
0xe5: {  	[sflag:s21] =	ssyncadd.s32 $0xFFFFC000  }
0xe6: {  	[tilespmem:s20], [sflag:$0x3] =	stream.linear.gather [spmem:s8], $0x4000, $0x38;
	[tilespmem:$0x1E800] =	vst v63  }
0xe7: {  	_ =	swait.ge [sflag:s21], $0x4000  }
0xe8: {  	[sflag:s21] =	ssyncset.done $0x0  }
0xe9: {  	[sflag:s21] =	ssyncadd.s32 $0xFFFFC000  }
0xea: {  	[hbm4b:s17+s2] =	stream.linear.scatter [tilespmem:s20], [sflag:$0x3], $0x4000, $0x38;
	[tilespmem:$0x1E800] =	vst v63  }
0xeb: {  	_ =	swait.ge [sflag:s21], $0x4000  }
0xec: {  	[sflag:s21] =	ssyncset.done $0x0  }
0xed: {  	[sflag:s21] =	ssyncadd.s32 $0xFFFFC000  }
0xee: {  	[tilespmem:s20], [sflag:$0x3] =	stream.linear.gather [spmem:s9], $0x4000, $0x38;
	[tilespmem:$0x1E800] =	vst v63  }
0xef: {  	s31 =	sadd.s32 $0x1, s31;
	_ =	swait.ge [sflag:s21], $0x4000  }
0xf0: {  	p0 =	sne.s32 s31, s19;
	[sflag:s21] =	ssyncset.done $0x0  }
.Ltmp3:
0xf1: {  	[sflag:s21] =	ssyncadd.s32 $0xFFFFC000;
	(pc) =	sbr.rel @p0 .LBB2_1-.Ltmp3, $4  }
0xf2: {  	[hbm4b:s18+s2] =	stream.linear.scatter [tilespmem:s20], [sflag:$0x3], $0x4000, $0x38;
	[tilespmem:$0x1E800] =	vst v63  }
0xf3: {  	_ =	swait.ge [sflag:s21], $0x4000  }
0xf4: {  	[sflag:s21] =	ssyncset.done $0x0  }
0xf5: {  	[sflag:s21] =	ssyncadd.s32 $0xFFFFC000  }
0xf6: {  	_ =	sfence.sel $0x180000  }
0xf7: {  	[bflag:$0x0] =	sbarrier.arrive $0xFFFF  }
0xf8: {  	_ =	strace $0x9000004D  }
0xf9: {  	s0 =	stileid.u32;
	[bflag:$0x2] =	sbarrier.arrive $0xFFFF  }
0xfa: {  	p0 =	sne.s32 s0, $0x0;
	s0 =	rddreg [dreg:$0x2]  }
0xfb: {  	s0 =	sadd.s32 @!p0 $0x100000, s0  }
0xfc: {  	[sflag:s0] =	ssyncadd.tile.s32 @!p0 $0x1;
	_ =	shalt  }
.Lfunc_end2:
_tile_overlayer_lowered:
.L_overlay_start_2:
0xfd: {  	(tag) =	ssettag $0x2  }
0xfe: {  	s0 =	rddreg [dreg:$0x0];
	s2 =	stileid.u32  }
0xff: {  	s1 =	rddreg [dreg:$0x1];
	p0 =	sne.s32 s2, $0x0  }
0x100: {  	s3 =	rddreg [dreg:$0x2];
	[bflag:$0x3] =	sbarrier.arrive $0xFFFF;
	s2 =	simm.s32 @!p0 $0x1C03  }
0x101: {  	[timem:s3], [sflag:s2] =	dma.local @!p0 [hbm:s0], s1  }
0x102: {  	s0 =	simm.s32 @!p0 $0x3  }
0x103: {  	_ =	swait.ge @!p0 [sflag:s0], s1  }
0x104: {  	s1 =	ssub.s32 @!p0 $0x0, s1;
	[sflag:s0] =	ssyncset.done @!p0 $0x0  }
0x105: {  	[sflag:s0] =	ssyncadd.s32 @!p0 s1  }
0x106: {  	[bflag:$0x3] =	sbarrier.arrive $0xFFFF  }
0x107: {  	_ =	shalt  }

// kernel: kernel.8.cloned.1.call-start
scs
__scs_entry_jumppad:
0x0: {  	(pc) =	sbr.rel $0x88, $3  }
0x1: {  	(tag) =	ssettag $0x0;
	lr =	simm.s32 $0x1  }
0x2: {  	[smem:$0x3F9A] =	sst lr;
	_ =	strace $0xD0000000  }
0x3: {  	_ = 	snop  }
0x4: {  	_ = 	snop  }
0x5: {  	_ = 	snop  }
0x6: {  	_ = 	snop  }
0x7: {  	_ = 	snop  }
__scs_overlays_trampoline_lowered:
0x8: {  	[smem:$0x3FA9] =	sst s0  }
0x9: {  	[smem:$0x3FAA] =	sst s1  }
0xa: {  	[smem:$0x3FAB] =	sst s2  }
0xb: {  	[smem:$0x3FAC] =	sst s3  }
0xc: {  	[smem:$0x3FAD] =	sst s4  }
0xd: {  	[smem:$0x3FAE] =	sst s5  }
0xe: {  	[smem:$0x3FAF] =	sst s6  }
0xf: {  	[smem:$0x3FB0] =	sst s7  }
0x10: {  	[smem:$0x3FB1] =	sst s8  }
0x11: {  	[smem:$0x3FB2] =	sst s9;
	s0 =	simm.s32 @!p0 $0x0  }
0x12: {  	s1 =	sld [smem:$0x3F98];
	s0 =	simm.s32 @p0 $0x1  }
0x13: {  	[smem:$0x3FB3] =	sst s0;
	s0 =	simm.s32 @!p1 $0x0  }
0x14: {  	s2 =	sld [smem:$0x3F97];
	s0 =	simm.s32 @p1 $0x1  }
0x15: {  	[smem:$0x3FB4] =	sst s0;
	s0 =	simm.s32 @!p2 $0x0  }
0x16: {  	s3 =	sld [smem:$0x3FDB];
	s0 =	simm.s32 @p2 $0x1  }
0x17: {  	s4 =	simm.s32 $0x1BF5;
	[smem:$0x3FB6] =	sst s0  }
0x18: {  	s0 =	sld [smem:$0x3F99];
	_ =	swait.ge [sflag:s4], $0x0  }
0x19: {  	s7 =	sld [smem:$0x3F9A]  }
0x1a: {  	s8 =	sadd.s32 $0xFFFFE003, lr  }
0x1b: {  	s9 =	sadd.s32 $0xFFFFFEF7, lr;
	s5 =	simm.s32 $0xFFFFFFFF;
	p2 =	slt.u32 s8, $0xFFFFF086  }
0x1c: {  	p1 =	slt.u32 s9, $0xF7A;
	s5 =	simm.s32 @!p2 $0x0  }
0x1d: {  	s5 =	simm.s32 @p1 $0x1;
	p0 =	seq.s32 s7, s2  }
0x1e: {  	s7 =	smul.u32 @!p0 $0xF7A, s2;
	p2 =	seq.s32 @!p0 s5, $0x0  }
0x1f: {  	s9 =	smul.u32 $0xF7A, s1;
	s8 =	simm.s32 @!p0 $0x1BF5;
	p2 =	por !p2, p0  }
0x20: {  	[sflag:s8] =	ssyncset.s32 @!p0 $0xFFFFF086;
	s6 =	sadd.s32 @!p0 s3, s7;
	s7 =	simm.s32 @!p0 $0x108  }
0x21: {  	s3 =	sadd.s32 s3, s9;
	s6 =	sadd.s32 @!p0 $0x88, s6;
	s7 =	simm.s32 @p2 $0x1082  }
0x22: {  	[simem:s7], [sflag:s8] =	dma.local @!p0 [hbm:s6], $0xF7A  }
0x23: {  	s9 =	sor.u32 $0xD0000000, s2;
	s6 =	simm.s32 $0x108;
	_ =	swait.ge @!p0 [sflag:s8], $0x0  }
0x24: {  	s3 =	sadd.s32 $0x88, s3;
	s6 =	simm.s32 @!p1 $0x1082;
	[sflag:s4] =	ssyncset.s32 $0xFFFFF086  }
0x25: {  	[simem:s6], [sflag:s4] =	dma.local [hbm:s3], $0xF7A  }
0x26: {  	[smem:$0x3F9A] =	sst s1;
	(tag) =	ssettag s2;
	_ =	strace s9  }
0x27: {  	s1 =	sld [smem:$0x3FAA]  }
0x28: {  	s2 =	sld [smem:$0x3FAB]  }
0x29: {  	s4 =	sld [smem:$0x3FAD]  }
0x2a: {  	p0 =	seq.s32 s5, $0x0;
	s5 =	sld [smem:$0x3FAE]  }
0x2b: {  	s6 =	sld [smem:$0x3FAF]  }
0x2c: {  	s7 =	sld [smem:$0x3FB0]  }
0x2d: {  	s3 =	simm.s32 $0x108;
	s8 =	sld [smem:$0x3FB1]  }
0x2e: {  	s3 =	simm.s32 @!p0 $0x1082;
	s9 =	sld [smem:$0x3FB2]  }
0x2f: {  	lr =	sadd.s32 s0, s3;
	s0 =	sld [smem:$0x3FA9]  }
0x30: {  	s3 =	sld [smem:$0x3FAC]  }
0x31: {  	[smem:$0x3FB5] =	sst s10  }
0x32: {  	s10 =	sld [smem:$0x3FB3];
	_ =	sdelay $0x3  }
0x33: {  	p0 =	seq.s32 s10, $0x1;
	s10 =	sld [smem:$0x3FB5];
	_ =	sdelay $0x3  }
0x34: {  	[smem:$0x3FB5] =	sst s10  }
0x35: {  	s10 =	sld [smem:$0x3FB4];
	_ =	sdelay $0x3  }
0x36: {  	p1 =	seq.s32 s10, $0x1;
	s10 =	sld [smem:$0x3FB5];
	_ =	sdelay $0x3  }
0x37: {  	[smem:$0x3FB5] =	sst s10  }
0x38: {  	s10 =	sld [smem:$0x3FB6]  }
0x39: {  	_ = 	snop;
	(pc) =	sbr.ind lr, $3  }
0x3a: {  	_ = 	snop  }
0x3b: {  	_ = 	snop  }
0x3c: {  	p2 =	seq.s32 s10, $0x1;
	s10 =	sld [smem:$0x3FB5]  }
0x3d: {  	_ =	shalt  }
0x3e: {  	_ =	shalt  }
0x3f: {  	_ =	shalt  }
0x40: {  	_ =	shalt  }
0x41: {  	_ =	shalt  }
0x42: {  	_ =	shalt  }
0x43: {  	_ =	shalt  }
0x44: {  	_ =	shalt  }
0x45: {  	_ =	shalt  }
0x46: {  	_ =	shalt  }
0x47: {  	_ =	shalt  }
0x48: {  	_ =	shalt  }
0x49: {  	_ =	shalt  }
0x4a: {  	_ =	shalt  }
0x4b: {  	_ =	shalt  }
0x4c: {  	_ =	shalt  }
0x4d: {  	_ =	shalt  }
0x4e: {  	_ =	shalt  }
0x4f: {  	_ =	shalt  }
0x50: {  	_ =	shalt  }
0x51: {  	_ =	shalt  }
0x52: {  	_ =	shalt  }
0x53: {  	_ =	shalt  }
0x54: {  	_ =	shalt  }
0x55: {  	_ =	shalt  }
0x56: {  	_ =	shalt  }
0x57: {  	_ =	shalt  }
0x58: {  	_ =	shalt  }
0x59: {  	_ =	shalt  }
0x5a: {  	_ =	shalt  }
0x5b: {  	_ =	shalt  }
0x5c: {  	_ =	shalt  }
0x5d: {  	_ =	shalt  }
0x5e: {  	_ =	shalt  }
0x5f: {  	_ =	shalt  }
0x60: {  	_ =	shalt  }
0x61: {  	_ =	shalt  }
0x62: {  	_ =	shalt  }
0x63: {  	_ =	shalt  }
0x64: {  	_ =	shalt  }
0x65: {  	_ =	shalt  }
0x66: {  	_ =	shalt  }
0x67: {  	_ =	shalt  }
0x68: {  	_ =	shalt  }
0x69: {  	_ =	shalt  }
0x6a: {  	_ =	shalt  }
0x6b: {  	_ =	shalt  }
0x6c: {  	_ =	shalt  }
0x6d: {  	_ =	shalt  }
0x6e: {  	_ =	shalt  }
0x6f: {  	_ =	shalt  }
0x70: {  	_ =	shalt  }
0x71: {  	_ =	shalt  }
0x72: {  	_ =	shalt  }
0x73: {  	_ =	shalt  }
0x74: {  	_ =	shalt  }
0x75: {  	_ =	shalt  }
0x76: {  	_ =	shalt  }
0x77: {  	_ =	shalt  }
0x78: {  	_ =	shalt  }
0x79: {  	_ =	shalt  }
0x7a: {  	_ =	shalt  }
0x7b: {  	_ =	shalt  }
0x7c: {  	_ =	shalt  }
0x7d: {  	_ =	shalt  }
0x7e: {  	_ =	shalt  }
0x7f: {  	_ =	shalt  }
0x80: {  	_ =	shalt  }
0x81: {  	_ =	shalt  }
0x82: {  	_ =	shalt  }
0x83: {  	_ =	shalt  }
0x84: {  	_ =	shalt  }
0x85: {  	_ =	shalt  }
0x86: {  	_ =	shalt  }
0x87: {  	_ =	shalt  }
.Lfunc_end0:
.L_simem_size_0:
called_computation_lowered:
.L_overlay_start_0:
0x88: {  	s2 =	sld [smem:$0x3FD9]  }
0x89: {  	s3 =	sld [smem:$0x3FFE];
	_ =	sdelay $0x1  }
0x8a: {  	s1 =	srdreg.scid  }
0x8b: {  	s0 =	sand.u32 $0x1, s1  }
0x8c: {  	s16 =	sshll.u32 s0, $0xA;
	s2 =	sadd.s32 s3, s2  }
0x8d: {  	s2 =	sadd.s32 s2, s16  }
0x8e: {  	[smem:$0x3FC1] =	sst s2  }
0x8f: {  	_ = 	snop  }
0x90: {  	(tm) =	ssettm $0x1  }
0x91: {  	s17 =	sld [smem:$0x3FFB];
	_ =	sdelay $0x3  }
0x92: {  	_ =	strace s17  }
0x93: {  	s2 =	sld [smem:$0x3FFC];
	_ =	sdelay $0x3  }
0x94: {  	_ =	strace s2  }
0x95: {  	s2 =	sld [smem:$0x3FFD];
	_ =	sdelay $0x3  }
0x96: {  	_ =	strace s2  }
0x97: {  	_ =	strace $0x8FFFFFFF  }
0x98: {  	s18 =	sld [smem:$0x3FDB];
	_ =	sdelay $0x1  }
0x99: {  	s19 =	simm.s32 $_scs_section_size  }
0x9a: {  	s4 =	simm.s32 $_size__tile_overlayer_lowered;
	s5 =	simm.s32 $_tile_overlayer_lowered  }
0x9b: {  	s22 =	simm.s32 $0x1BFF;
	s21 =	sshll.u32 s5, $0x1;
	s2 =	sadd.s32 s19, s18  }
0x9c: {  	s6 =	simm.s32 $0x0;
	s20 =	sshll.u32 s4, $0x1;
	s4 =	sadd.s32 s21, s2  }
0x9d: {  	[timem:s6], [sflag:s22] =	dma.local [hbm:s4], s20  }
0x9e: {  	_ =	swait.ge [sflag:s22], s20  }
0x9f: {  	s3 =	ssub.s32 $0x0, s20;
	[sflag:s22] =	ssyncset.done $0x0  }
0xa0: {  	[sflag:s22] =	ssyncadd.s32 s3;
	_ =	sdelay $0x1  }
0xa1: {  	s23 =	simm.s32 $0x1B8B  }
0xa2: {  	_ =	swait.ge [sflag:s23], $0x1  }
0xa3: {  	[sflag:s23] =	ssyncset.done $0x0  }
0xa4: {  	s25 =	simm.s32 $0x1B8E;
	s24 =	sld [smem:$0x3FFE];
	[sflag:s23] =	ssyncadd.s32 $0xFFFFFFFF  }
0xa5: {  	s26 =	simm.s32 $execute0_lowered;
	[smem:$0x3FD2] =	sst s25  }
0xa6: {  	s4 =	sshll.u32 s26, $0x1;
	_ =	strace $0x80000046;
	[dreg:$0x1] =	wrdreg $0xFFFFFFFF  }
0xa7: {  	s28 =	simm.s32 $_size_execute0_lowered;
	s2 =	sadd.s32 s2, s4;
	[dreg:$0x0] =	wrdreg $0x0  }
0xa8: {  	s4 =	sshll.u32 s28, $0x1;
	[dreg:$0x2] =	wrdreg s2  }
0xa9: {  	[dreg:$0x3] =	wrdreg s4  }
0xaa: {  	[dreg:$0x4] =	wrdreg $0xC0  }
0xab: {  	_ =	task [dreg:s6], $0x5FFFF  }
0xac: {  	[dreg:$0x1] =	wrdreg $0xFFFFFFFF  }
0xad: {  	[dreg:$0x0] =	wrdreg $0x60  }
0xae: {  	[dreg:$0x2] =	wrdreg s24  }
0xaf: {  	[dreg:$0x3] =	wrdreg $0x9  }
0xb0: {  	_ =	task.clear_ibuf [dreg:s6], $0x4FFFF;
	_ =	strace $0x90000046  }
0xb1: {  	s29 =	simm.s32 $0x9;
	_ =	strace $0x80000048  }
0xb2: {  	_ =	swait.ge [sflag:s29], $0x1  }
0xb3: {  	[sflag:s29] =	ssyncadd.s32 $0xFFFFFFFF  }
0xb4: {  	_ =	strace $0x90000048  }
0xb5: {  	_ =	sfence  }
0xb6: {  	s30 =	sld [smem:$0x0];
	_ =	sdelay $0x2  }
0xb7: {  	s31 =	sshll.u32 s1, $0xD;
	s1 =	sshrl.u32 s1, $0x2  }
0xb8: {  	s3 =	sand.u32 $0x4000, s31;
	s1 =	sadd.s32 s1, s30  }
0xb9: {  	s0 =	sor.u32 s3, s0;
	s1 =	sshll.u32 s1, $0x11  }
0xba: {  	s0 =	sor.u32 s1, s0  }
0xbb: {  	s0 =	sadd.s32 $0x8F2B, s0  }
0xbc: {  	[sflag:s0] =	ssyncadd.remote.s32 $0x1  }
0xbd: {  	_ =	sfence.sel $0xFFFF  }
0xbe: {  	[dreg:$0x0] =	wrdreg $0xFFFFFFFF;
	(pc) =	sbr.abs _section_cstart, $3  }
0xbf: {  	[dreg:$0x1] =	wrdreg $0xFFFFFFFF  }
0xc0: {  	_ =	task.clear_ibuf [dreg:s6], $0x2FFFF;
	_ =	strace $0x9FFFFFFF  }
0xc1: {  	(tm) =	ssettm $0x7FFFFFFF  }
tec
execute0_lowered:
.L_overlay_start_1:
0x0: {  	(tag) =	ssettag $0x1  }
0x1: {  	s0 =	srdreg.scid  }
0x2: {  	s3 =	sand.u32 $0x1, s0  }
0x3: {  	s4 =	rddreg [dreg:$0x0];
	s0 =	stileid.u32;
	s1 =	sshll.u32 s3, $0x4  }
0x4: {  	s2 =	simm.s32 $0x0;
	s8 =	simm.s32 $0x80;
	s5 =	sor.u32 s0, s1  }
0x5: {  	s9 =	simm.s32 $0x400;
	[smem:$0x7FF] =	sst s2;
	s6 =	sshrl.u32 s5, $0x3  }
0x6: {  	s7 =	sshll.u32 s0, $0x7;
	s3 =	ssub.s32 $0x2, s3;
	s6 =	smul.u32 $0x14000, s6  }
0x7: {  	s1 =	rddreg [dreg:$0x1];
	s7 =	sand.u32 $0x380, s7;
	s5 =	smul.u32 $0x500, s5  }
0x8: {  	_ =	strace $0x80000047;
	s30 =	sshrl.u32 s3, $0x1;
	s6 =	sor.u32 s7, s6  }
0x9: {  	s31 =	ssub.s32 s3, s30;
	s5 =	sadd.s32 s5, s4;
	s6 =	sshrl.u32 s6, $0x3  }
0xa: {  	s3 =	sadd.s32 $0x2C00, s5;
	s5 =	smax.u32 s31, $0x1;
	s4 =	sadd.s32 s6, s4  }
0xb: {  	v0 =	vimm.f32 $0.0e+00;
	v1 =	vimm.f32 $1.000000000e+00;
	s7 =	simm.s32 $0x2800;
	s6 =	simm.s32 $0x1;
	s4 =	sadd.s32 $0xCC00, s4  }
.LBB2_1:
0xc: {  	s10 =	simm.s32 $0x40;
	s11 =	simm.s32 $0x0  }
.LBB2_2:
0xd: {  	p0 =	sne.s32 s10, $0x9FC0;
	[tilespmem:s11+$0x2800] =	vst v0;
	s11 =	smov.u32 s10;
	s10 =	sadd.s32 $0x40, s10  }
.Ltmp0:
0xe: {  	(pc) =	sbr.rel @p0 .LBB2_2-.Ltmp0, $2  }
0xf: {  	_ =	sdelay $0x2  }
0x10: {  	s11 =	sshra.s32 s11, $0x2  }
0x11: {  	[tilespmem:s11+$0x2800] =	vst v0;
	s10 =	simm.s32 $0x0  }
0x12: {  	[tilespmem:s10], [sflag:$0x1] =	stream.linear.gather [hbm4b:s3+s10], $0x2800, $0x38;
	[tilespmem:$0x5000] =	vst v63  }
0x13: {  	_ =	swait.ge [sflag:s6], $0x2800  }
0x14: {  	[sflag:s6] =	ssyncset.done $0x0  }
0x15: {  	s11 =	simm.s32 $0x0;
	s10 =	simm.s32 $0x40;
	[sflag:s6] =	ssyncadd.s32 $0xFFFFD800  }
.LBB2_4:
0x16: {  	p0 =	sne.s32 s10, $0x9FC0;
	v2 =	vld [tilespmem:s11+$0x0];
	_ =	sdelay $0x3  }
.Ltmp1:
0x17: {  	(pc) =	sbr.rel @p0 .LBB2_4-.Ltmp1, $2  }
0x18: {  	_ =	sdelay $0x2  }
0x19: {  	s11 =	sshra.s32 s10, $0x2;
	s10 =	sadd.s32 $0x40, s10;
	[tilespmem:v2+s7+$0x0] =	vst.idx.add.f32.msk $0xffff, v1  }
0x1a: {  	v2 =	vld [tilespmem:s11+$0x0];
	_ =	sdelay $0x5  }
0x1b: {  	s2 =	sadd.s32 $0x1, s2  }
0x1c: {  	p0 =	sne.s32 s2, s5  }
.Ltmp2:
0x1d: {  	[tilespmem:v2+s7+$0x0] =	vst.idx.add.f32.msk $0xffff, v1;
	(pc) =	sbr.rel @p0 .LBB2_1-.Ltmp2, $4  }
0x1e: {  	[hbm4b:s4+s8] =	stream.strided.scatter [tilespmem:s7], [sflag:$0x1], $0x2800, s9, s8, $0x38;
	[tilespmem:$0x5000] =	vst v63  }
0x1f: {  	_ =	swait.ge [sflag:s6], $0x2800  }
0x20: {  	[sflag:s6] =	ssyncset.done $0x0  }
0x21: {  	[sflag:s6] =	ssyncadd.s32 $0xFFFFD800  }
0x22: {  	_ =	sfence.sel $0x180000  }
0x23: {  	[bflag:$0x0] =	sbarrier.arrive $0xFFFF  }
0x24: {  	p0 =	sne.s32 s0, $0x0;
	_ =	strace $0x90000047  }
0x25: {  	s0 =	sadd.s32 @!p0 $0x100000, s1;
	[bflag:$0x2] =	sbarrier.arrive $0xFFFF  }
0x26: {  	[sflag:s0] =	ssyncadd.tile.s32 @!p0 $0x1;
	_ =	shalt  }
.Lfunc_end2:
_tile_overlayer_lowered:
.L_overlay_start_2:
0x27: {  	(tag) =	ssettag $0x2  }
0x28: {  	s0 =	rddreg [dreg:$0x0];
	s2 =	stileid.u32  }
0x29: {  	s1 =	rddreg [dreg:$0x1];
	p0 =	sne.s32 s2, $0x0  }
0x2a: {  	s3 =	rddreg [dreg:$0x2];
	[bflag:$0x3] =	sbarrier.arrive $0xFFFF;
	s2 =	simm.s32 @!p0 $0x1C01  }
0x2b: {  	[timem:s3], [sflag:s2] =	dma.local @!p0 [hbm:s0], s1  }
0x2c: {  	s0 =	simm.s32 @!p0 $0x1  }
0x2d: {  	_ =	swait.ge @!p0 [sflag:s0], s1  }
0x2e: {  	s1 =	ssub.s32 @!p0 $0x0, s1;
	[sflag:s0] =	ssyncset.done @!p0 $0x0  }
0x2f: {  	[sflag:s0] =	ssyncadd.s32 @!p0 s1  }
0x30: {  	[bflag:$0x3] =	sbarrier.arrive $0xFFFF  }
0x31: {  	_ =	shalt  }

</sc_bundles>
